<compile_context>
chip_gen: v7x
topology: tpu7x:2x2x1
jax: 0.10.2.dev20260603
libtpu: 0.0.44.dev20260713+nightly
codegen_flags: <defaults>
</compile_context>

<pallas_src>
import functools

import jax
import jax.numpy as jnp
from jax import lax
from jax.experimental import pallas as pl
from jax.experimental.pallas import tpu as pltpu
from jax.experimental.pallas import tpu_sc as plsc

NC = 2
NS = 16
LANES = 16


def _sc_coeff_kernel(nnz, n_acc):
    cnt_a = nnz // NS
    cnt_b = nnz // (NC * NS)
    naq = 2
    aq = cnt_a // naq
    zslice = n_acc // NS
    mesh = plsc.VectorSubcoreMesh(core_axis_name="c", subcore_axis_name="s")

    @functools.partial(
        pl.kernel,
        out_type=jax.ShapeDtypeStruct((NC, n_acc), jnp.float32),
        mesh=mesh,
        scratch_types=[
            pltpu.VMEM((cnt_a,), jnp.float32),
            pltpu.VMEM((cnt_a,), jnp.int32),
            pltpu.VMEM((cnt_b,), jnp.int32),
            pltpu.VMEM((cnt_b,), jnp.float32),
            pltpu.VMEM((cnt_b,), jnp.float32),
            pltpu.VMEM((n_acc,), jnp.float32),
            pltpu.VMEM_SHARED((n_acc,), jnp.float32),
            pltpu.VMEM_SHARED((n_acc,), jnp.float32),
        ] + [pltpu.SemaphoreType.DMA] * 17,
    )
    def sc_kernel(seg_hbm, val_hbm, idx_hbm, out_hbm,
                  v_ref, s_ref, i_ref, w_ref, g_ref, dloc,
                  denom_sp, c_sp, sem_v, sem_s, sem_i, sem_g, sem_w,
                  *sem_a):
        cid = lax.axis_index("c")
        sid = lax.axis_index("s")
        lbase = cid * cnt_b
        gbase = sid * cnt_a + cid * cnt_b
        abase = sid * cnt_a

        ld_v = [pltpu.async_copy(val_hbm.at[pl.ds(abase + q * aq, aq)],
                                 v_ref.at[pl.ds(q * aq, aq)], sem_a[q])
                for q in range(naq)]
        ld_s = [pltpu.async_copy(seg_hbm.at[pl.ds(abase + q * aq, aq)],
                                 s_ref.at[pl.ds(q * aq, aq)], sem_a[naq + q])
                for q in range(naq)]
        ld_i = pltpu.async_copy(idx_hbm.at[pl.ds(gbase, cnt_b)], i_ref, sem_i)

        def zb(i, carry):
            dloc[pl.ds(i * LANES, LANES)] = jnp.zeros((LANES,), jnp.float32)
            return carry
        lax.fori_loop(0, zslice // LANES, zb, 0)
        pltpu.sync_copy(dloc.at[pl.ds(0, zslice)], denom_sp.at[pl.ds(sid * zslice, zslice)])
        pltpu.sync_copy(dloc.at[pl.ds(0, zslice)], c_sp.at[pl.ds(sid * zslice, zslice)])

        plsc.subcore_barrier()

        scs = []
        for q in range(naq):
            ld_v[q].wait()
            ld_s[q].wait()
            scs.append(pltpu.async_copy(
                v_ref.at[pl.ds(q * aq, aq)],
                denom_sp.at[s_ref.at[pl.ds(q * aq, aq)]], sem_a[2 * naq + q],
                add=True))
        for dsc in scs:
            dsc.wait()

        plsc.subcore_barrier()

        pltpu.sync_copy(denom_sp.at[pl.ds(sid * zslice, zslice)], dloc.at[pl.ds(0, zslice)])

        def rrow(t, carry):
            sl = pl.ds(t * LANES, LANES)
            dloc[sl] = 1.0 / dloc[sl]
            return carry
        lax.fori_loop(0, zslice // LANES, rrow, 0)
        pltpu.sync_copy(dloc.at[pl.ds(0, zslice)], denom_sp.at[pl.ds(sid * zslice, zslice)])

        plsc.subcore_barrier()

        ld_i.wait()
        nch = 25
        csz = cnt_b // nch
        scats = []
        gat = pltpu.async_copy(
            denom_sp.at[s_ref.at[pl.ds(lbase, csz)]],
            g_ref.at[pl.ds(0, csz)], sem_g)
        for ch in range(nch):
            gat.wait()
            if ch + 1 < nch:
                gat = pltpu.async_copy(
                    denom_sp.at[s_ref.at[pl.ds(lbase + (ch + 1) * csz, csz)]],
                    g_ref.at[pl.ds((ch + 1) * csz, csz)], sem_g)
            base = ch * csz

            def wrow(t, carry, base=base):
                sl = pl.ds(base + t * LANES, LANES)
                w_ref[sl] = v_ref[pl.ds(lbase + base + t * LANES, LANES)] * g_ref[sl]
                return carry
            lax.fori_loop(0, csz // LANES, wrow, 0)
            scats.append(pltpu.async_copy(
                w_ref.at[pl.ds(base, csz)],
                c_sp.at[i_ref.at[pl.ds(base, csz)]], sem_w, add=True))
        for dsc in scats:
            dsc.wait()

        plsc.subcore_barrier()

        @pl.when(sid == 0)
        def _out():
            pltpu.sync_copy(c_sp, dloc)
            pltpu.sync_copy(dloc, out_hbm.at[cid])

    return sc_kernel


def _tc_matvec(n, l_ref, c_ref, f_ref, out_ref):
    cc = c_ref[0:1, 0:n] + c_ref[1:2, 0:n]
    acc = jnp.dot(cc, f_ref[...], preferred_element_type=jnp.float32)
    out_ref[...] = acc * (1.0 / l_ref[0, 0].astype(jnp.float32))


def kernel(feature, indices, values, segment_ids, index_length):
    n, d = feature.shape
    nnz = indices.shape[0]
    n_acc = ((n + NS * LANES - 1) // (NS * LANES)) * (NS * LANES)

    c_part = _sc_coeff_kernel(nnz, n_acc)(segment_ids, values, indices)

    lraw = jnp.reshape(jnp.asarray(index_length, jnp.int32), (1, 1))
    out = pl.pallas_call(
        functools.partial(_tc_matvec, n),
        out_shape=jax.ShapeDtypeStruct((1, d), jnp.float32),
        in_specs=[
            pl.BlockSpec(memory_space=pltpu.SMEM),
            pl.BlockSpec(memory_space=pltpu.VMEM),
            pl.BlockSpec(memory_space=pltpu.VMEM),
        ],
    )(lraw, c_part, feature)

    return out.reshape(d)

# --- scband reference (transcript-rebuilt; emitter-appended) ---
"""Pipeline reference for scband-extract-overall-81819126988983 (READ-ONLY COPY).

The authoritative reference and input builder live on the scoring server;
editing this copy changes nothing except your own understanding.
"""

import jax, jax.numpy as jnp
import numpy as np


def setup_inputs(seed: int = 0) -> dict:
    key = jax.random.key(seed)
    k1, k2, k3, k4 = jax.random.split(key, 4)
    N = 10000      # number of feature rows (n_nodes)
    d = 128        # hidden_dim
    nnz = 320000   # total sparse entries across all rows of rated_adj
    L = 10000      # index_length (number of sparse rows / segments)
    feature = jax.random.normal(k1, (N, d), dtype=jnp.float32)
    indices = jax.random.randint(k2, (nnz,), 0, N, dtype=jnp.int32)
    values = jax.random.uniform(k3, (nnz,), dtype=jnp.float32)
    segment_ids = jnp.sort(jax.random.randint(k4, (nnz,), 0, L, dtype=jnp.int32))
    return {
        "feature": feature,
        "indices": indices,
        "values": values,
        "segment_ids": segment_ids,
        "index_length": L,
    }


def reference(feature, indices, values, segment_ids, index_length):
    # Original torch module: for each sparse row `index` in rated_adj,
    #   virtual_point = sum_k values[k] * feature[indices[k]]   (weighted gather-sum)
    #   global_point += virtual_point / sum(values of that row)
    # global_point /= index_length
    # Vectorized: the batch-of-sparse-rows is flattened to COO
    # (indices, values, segment_ids) and reduced with segment_sum.
    num_segments = feature.shape[0]
    gathered = jnp.take(feature, indices, axis=0) * values[:, None]          # [nnz, d]
    virtual = jax.ops.segment_sum(gathered, segment_ids,
                                  num_segments=num_segments)                 # [L, d]
    denom = jax.ops.segment_sum(values, segment_ids,
                                num_segments=num_segments)                   # [L]
    per_row = virtual / denom[:, None]                                       # [L, d]
    global_point = jnp.sum(per_row, axis=0) / index_length                   # [d]
    return global_point

if __name__ == "__main__":
    import jax
    _d = setup_inputs()
    print(jax.jit(kernel)(*tuple(_d.values())))

</pallas_src>

<mosaic_0001>
#map = affine_map<(d0, d1) -> (0)>
#map1 = affine_map<(d0, d1) -> (0, 0)>
module attributes {stable_mosaic.version = 14 : i64} {
  func.func @sc_kernel(%arg0: i32, %arg1: i32, %arg2: memref<320000xi32, #tpu.memory_space<hbm>>, %arg3: memref<320000xf32, #tpu.memory_space<hbm>>, %arg4: memref<320000xi32, #tpu.memory_space<hbm>>, %arg5: memref<2x10240xf32, #tpu.memory_space<hbm>>, %arg6: memref<20000xf32, #tpu.memory_space<vmem>>, %arg7: memref<20000xi32, #tpu.memory_space<vmem>>, %arg8: memref<10000xi32, #tpu.memory_space<vmem>>, %arg9: memref<10000xf32, #tpu.memory_space<vmem>>, %arg10: memref<10000xf32, #tpu.memory_space<vmem>>, %arg11: memref<10240xf32, #tpu.memory_space<vmem>>, %arg12: memref<10240xf32, #tpu.memory_space<vmem_shared>>, %arg13: memref<10240xf32, #tpu.memory_space<vmem_shared>>, %arg14: memref<!tpu.dma_semaphore, #tpu.memory_space<semaphore_mem>>, %arg15: memref<!tpu.dma_semaphore, #tpu.memory_space<semaphore_mem>>, %arg16: memref<!tpu.dma_semaphore, #tpu.memory_space<semaphore_mem>>, %arg17: memref<!tpu.dma_semaphore, #tpu.memory_space<semaphore_mem>>, %arg18: memref<!tpu.dma_semaphore, #tpu.memory_space<semaphore_mem>>, %arg19: memref<!tpu.dma_semaphore, #tpu.memory_space<semaphore_mem>>, %arg20: memref<!tpu.dma_semaphore, #tpu.memory_space<semaphore_mem>>, %arg21: memref<!tpu.dma_semaphore, #tpu.memory_space<semaphore_mem>>, %arg22: memref<!tpu.dma_semaphore, #tpu.memory_space<semaphore_mem>>, %arg23: memref<!tpu.dma_semaphore, #tpu.memory_space<semaphore_mem>>, %arg24: memref<!tpu.dma_semaphore, #tpu.memory_space<semaphore_mem>>, %arg25: memref<!tpu.dma_semaphore, #tpu.memory_space<semaphore_mem>>, %arg26: memref<!tpu.dma_semaphore, #tpu.memory_space<semaphore_mem>>, %arg27: memref<!tpu.dma_semaphore, #tpu.memory_space<semaphore_mem>>, %arg28: memref<!tpu.dma_semaphore, #tpu.memory_space<semaphore_mem>>, %arg29: memref<!tpu.dma_semaphore, #tpu.memory_space<semaphore_mem>>, %arg30: memref<!tpu.dma_semaphore, #tpu.memory_space<semaphore_mem>>) attributes {dimension_semantics = [#tpu.dimension_semantics<core_parallel>, #tpu.dimension_semantics<subcore_parallel>], iteration_bounds = array<i64: 2, 16>, scalar_prefetch = 0 : i64, scratch_operands = 25 : i64, tpu.core_type = #tpu.core_type<sc_vector_subcore>, window_params = [{transform_indices = #map}, {transform_indices = #map}, {transform_indices = #map}, {transform_indices = #map1}]} {
    %mul3A = arith.constant 10000 : i32
    %mul3A_0 = arith.muli %arg0, %mul3A : i32
    %mul3A_1 = arith.constant 20000 : i32
    %mul3A_2 = arith.muli %arg1, %mul3A_1 : i32
    %mul3A_3 = arith.constant 10000 : i32
    %mul3A_4 = arith.muli %arg0, %mul3A_3 : i32
    %add3A = arith.addi %mul3A_2, %mul3A_4 : i32
    %mul3A_5 = arith.constant 20000 : i32
    %mul3A_6 = arith.muli %arg1, %mul3A_5 : i32
    %add3A_7 = arith.constant 0 : i32
    %add3A_8 = arith.addi %mul3A_6, %add3A_7 : i32
    %dma_start3A = arith.constant 0 : i32
    %dma_start3A_9 = tpu.memref_slice %arg6[%dma_start3A] : memref<20000xf32, #tpu.memory_space<vmem>> -> memref<10000xf32, #tpu.memory_space<vmem>>
    %dma_start3A_10 = tpu.memref_slice %arg3[%add3A_8] : memref<320000xf32, #tpu.memory_space<hbm>> -> memref<10000xf32, #tpu.memory_space<hbm>>
    %dma_start3A_11 = arith.constant 0 : i32
    %dma_start3A_12 = tpu.memref_slice %arg6[%dma_start3A_11] : memref<20000xf32, #tpu.memory_space<vmem>> -> memref<10000xf32, #tpu.memory_space<vmem>>
    %dma_start3A_13 = tpu.memref_slice %arg3[%add3A_8] : memref<320000xf32, #tpu.memory_space<hbm>> -> memref<10000xf32, #tpu.memory_space<hbm>>
    tpu.enqueue_dma source(%dma_start3A_13 : memref<10000xf32, #tpu.memory_space<hbm>>) target(%dma_start3A_12 : memref<10000xf32, #tpu.memory_space<vmem>>) target_semaphore(%arg19 : memref<!tpu.dma_semaphore, #tpu.memory_space<semaphore_mem>>)
    %add3A_14 = arith.constant 10000 : i32
    %add3A_15 = arith.addi %mul3A_6, %add3A_14 : i32
    %dma_start3A_16 = arith.constant 10000 : i32
    %dma_start3A_17 = tpu.memref_slice %arg6[%dma_start3A_16] : memref<20000xf32, #tpu.memory_space<vmem>> -> memref<10000xf32, #tpu.memory_space<vmem>>
    %dma_start3A_18 = tpu.memref_slice %arg3[%add3A_15] : memref<320000xf32, #tpu.memory_space<hbm>> -> memref<10000xf32, #tpu.memory_space<hbm>>
    %dma_start3A_19 = arith.constant 10000 : i32
    %dma_start3A_20 = tpu.memref_slice %arg6[%dma_start3A_19] : memref<20000xf32, #tpu.memory_space<vmem>> -> memref<10000xf32, #tpu.memory_space<vmem>>
    %dma_start3A_21 = tpu.memref_slice %arg3[%add3A_15] : memref<320000xf32, #tpu.memory_space<hbm>> -> memref<10000xf32, #tpu.memory_space<hbm>>
    tpu.enqueue_dma source(%dma_start3A_21 : memref<10000xf32, #tpu.memory_space<hbm>>) target(%dma_start3A_20 : memref<10000xf32, #tpu.memory_space<vmem>>) target_semaphore(%arg20 : memref<!tpu.dma_semaphore, #tpu.memory_space<semaphore_mem>>)
    %add3A_22 = arith.constant 0 : i32
    %add3A_23 = arith.addi %mul3A_6, %add3A_22 : i32
    %dma_start3A_24 = arith.constant 0 : i32
    %dma_start3A_25 = tpu.memref_slice %arg7[%dma_start3A_24] : memref<20000xi32, #tpu.memory_space<vmem>> -> memref<10000xi32, #tpu.memory_space<vmem>>
    %dma_start3A_26 = tpu.memref_slice %arg2[%add3A_23] : memref<320000xi32, #tpu.memory_space<hbm>> -> memref<10000xi32, #tpu.memory_space<hbm>>
    %dma_start3A_27 = arith.constant 0 : i32
    %dma_start3A_28 = tpu.memref_slice %arg7[%dma_start3A_27] : memref<20000xi32, #tpu.memory_space<vmem>> -> memref<10000xi32, #tpu.memory_space<vmem>>
    %dma_start3A_29 = tpu.memref_slice %arg2[%add3A_23] : memref<320000xi32, #tpu.memory_space<hbm>> -> memref<10000xi32, #tpu.memory_space<hbm>>
    tpu.enqueue_dma source(%dma_start3A_29 : memref<10000xi32, #tpu.memory_space<hbm>>) target(%dma_start3A_28 : memref<10000xi32, #tpu.memory_space<vmem>>) target_semaphore(%arg21 : memref<!tpu.dma_semaphore, #tpu.memory_space<semaphore_mem>>)
    %add3A_30 = arith.constant 10000 : i32
    %add3A_31 = arith.addi %mul3A_6, %add3A_30 : i32
    %dma_start3A_32 = arith.constant 10000 : i32
    %dma_start3A_33 = tpu.memref_slice %arg7[%dma_start3A_32] : memref<20000xi32, #tpu.memory_space<vmem>> -> memref<10000xi32, #tpu.memory_space<vmem>>
    %dma_start3A_34 = tpu.memref_slice %arg2[%add3A_31] : memref<320000xi32, #tpu.memory_space<hbm>> -> memref<10000xi32, #tpu.memory_space<hbm>>
    %dma_start3A_35 = arith.constant 10000 : i32
    %dma_start3A_36 = tpu.memref_slice %arg7[%dma_start3A_35] : memref<20000xi32, #tpu.memory_space<vmem>> -> memref<10000xi32, #tpu.memory_space<vmem>>
    %dma_start3A_37 = tpu.memref_slice %arg2[%add3A_31] : memref<320000xi32, #tpu.memory_space<hbm>> -> memref<10000xi32, #tpu.memory_space<hbm>>
    tpu.enqueue_dma source(%dma_start3A_37 : memref<10000xi32, #tpu.memory_space<hbm>>) target(%dma_start3A_36 : memref<10000xi32, #tpu.memory_space<vmem>>) target_semaphore(%arg22 : memref<!tpu.dma_semaphore, #tpu.memory_space<semaphore_mem>>)
    %dma_start3A_38 = tpu.memref_slice %arg4[%add3A] : memref<320000xi32, #tpu.memory_space<hbm>> -> memref<10000xi32, #tpu.memory_space<hbm>>
    %dma_start3A_39 = tpu.memref_slice %arg4[%add3A] : memref<320000xi32, #tpu.memory_space<hbm>> -> memref<10000xi32, #tpu.memory_space<hbm>>
    tpu.enqueue_dma source(%dma_start3A_39 : memref<10000xi32, #tpu.memory_space<hbm>>) target(%arg8 : memref<10000xi32, #tpu.memory_space<vmem>>) target_semaphore(%arg16 : memref<!tpu.dma_semaphore, #tpu.memory_space<semaphore_mem>>)
    %scan3A = arith.constant 0 : i32
    %scan3A_40 = arith.constant 0 : i32
    %scan3A_41 = arith.constant 40 : i32
    %scan3A_42 = arith.addi %scan3A_40, %scan3A_41 : i32
    %scan3A_43 = arith.constant 1 : i32
    scf.for %scan3A_861 = %scan3A_40 to %scan3A_42 step %scan3A_43  : i32 {
      %broadcast_in_dim3A = arith.constant 0.000000e+00 : f32
      %broadcast_in_dim3A_862 = vector.broadcast %broadcast_in_dim3A : f32 to vector<16xf32>
      %mul3A_863 = arith.constant 16 : i32
      %mul3A_864 = arith.muli %scan3A_861, %mul3A_863 : i32
      %swap3A = arith.index_cast %mul3A_864 : i32 to index
      %swap3A_865 = tpu.vector_load %arg11[%swap3A] {strides = array<i32>} : memref<10240xf32, #tpu.memory_space<vmem>>, vector<16xf32>,
      %swap3A_866 = vector.shape_cast %swap3A_865 : vector<16xf32> to vector<16xf32>
      %swap3A_867 = vector.shape_cast %broadcast_in_dim3A_862 : vector<16xf32> to vector<16xf32>
      tpu.vector_store %arg11[%swap3A], %swap3A_867 {strides = array<i32>} : memref<10240xf32, #tpu.memory_space<vmem>>, vector<16xf32>,
    }
    %scan3A_44 = arith.constant 40 : i32
    %mul3A_45 = arith.constant 640 : i32
    %mul3A_46 = arith.muli %arg1, %mul3A_45 : i32
    "tpu.region"() ({
      %run_scoped3A = tpu.sem_alloc : memref<!tpu.dma_semaphore, #tpu.memory_space<semaphore_mem>>
      %dma_start3A_861 = arith.constant 0 : i32
      %dma_start3A_862 = tpu.memref_slice %arg11[%dma_start3A_861] : memref<10240xf32, #tpu.memory_space<vmem>> -> memref<640xf32, #tpu.memory_space<vmem>>
      %dma_start3A_863 = tpu.memref_slice %arg12[%mul3A_46] : memref<10240xf32, #tpu.memory_space<vmem_shared>> -> memref<640xf32, #tpu.memory_space<vmem_shared>>
      %dma_start3A_864 = tpu.memref_slice %arg12[%mul3A_46] : memref<10240xf32, #tpu.memory_space<vmem_shared>> -> memref<640xf32, #tpu.memory_space<vmem_shared>>
      %dma_start3A_865 = arith.constant 0 : i32
      %dma_start3A_866 = tpu.memref_slice %arg11[%dma_start3A_865] : memref<10240xf32, #tpu.memory_space<vmem>> -> memref<640xf32, #tpu.memory_space<vmem>>
      tpu.enqueue_dma source(%dma_start3A_866 : memref<640xf32, #tpu.memory_space<vmem>>) target(%dma_start3A_864 : memref<640xf32, #tpu.memory_space<vmem_shared>>) target_semaphore(%run_scoped3A : memref<!tpu.dma_semaphore, #tpu.memory_space<semaphore_mem>>)
      %dma_wait3A_867 = arith.constant 0 : i32
      %dma_wait3A_868 = tpu.memref_slice %arg11[%dma_wait3A_867] : memref<10240xf32, #tpu.memory_space<vmem>> -> memref<640xf32, #tpu.memory_space<vmem>>
      %dma_wait3A_869 = tpu.memref_slice %arg12[%mul3A_46] : memref<10240xf32, #tpu.memory_space<vmem_shared>> -> memref<640xf32, #tpu.memory_space<vmem_shared>>
      %dma_wait3A_870 = tpu.memref_slice %arg12[%mul3A_46] : memref<10240xf32, #tpu.memory_space<vmem_shared>> -> memref<640xf32, #tpu.memory_space<vmem_shared>>
      %dma_wait3A_871 = arith.constant 0 : i32
      %dma_wait3A_872 = tpu.memref_slice %arg11[%dma_wait3A_871] : memref<10240xf32, #tpu.memory_space<vmem>> -> memref<640xf32, #tpu.memory_space<vmem>>
      tpu.wait_dma2 semaphore(%run_scoped3A : memref<!tpu.dma_semaphore, #tpu.memory_space<semaphore_mem>>) src(%dma_wait3A_872 : memref<640xf32, #tpu.memory_space<vmem>>) dst(%dma_wait3A_870 : memref<640xf32, #tpu.memory_space<vmem_shared>>)
      tpu.yield
    }) : () -> ()
    %mul3A_47 = arith.constant 640 : i32
    %mul3A_48 = arith.muli %arg1, %mul3A_47 : i32
    "tpu.region"() ({
      %run_scoped3A = tpu.sem_alloc : memref<!tpu.dma_semaphore, #tpu.memory_space<semaphore_mem>>
      %dma_start3A_861 = arith.constant 0 : i32
      %dma_start3A_862 = tpu.memref_slice %arg11[%dma_start3A_861] : memref<10240xf32, #tpu.memory_space<vmem>> -> memref<640xf32, #tpu.memory_space<vmem>>
      %dma_start3A_863 = tpu.memref_slice %arg13[%mul3A_48] : memref<10240xf32, #tpu.memory_space<vmem_shared>> -> memref<640xf32, #tpu.memory_space<vmem_shared>>
      %dma_start3A_864 = tpu.memref_slice %arg13[%mul3A_48] : memref<10240xf32, #tpu.memory_space<vmem_shared>> -> memref<640xf32, #tpu.memory_space<vmem_shared>>
      %dma_start3A_865 = arith.constant 0 : i32
      %dma_start3A_866 = tpu.memref_slice %arg11[%dma_start3A_865] : memref<10240xf32, #tpu.memory_space<vmem>> -> memref<640xf32, #tpu.memory_space<vmem>>
      tpu.enqueue_dma source(%dma_start3A_866 : memref<640xf32, #tpu.memory_space<vmem>>) target(%dma_start3A_864 : memref<640xf32, #tpu.memory_space<vmem_shared>>) target_semaphore(%run_scoped3A : memref<!tpu.dma_semaphore, #tpu.memory_space<semaphore_mem>>)
      %dma_wait3A_867 = arith.constant 0 : i32
      %dma_wait3A_868 = tpu.memref_slice %arg11[%dma_wait3A_867] : memref<10240xf32, #tpu.memory_space<vmem>> -> memref<640xf32, #tpu.memory_space<vmem>>
      %dma_wait3A_869 = tpu.memref_slice %arg13[%mul3A_48] : memref<10240xf32, #tpu.memory_space<vmem_shared>> -> memref<640xf32, #tpu.memory_space<vmem_shared>>
      %dma_wait3A_870 = tpu.memref_slice %arg13[%mul3A_48] : memref<10240xf32, #tpu.memory_space<vmem_shared>> -> memref<640xf32, #tpu.memory_space<vmem_shared>>
      %dma_wait3A_871 = arith.constant 0 : i32
      %dma_wait3A_872 = tpu.memref_slice %arg11[%dma_wait3A_871] : memref<10240xf32, #tpu.memory_space<vmem>> -> memref<640xf32, #tpu.memory_space<vmem>>
      tpu.wait_dma2 semaphore(%run_scoped3A : memref<!tpu.dma_semaphore, #tpu.memory_space<semaphore_mem>>) src(%dma_wait3A_872 : memref<640xf32, #tpu.memory_space<vmem>>) dst(%dma_wait3A_870 : memref<640xf32, #tpu.memory_space<vmem_shared>>)
      tpu.yield
    }) : () -> ()
    %barrier3A = arith.constant 0 : index
    tpu.barrier barrier_id(%barrier3A)
    %dma_wait3A = arith.constant 0 : i32
    %dma_wait3A_49 = tpu.memref_slice %arg6[%dma_wait3A] : memref<20000xf32, #tpu.memory_space<vmem>> -> memref<10000xf32, #tpu.memory_space<vmem>>
    %dma_wait3A_50 = tpu.memref_slice %arg3[%add3A_8] : memref<320000xf32, #tpu.memory_space<hbm>> -> memref<10000xf32, #tpu.memory_space<hbm>>
    %dma_wait3A_51 = arith.constant 0 : i32
    %dma_wait3A_52 = tpu.memref_slice %arg6[%dma_wait3A_51] : memref<20000xf32, #tpu.memory_space<vmem>> -> memref<10000xf32, #tpu.memory_space<vmem>>
    %dma_wait3A_53 = tpu.memref_slice %arg3[%add3A_8] : memref<320000xf32, #tpu.memory_space<hbm>> -> memref<10000xf32, #tpu.memory_space<hbm>>
    tpu.wait_dma2 semaphore(%arg19 : memref<!tpu.dma_semaphore, #tpu.memory_space<semaphore_mem>>) src(%dma_wait3A_53 : memref<10000xf32, #tpu.memory_space<hbm>>) dst(%dma_wait3A_52 : memref<10000xf32, #tpu.memory_space<vmem>>)
    %dma_wait3A_54 = arith.constant 0 : i32
    %dma_wait3A_55 = tpu.memref_slice %arg7[%dma_wait3A_54] : memref<20000xi32, #tpu.memory_space<vmem>> -> memref<10000xi32, #tpu.memory_space<vmem>>
    %dma_wait3A_56 = tpu.memref_slice %arg2[%add3A_23] : memref<320000xi32, #tpu.memory_space<hbm>> -> memref<10000xi32, #tpu.memory_space<hbm>>
    %dma_wait3A_57 = arith.constant 0 : i32
    %dma_wait3A_58 = tpu.memref_slice %arg7[%dma_wait3A_57] : memref<20000xi32, #tpu.memory_space<vmem>> -> memref<10000xi32, #tpu.memory_space<vmem>>
    %dma_wait3A_59 = tpu.memref_slice %arg2[%add3A_23] : memref<320000xi32, #tpu.memory_space<hbm>> -> memref<10000xi32, #tpu.memory_space<hbm>>
    tpu.wait_dma2 semaphore(%arg21 : memref<!tpu.dma_semaphore, #tpu.memory_space<semaphore_mem>>) src(%dma_wait3A_59 : memref<10000xi32, #tpu.memory_space<hbm>>) dst(%dma_wait3A_58 : memref<10000xi32, #tpu.memory_space<vmem>>)
    %dma_start3A_60 = arith.constant 0 : i32
    %dma_start3A_61 = tpu.memref_slice %arg6[%dma_start3A_60] : memref<20000xf32, #tpu.memory_space<vmem>> -> memref<10000xf32, #tpu.memory_space<vmem>>
    %dma_start3A_62 = arith.constant 0 : i32
    %dma_start3A_63 = tpu.memref_slice %arg7[%dma_start3A_62] : memref<20000xi32, #tpu.memory_space<vmem>> -> memref<10000xi32, #tpu.memory_space<vmem>>
    %dma_start3A_64 = arith.constant 0 : i32
    %dma_start3A_65 = tpu.memref_slice %arg12[%dma_start3A_64] : memref<10240xf32, #tpu.memory_space<vmem_shared>> -> memref<10240xf32, #tpu.memory_space<vmem_shared>>
    tpu.enqueue_indirect_dma source(%dma_start3A_61 : memref<10000xf32, #tpu.memory_space<vmem>>) target(%dma_start3A_65 : memref<10240xf32, #tpu.memory_space<vmem_shared>>) offsets(%dma_start3A_63 : memref<10000xi32, #tpu.memory_space<vmem>>) semaphore(%arg23 : memref<!tpu.dma_semaphore, #tpu.memory_space<semaphore_mem>>) {add = true}
    %dma_wait3A_66 = arith.constant 10000 : i32
    %dma_wait3A_67 = tpu.memref_slice %arg6[%dma_wait3A_66] : memref<20000xf32, #tpu.memory_space<vmem>> -> memref<10000xf32, #tpu.memory_space<vmem>>
    %dma_wait3A_68 = tpu.memref_slice %arg3[%add3A_15] : memref<320000xf32, #tpu.memory_space<hbm>> -> memref<10000xf32, #tpu.memory_space<hbm>>
    %dma_wait3A_69 = arith.constant 10000 : i32
    %dma_wait3A_70 = tpu.memref_slice %arg6[%dma_wait3A_69] : memref<20000xf32, #tpu.memory_space<vmem>> -> memref<10000xf32, #tpu.memory_space<vmem>>
    %dma_wait3A_71 = tpu.memref_slice %arg3[%add3A_15] : memref<320000xf32, #tpu.memory_space<hbm>> -> memref<10000xf32, #tpu.memory_space<hbm>>
    tpu.wait_dma2 semaphore(%arg20 : memref<!tpu.dma_semaphore, #tpu.memory_space<semaphore_mem>>) src(%dma_wait3A_71 : memref<10000xf32, #tpu.memory_space<hbm>>) dst(%dma_wait3A_70 : memref<10000xf32, #tpu.memory_space<vmem>>)
    %dma_wait3A_72 = arith.constant 10000 : i32
    %dma_wait3A_73 = tpu.memref_slice %arg7[%dma_wait3A_72] : memref<20000xi32, #tpu.memory_space<vmem>> -> memref<10000xi32, #tpu.memory_space<vmem>>
    %dma_wait3A_74 = tpu.memref_slice %arg2[%add3A_31] : memref<320000xi32, #tpu.memory_space<hbm>> -> memref<10000xi32, #tpu.memory_space<hbm>>
    %dma_wait3A_75 = arith.constant 10000 : i32
    %dma_wait3A_76 = tpu.memref_slice %arg7[%dma_wait3A_75] : memref<20000xi32, #tpu.memory_space<vmem>> -> memref<10000xi32, #tpu.memory_space<vmem>>
    %dma_wait3A_77 = tpu.memref_slice %arg2[%add3A_31] : memref<320000xi32, #tpu.memory_space<hbm>> -> memref<10000xi32, #tpu.memory_space<hbm>>
    tpu.wait_dma2 semaphore(%arg22 : memref<!tpu.dma_semaphore, #tpu.memory_space<semaphore_mem>>) src(%dma_wait3A_77 : memref<10000xi32, #tpu.memory_space<hbm>>) dst(%dma_wait3A_76 : memref<10000xi32, #tpu.memory_space<vmem>>)
    %dma_start3A_78 = arith.constant 10000 : i32
    %dma_start3A_79 = tpu.memref_slice %arg6[%dma_start3A_78] : memref<20000xf32, #tpu.memory_space<vmem>> -> memref<10000xf32, #tpu.memory_space<vmem>>
    %dma_start3A_80 = arith.constant 10000 : i32
    %dma_start3A_81 = tpu.memref_slice %arg7[%dma_start3A_80] : memref<20000xi32, #tpu.memory_space<vmem>> -> memref<10000xi32, #tpu.memory_space<vmem>>
    %dma_start3A_82 = arith.constant 0 : i32
    %dma_start3A_83 = tpu.memref_slice %arg12[%dma_start3A_82] : memref<10240xf32, #tpu.memory_space<vmem_shared>> -> memref<10240xf32, #tpu.memory_space<vmem_shared>>
    tpu.enqueue_indirect_dma source(%dma_start3A_79 : memref<10000xf32, #tpu.memory_space<vmem>>) target(%dma_start3A_83 : memref<10240xf32, #tpu.memory_space<vmem_shared>>) offsets(%dma_start3A_81 : memref<10000xi32, #tpu.memory_space<vmem>>) semaphore(%arg24 : memref<!tpu.dma_semaphore, #tpu.memory_space<semaphore_mem>>) {add = true}
    %dma_wait3A_84 = arith.constant 0 : i32
    %dma_wait3A_85 = tpu.memref_slice %arg6[%dma_wait3A_84] : memref<20000xf32, #tpu.memory_space<vmem>> -> memref<10000xf32, #tpu.memory_space<vmem>>
    %dma_wait3A_86 = arith.constant 0 : i32
    %dma_wait3A_87 = tpu.memref_slice %arg7[%dma_wait3A_86] : memref<20000xi32, #tpu.memory_space<vmem>> -> memref<10000xi32, #tpu.memory_space<vmem>>
    %dma_wait3A_88 = arith.constant 0 : i32
    %dma_wait3A_89 = tpu.memref_slice %arg12[%dma_wait3A_88] : memref<10240xf32, #tpu.memory_space<vmem_shared>> -> memref<10240xf32, #tpu.memory_space<vmem_shared>>
    tpu.wait_indirect_dma semaphore(%arg23 : memref<!tpu.dma_semaphore, #tpu.memory_space<semaphore_mem>>) src(%dma_wait3A_85 : memref<10000xf32, #tpu.memory_space<vmem>>) dst(%dma_wait3A_89 : memref<10240xf32, #tpu.memory_space<vmem_shared>>)
    %dma_wait3A_90 = arith.constant 10000 : i32
    %dma_wait3A_91 = tpu.memref_slice %arg6[%dma_wait3A_90] : memref<20000xf32, #tpu.memory_space<vmem>> -> memref<10000xf32, #tpu.memory_space<vmem>>
    %dma_wait3A_92 = arith.constant 10000 : i32
    %dma_wait3A_93 = tpu.memref_slice %arg7[%dma_wait3A_92] : memref<20000xi32, #tpu.memory_space<vmem>> -> memref<10000xi32, #tpu.memory_space<vmem>>
    %dma_wait3A_94 = arith.constant 0 : i32
    %dma_wait3A_95 = tpu.memref_slice %arg12[%dma_wait3A_94] : memref<10240xf32, #tpu.memory_space<vmem_shared>> -> memref<10240xf32, #tpu.memory_space<vmem_shared>>
    tpu.wait_indirect_dma semaphore(%arg24 : memref<!tpu.dma_semaphore, #tpu.memory_space<semaphore_mem>>) src(%dma_wait3A_91 : memref<10000xf32, #tpu.memory_space<vmem>>) dst(%dma_wait3A_95 : memref<10240xf32, #tpu.memory_space<vmem_shared>>)
    %barrier3A_96 = arith.constant 0 : index
    tpu.barrier barrier_id(%barrier3A_96)
    %mul3A_97 = arith.constant 640 : i32
    %mul3A_98 = arith.muli %arg1, %mul3A_97 : i32
    "tpu.region"() ({
      %run_scoped3A = tpu.sem_alloc : memref<!tpu.dma_semaphore, #tpu.memory_space<semaphore_mem>>
      %dma_start3A_861 = arith.constant 0 : i32
      %dma_start3A_862 = tpu.memref_slice %arg11[%dma_start3A_861] : memref<10240xf32, #tpu.memory_space<vmem>> -> memref<640xf32, #tpu.memory_space<vmem>>
      %dma_start3A_863 = tpu.memref_slice %arg12[%mul3A_98] : memref<10240xf32, #tpu.memory_space<vmem_shared>> -> memref<640xf32, #tpu.memory_space<vmem_shared>>
      %dma_start3A_864 = arith.constant 0 : i32
      %dma_start3A_865 = tpu.memref_slice %arg11[%dma_start3A_864] : memref<10240xf32, #tpu.memory_space<vmem>> -> memref<640xf32, #tpu.memory_space<vmem>>
      %dma_start3A_866 = tpu.memref_slice %arg12[%mul3A_98] : memref<10240xf32, #tpu.memory_space<vmem_shared>> -> memref<640xf32, #tpu.memory_space<vmem_shared>>
      tpu.enqueue_dma source(%dma_start3A_866 : memref<640xf32, #tpu.memory_space<vmem_shared>>) target(%dma_start3A_865 : memref<640xf32, #tpu.memory_space<vmem>>) target_semaphore(%run_scoped3A : memref<!tpu.dma_semaphore, #tpu.memory_space<semaphore_mem>>)
      %dma_wait3A_867 = arith.constant 0 : i32
      %dma_wait3A_868 = tpu.memref_slice %arg11[%dma_wait3A_867] : memref<10240xf32, #tpu.memory_space<vmem>> -> memref<640xf32, #tpu.memory_space<vmem>>
      %dma_wait3A_869 = tpu.memref_slice %arg12[%mul3A_98] : memref<10240xf32, #tpu.memory_space<vmem_shared>> -> memref<640xf32, #tpu.memory_space<vmem_shared>>
      %dma_wait3A_870 = arith.constant 0 : i32
      %dma_wait3A_871 = tpu.memref_slice %arg11[%dma_wait3A_870] : memref<10240xf32, #tpu.memory_space<vmem>> -> memref<640xf32, #tpu.memory_space<vmem>>
      %dma_wait3A_872 = tpu.memref_slice %arg12[%mul3A_98] : memref<10240xf32, #tpu.memory_space<vmem_shared>> -> memref<640xf32, #tpu.memory_space<vmem_shared>>
      tpu.wait_dma2 semaphore(%run_scoped3A : memref<!tpu.dma_semaphore, #tpu.memory_space<semaphore_mem>>) src(%dma_wait3A_872 : memref<640xf32, #tpu.memory_space<vmem_shared>>) dst(%dma_wait3A_871 : memref<640xf32, #tpu.memory_space<vmem>>)
      tpu.yield
    }) : () -> ()
    %scan3A_99 = arith.constant 0 : i32
    %scan3A_100 = arith.constant 0 : i32
    %scan3A_101 = arith.constant 40 : i32
    %scan3A_102 = arith.addi %scan3A_100, %scan3A_101 : i32
    %scan3A_103 = arith.constant 1 : i32
    scf.for %scan3A_861 = %scan3A_100 to %scan3A_102 step %scan3A_103  : i32 {
      %mul3A_862 = arith.constant 16 : i32
      %mul3A_863 = arith.muli %scan3A_861, %mul3A_862 : i32
      %get3A = arith.index_cast %mul3A_863 : i32 to index
      %get3A_864 = tpu.vector_load %arg11[%get3A] {strides = array<i32>} : memref<10240xf32, #tpu.memory_space<vmem>>, vector<16xf32>,
      %get3A_865 = vector.shape_cast %get3A_864 : vector<16xf32> to vector<16xf32>
      %div3A = arith.constant 1.000000e+00 : f32
      %div3A_866 = vector.broadcast %div3A : f32 to vector<16xf32>
      %div3A_867 = arith.divf %div3A_866, %get3A_865 : vector<16xf32>
      %swap3A = arith.index_cast %mul3A_863 : i32 to index
      %swap3A_868 = tpu.vector_load %arg11[%swap3A] {strides = array<i32>} : memref<10240xf32, #tpu.memory_space<vmem>>, vector<16xf32>,
      %swap3A_869 = vector.shape_cast %swap3A_868 : vector<16xf32> to vector<16xf32>
      %swap3A_870 = vector.shape_cast %div3A_867 : vector<16xf32> to vector<16xf32>
      tpu.vector_store %arg11[%swap3A], %swap3A_870 {strides = array<i32>} : memref<10240xf32, #tpu.memory_space<vmem>>, vector<16xf32>,
    }
    %scan3A_104 = arith.constant 40 : i32
    %mul3A_105 = arith.constant 640 : i32
    %mul3A_106 = arith.muli %arg1, %mul3A_105 : i32
    "tpu.region"() ({
      %run_scoped3A = tpu.sem_alloc : memref<!tpu.dma_semaphore, #tpu.memory_space<semaphore_mem>>
      %dma_start3A_861 = arith.constant 0 : i32
      %dma_start3A_862 = tpu.memref_slice %arg11[%dma_start3A_861] : memref<10240xf32, #tpu.memory_space<vmem>> -> memref<640xf32, #tpu.memory_space<vmem>>
      %dma_start3A_863 = tpu.memref_slice %arg12[%mul3A_106] : memref<10240xf32, #tpu.memory_space<vmem_shared>> -> memref<640xf32, #tpu.memory_space<vmem_shared>>
      %dma_start3A_864 = tpu.memref_slice %arg12[%mul3A_106] : memref<10240xf32, #tpu.memory_space<vmem_shared>> -> memref<640xf32, #tpu.memory_space<vmem_shared>>
      %dma_start3A_865 = arith.constant 0 : i32
      %dma_start3A_866 = tpu.memref_slice %arg11[%dma_start3A_865] : memref<10240xf32, #tpu.memory_space<vmem>> -> memref<640xf32, #tpu.memory_space<vmem>>
      tpu.enqueue_dma source(%dma_start3A_866 : memref<640xf32, #tpu.memory_space<vmem>>) target(%dma_start3A_864 : memref<640xf32, #tpu.memory_space<vmem_shared>>) target_semaphore(%run_scoped3A : memref<!tpu.dma_semaphore, #tpu.memory_space<semaphore_mem>>)
      %dma_wait3A_867 = arith.constant 0 : i32
      %dma_wait3A_868 = tpu.memref_slice %arg11[%dma_wait3A_867] : memref<10240xf32, #tpu.memory_space<vmem>> -> memref<640xf32, #tpu.memory_space<vmem>>
      %dma_wait3A_869 = tpu.memref_slice %arg12[%mul3A_106] : memref<10240xf32, #tpu.memory_space<vmem_shared>> -> memref<640xf32, #tpu.memory_space<vmem_shared>>
      %dma_wait3A_870 = tpu.memref_slice %arg12[%mul3A_106] : memref<10240xf32, #tpu.memory_space<vmem_shared>> -> memref<640xf32, #tpu.memory_space<vmem_shared>>
      %dma_wait3A_871 = arith.constant 0 : i32
      %dma_wait3A_872 = tpu.memref_slice %arg11[%dma_wait3A_871] : memref<10240xf32, #tpu.memory_space<vmem>> -> memref<640xf32, #tpu.memory_space<vmem>>
      tpu.wait_dma2 semaphore(%run_scoped3A : memref<!tpu.dma_semaphore, #tpu.memory_space<semaphore_mem>>) src(%dma_wait3A_872 : memref<640xf32, #tpu.memory_space<vmem>>) dst(%dma_wait3A_870 : memref<640xf32, #tpu.memory_space<vmem_shared>>)
      tpu.yield
    }) : () -> ()
    %barrier3A_107 = arith.constant 0 : index
    tpu.barrier barrier_id(%barrier3A_107)
    %dma_wait3A_108 = tpu.memref_slice %arg4[%add3A] : memref<320000xi32, #tpu.memory_space<hbm>> -> memref<10000xi32, #tpu.memory_space<hbm>>
    %dma_wait3A_109 = tpu.memref_slice %arg4[%add3A] : memref<320000xi32, #tpu.memory_space<hbm>> -> memref<10000xi32, #tpu.memory_space<hbm>>
    tpu.wait_dma2 semaphore(%arg16 : memref<!tpu.dma_semaphore, #tpu.memory_space<semaphore_mem>>) src(%dma_wait3A_109 : memref<10000xi32, #tpu.memory_space<hbm>>) dst(%arg8 : memref<10000xi32, #tpu.memory_space<vmem>>)
    %dma_start3A_110 = arith.constant 0 : i32
    %dma_start3A_111 = tpu.memref_slice %arg10[%dma_start3A_110] : memref<10000xf32, #tpu.memory_space<vmem>> -> memref<400xf32, #tpu.memory_space<vmem>>
    %dma_start3A_112 = tpu.memref_slice %arg7[%mul3A_0] : memref<20000xi32, #tpu.memory_space<vmem>> -> memref<400xi32, #tpu.memory_space<vmem>>
    %dma_start3A_113 = arith.constant 0 : i32
    %dma_start3A_114 = tpu.memref_slice %arg12[%dma_start3A_113] : memref<10240xf32, #tpu.memory_space<vmem_shared>> -> memref<10240xf32, #tpu.memory_space<vmem_shared>>
    tpu.enqueue_indirect_dma source(%dma_start3A_114 : memref<10240xf32, #tpu.memory_space<vmem_shared>>) target(%dma_start3A_111 : memref<400xf32, #tpu.memory_space<vmem>>) offsets(%dma_start3A_112 : memref<400xi32, #tpu.memory_space<vmem>>) semaphore(%arg17 : memref<!tpu.dma_semaphore, #tpu.memory_space<semaphore_mem>>)
    %dma_wait3A_115 = arith.constant 0 : i32
    %dma_wait3A_116 = tpu.memref_slice %arg10[%dma_wait3A_115] : memref<10000xf32, #tpu.memory_space<vmem>> -> memref<400xf32, #tpu.memory_space<vmem>>
    %dma_wait3A_117 = tpu.memref_slice %arg7[%mul3A_0] : memref<20000xi32, #tpu.memory_space<vmem>> -> memref<400xi32, #tpu.memory_space<vmem>>
    %dma_wait3A_118 = arith.constant 0 : i32
    %dma_wait3A_119 = tpu.memref_slice %arg12[%dma_wait3A_118] : memref<10240xf32, #tpu.memory_space<vmem_shared>> -> memref<10240xf32, #tpu.memory_space<vmem_shared>>
    tpu.wait_indirect_dma semaphore(%arg17 : memref<!tpu.dma_semaphore, #tpu.memory_space<semaphore_mem>>) src(%dma_wait3A_119 : memref<10240xf32, #tpu.memory_space<vmem_shared>>) dst(%dma_wait3A_116 : memref<400xf32, #tpu.memory_space<vmem>>)
    %add3A_120 = arith.constant 400 : i32
    %add3A_121 = arith.addi %mul3A_0, %add3A_120 : i32
    %dma_start3A_122 = arith.constant 400 : i32
    %dma_start3A_123 = tpu.memref_slice %arg10[%dma_start3A_122] : memref<10000xf32, #tpu.memory_space<vmem>> -> memref<400xf32, #tpu.memory_space<vmem>>
    %dma_start3A_124 = tpu.memref_slice %arg7[%add3A_121] : memref<20000xi32, #tpu.memory_space<vmem>> -> memref<400xi32, #tpu.memory_space<vmem>>
    %dma_start3A_125 = arith.constant 0 : i32
    %dma_start3A_126 = tpu.memref_slice %arg12[%dma_start3A_125] : memref<10240xf32, #tpu.memory_space<vmem_shared>> -> memref<10240xf32, #tpu.memory_space<vmem_shared>>
    tpu.enqueue_indirect_dma source(%dma_start3A_126 : memref<10240xf32, #tpu.memory_space<vmem_shared>>) target(%dma_start3A_123 : memref<400xf32, #tpu.memory_space<vmem>>) offsets(%dma_start3A_124 : memref<400xi32, #tpu.memory_space<vmem>>) semaphore(%arg17 : memref<!tpu.dma_semaphore, #tpu.memory_space<semaphore_mem>>)
    %scan3A_127 = arith.constant 0 : i32
    %scan3A_128 = arith.constant 0 : i32
    %scan3A_129 = arith.constant 25 : i32
    %scan3A_130 = arith.addi %scan3A_128, %scan3A_129 : i32
    %scan3A_131 = arith.constant 1 : i32
    scf.for %scan3A_861 = %scan3A_128 to %scan3A_130 step %scan3A_131  : i32 {
      %mul3A_862 = arith.constant 16 : i32
      %mul3A_863 = arith.muli %scan3A_861, %mul3A_862 : i32
      %add3A_864 = arith.constant 0 : i32
      %add3A_865 = arith.addi %add3A_864, %mul3A_863 : i32
      %add3A_866 = arith.constant 0 : i32
      %add3A_867 = arith.addi %mul3A_0, %add3A_866 : i32
      %mul3A_868 = arith.constant 16 : i32
      %mul3A_869 = arith.muli %scan3A_861, %mul3A_868 : i32
      %add3A_870 = arith.addi %add3A_867, %mul3A_869 : i32
      %get3A = arith.index_cast %add3A_870 : i32 to index
      %get3A_871 = tpu.vector_load %arg6[%get3A] {strides = array<i32>} : memref<20000xf32, #tpu.memory_space<vmem>>, vector<16xf32>,
      %get3A_872 = vector.shape_cast %get3A_871 : vector<16xf32> to vector<16xf32>
      %get3A_873 = arith.index_cast %add3A_865 : i32 to index
      %get3A_874 = tpu.vector_load %arg10[%get3A_873] {strides = array<i32>} : memref<10000xf32, #tpu.memory_space<vmem>>, vector<16xf32>,
      %get3A_875 = vector.shape_cast %get3A_874 : vector<16xf32> to vector<16xf32>
      %mul3A_876 = arith.mulf %get3A_872, %get3A_875 : vector<16xf32>
      %swap3A = arith.index_cast %add3A_865 : i32 to index
      %swap3A_877 = tpu.vector_load %arg9[%swap3A] {strides = array<i32>} : memref<10000xf32, #tpu.memory_space<vmem>>, vector<16xf32>,
      %swap3A_878 = vector.shape_cast %swap3A_877 : vector<16xf32> to vector<16xf32>
      %swap3A_879 = vector.shape_cast %mul3A_876 : vector<16xf32> to vector<16xf32>
      tpu.vector_store %arg9[%swap3A], %swap3A_879 {strides = array<i32>} : memref<10000xf32, #tpu.memory_space<vmem>>, vector<16xf32>,
    }
    %scan3A_132 = arith.constant 25 : i32
    %dma_start3A_133 = arith.constant 0 : i32
    %dma_start3A_134 = tpu.memref_slice %arg9[%dma_start3A_133] : memref<10000xf32, #tpu.memory_space<vmem>> -> memref<400xf32, #tpu.memory_space<vmem>>
    %dma_start3A_135 = arith.constant 0 : i32
    %dma_start3A_136 = tpu.memref_slice %arg8[%dma_start3A_135] : memref<10000xi32, #tpu.memory_space<vmem>> -> memref<400xi32, #tpu.memory_space<vmem>>
    %dma_start3A_137 = arith.constant 0 : i32
    %dma_start3A_138 = tpu.memref_slice %arg13[%dma_start3A_137] : memref<10240xf32, #tpu.memory_space<vmem_shared>> -> memref<10240xf32, #tpu.memory_space<vmem_shared>>
    tpu.enqueue_indirect_dma source(%dma_start3A_134 : memref<400xf32, #tpu.memory_space<vmem>>) target(%dma_start3A_138 : memref<10240xf32, #tpu.memory_space<vmem_shared>>) offsets(%dma_start3A_136 : memref<400xi32, #tpu.memory_space<vmem>>) semaphore(%arg18 : memref<!tpu.dma_semaphore, #tpu.memory_space<semaphore_mem>>) {add = true}
    %dma_wait3A_139 = arith.constant 400 : i32
    %dma_wait3A_140 = tpu.memref_slice %arg10[%dma_wait3A_139] : memref<10000xf32, #tpu.memory_space<vmem>> -> memref<400xf32, #tpu.memory_space<vmem>>
    %dma_wait3A_141 = tpu.memref_slice %arg7[%add3A_121] : memref<20000xi32, #tpu.memory_space<vmem>> -> memref<400xi32, #tpu.memory_space<vmem>>
    %dma_wait3A_142 = arith.constant 0 : i32
    %dma_wait3A_143 = tpu.memref_slice %arg12[%dma_wait3A_142] : memref<10240xf32, #tpu.memory_space<vmem_shared>> -> memref<10240xf32, #tpu.memory_space<vmem_shared>>
    tpu.wait_indirect_dma semaphore(%arg17 : memref<!tpu.dma_semaphore, #tpu.memory_space<semaphore_mem>>) src(%dma_wait3A_143 : memref<10240xf32, #tpu.memory_space<vmem_shared>>) dst(%dma_wait3A_140 : memref<400xf32, #tpu.memory_space<vmem>>)
    %add3A_144 = arith.constant 800 : i32
    %add3A_145 = arith.addi %mul3A_0, %add3A_144 : i32
    %dma_start3A_146 = arith.constant 800 : i32
    %dma_start3A_147 = tpu.memref_slice %arg10[%dma_start3A_146] : memref<10000xf32, #tpu.memory_space<vmem>> -> memref<400xf32, #tpu.memory_space<vmem>>
    %dma_start3A_148 = tpu.memref_slice %arg7[%add3A_145] : memref<20000xi32, #tpu.memory_space<vmem>> -> memref<400xi32, #tpu.memory_space<vmem>>
    %dma_start3A_149 = arith.constant 0 : i32
    %dma_start3A_150 = tpu.memref_slice %arg12[%dma_start3A_149] : memref<10240xf32, #tpu.memory_space<vmem_shared>> -> memref<10240xf32, #tpu.memory_space<vmem_shared>>
    tpu.enqueue_indirect_dma source(%dma_start3A_150 : memref<10240xf32, #tpu.memory_space<vmem_shared>>) target(%dma_start3A_147 : memref<400xf32, #tpu.memory_space<vmem>>) offsets(%dma_start3A_148 : memref<400xi32, #tpu.memory_space<vmem>>) semaphore(%arg17 : memref<!tpu.dma_semaphore, #tpu.memory_space<semaphore_mem>>)
    %scan3A_151 = arith.constant 0 : i32
    %scan3A_152 = arith.constant 0 : i32
    %scan3A_153 = arith.constant 25 : i32
    %scan3A_154 = arith.addi %scan3A_152, %scan3A_153 : i32
    %scan3A_155 = arith.constant 1 : i32
    scf.for %scan3A_861 = %scan3A_152 to %scan3A_154 step %scan3A_155  : i32 {
      %mul3A_862 = arith.constant 16 : i32
      %mul3A_863 = arith.muli %scan3A_861, %mul3A_862 : i32
      %add3A_864 = arith.constant 400 : i32
      %add3A_865 = arith.addi %add3A_864, %mul3A_863 : i32
      %add3A_866 = arith.constant 400 : i32
      %add3A_867 = arith.addi %mul3A_0, %add3A_866 : i32
      %mul3A_868 = arith.constant 16 : i32
      %mul3A_869 = arith.muli %scan3A_861, %mul3A_868 : i32
      %add3A_870 = arith.addi %add3A_867, %mul3A_869 : i32
      %get3A = arith.index_cast %add3A_870 : i32 to index
      %get3A_871 = tpu.vector_load %arg6[%get3A] {strides = array<i32>} : memref<20000xf32, #tpu.memory_space<vmem>>, vector<16xf32>,
      %get3A_872 = vector.shape_cast %get3A_871 : vector<16xf32> to vector<16xf32>
      %get3A_873 = arith.index_cast %add3A_865 : i32 to index
      %get3A_874 = tpu.vector_load %arg10[%get3A_873] {strides = array<i32>} : memref<10000xf32, #tpu.memory_space<vmem>>, vector<16xf32>,
      %get3A_875 = vector.shape_cast %get3A_874 : vector<16xf32> to vector<16xf32>
      %mul3A_876 = arith.mulf %get3A_872, %get3A_875 : vector<16xf32>
      %swap3A = arith.index_cast %add3A_865 : i32 to index
      %swap3A_877 = tpu.vector_load %arg9[%swap3A] {strides = array<i32>} : memref<10000xf32, #tpu.memory_space<vmem>>, vector<16xf32>,
      %swap3A_878 = vector.shape_cast %swap3A_877 : vector<16xf32> to vector<16xf32>
      %swap3A_879 = vector.shape_cast %mul3A_876 : vector<16xf32> to vector<16xf32>
      tpu.vector_store %arg9[%swap3A], %swap3A_879 {strides = array<i32>} : memref<10000xf32, #tpu.memory_space<vmem>>, vector<16xf32>,
    }
    %scan3A_156 = arith.constant 25 : i32
    %dma_start3A_157 = arith.constant 400 : i32
    %dma_start3A_158 = tpu.memref_slice %arg9[%dma_start3A_157] : memref<10000xf32, #tpu.memory_space<vmem>> -> memref<400xf32, #tpu.memory_space<vmem>>
    %dma_start3A_159 = arith.constant 400 : i32
    %dma_start3A_160 = tpu.memref_slice %arg8[%dma_start3A_159] : memref<10000xi32, #tpu.memory_space<vmem>> -> memref<400xi32, #tpu.memory_space<vmem>>
    %dma_start3A_161 = arith.constant 0 : i32
    %dma_start3A_162 = tpu.memref_slice %arg13[%dma_start3A_161] : memref<10240xf32, #tpu.memory_space<vmem_shared>> -> memref<10240xf32, #tpu.memory_space<vmem_shared>>
    tpu.enqueue_indirect_dma source(%dma_start3A_158 : memref<400xf32, #tpu.memory_space<vmem>>) target(%dma_start3A_162 : memref<10240xf32, #tpu.memory_space<vmem_shared>>) offsets(%dma_start3A_160 : memref<400xi32, #tpu.memory_space<vmem>>) semaphore(%arg18 : memref<!tpu.dma_semaphore, #tpu.memory_space<semaphore_mem>>) {add = true}
    %dma_wait3A_163 = arith.constant 800 : i32
    %dma_wait3A_164 = tpu.memref_slice %arg10[%dma_wait3A_163] : memref<10000xf32, #tpu.memory_space<vmem>> -> memref<400xf32, #tpu.memory_space<vmem>>
    %dma_wait3A_165 = tpu.memref_slice %arg7[%add3A_145] : memref<20000xi32, #tpu.memory_space<vmem>> -> memref<400xi32, #tpu.memory_space<vmem>>
    %dma_wait3A_166 = arith.constant 0 : i32
    %dma_wait3A_167 = tpu.memref_slice %arg12[%dma_wait3A_166] : memref<10240xf32, #tpu.memory_space<vmem_shared>> -> memref<10240xf32, #tpu.memory_space<vmem_shared>>
    tpu.wait_indirect_dma semaphore(%arg17 : memref<!tpu.dma_semaphore, #tpu.memory_space<semaphore_mem>>) src(%dma_wait3A_167 : memref<10240xf32, #tpu.memory_space<vmem_shared>>) dst(%dma_wait3A_164 : memref<400xf32, #tpu.memory_space<vmem>>)
    %add3A_168 = arith.constant 1200 : i32
    %add3A_169 = arith.addi %mul3A_0, %add3A_168 : i32
    %dma_start3A_170 = arith.constant 1200 : i32
    %dma_start3A_171 = tpu.memref_slice %arg10[%dma_start3A_170] : memref<10000xf32, #tpu.memory_space<vmem>> -> memref<400xf32, #tpu.memory_space<vmem>>
    %dma_start3A_172 = tpu.memref_slice %arg7[%add3A_169] : memref<20000xi32, #tpu.memory_space<vmem>> -> memref<400xi32, #tpu.memory_space<vmem>>
    %dma_start3A_173 = arith.constant 0 : i32
    %dma_start3A_174 = tpu.memref_slice %arg12[%dma_start3A_173] : memref<10240xf32, #tpu.memory_space<vmem_shared>> -> memref<10240xf32, #tpu.memory_space<vmem_shared>>
    tpu.enqueue_indirect_dma source(%dma_start3A_174 : memref<10240xf32, #tpu.memory_space<vmem_shared>>) target(%dma_start3A_171 : memref<400xf32, #tpu.memory_space<vmem>>) offsets(%dma_start3A_172 : memref<400xi32, #tpu.memory_space<vmem>>) semaphore(%arg17 : memref<!tpu.dma_semaphore, #tpu.memory_space<semaphore_mem>>)
    %scan3A_175 = arith.constant 0 : i32
    %scan3A_176 = arith.constant 0 : i32
    %scan3A_177 = arith.constant 25 : i32
    %scan3A_178 = arith.addi %scan3A_176, %scan3A_177 : i32
    %scan3A_179 = arith.constant 1 : i32
    scf.for %scan3A_861 = %scan3A_176 to %scan3A_178 step %scan3A_179  : i32 {
      %mul3A_862 = arith.constant 16 : i32
      %mul3A_863 = arith.muli %scan3A_861, %mul3A_862 : i32
      %add3A_864 = arith.constant 800 : i32
      %add3A_865 = arith.addi %add3A_864, %mul3A_863 : i32
      %add3A_866 = arith.constant 800 : i32
      %add3A_867 = arith.addi %mul3A_0, %add3A_866 : i32
      %mul3A_868 = arith.constant 16 : i32
      %mul3A_869 = arith.muli %scan3A_861, %mul3A_868 : i32
      %add3A_870 = arith.addi %add3A_867, %mul3A_869 : i32
      %get3A = arith.index_cast %add3A_870 : i32 to index
      %get3A_871 = tpu.vector_load %arg6[%get3A] {strides = array<i32>} : memref<20000xf32, #tpu.memory_space<vmem>>, vector<16xf32>,
      %get3A_872 = vector.shape_cast %get3A_871 : vector<16xf32> to vector<16xf32>
      %get3A_873 = arith.index_cast %add3A_865 : i32 to index
      %get3A_874 = tpu.vector_load %arg10[%get3A_873] {strides = array<i32>} : memref<10000xf32, #tpu.memory_space<vmem>>, vector<16xf32>,
      %get3A_875 = vector.shape_cast %get3A_874 : vector<16xf32> to vector<16xf32>
      %mul3A_876 = arith.mulf %get3A_872, %get3A_875 : vector<16xf32>
      %swap3A = arith.index_cast %add3A_865 : i32 to index
      %swap3A_877 = tpu.vector_load %arg9[%swap3A] {strides = array<i32>} : memref<10000xf32, #tpu.memory_space<vmem>>, vector<16xf32>,
      %swap3A_878 = vector.shape_cast %swap3A_877 : vector<16xf32> to vector<16xf32>
      %swap3A_879 = vector.shape_cast %mul3A_876 : vector<16xf32> to vector<16xf32>
      tpu.vector_store %arg9[%swap3A], %swap3A_879 {strides = array<i32>} : memref<10000xf32, #tpu.memory_space<vmem>>, vector<16xf32>,
    }
    %scan3A_180 = arith.constant 25 : i32
    %dma_start3A_181 = arith.constant 800 : i32
    %dma_start3A_182 = tpu.memref_slice %arg9[%dma_start3A_181] : memref<10000xf32, #tpu.memory_space<vmem>> -> memref<400xf32, #tpu.memory_space<vmem>>
    %dma_start3A_183 = arith.constant 800 : i32
    %dma_start3A_184 = tpu.memref_slice %arg8[%dma_start3A_183] : memref<10000xi32, #tpu.memory_space<vmem>> -> memref<400xi32, #tpu.memory_space<vmem>>
    %dma_start3A_185 = arith.constant 0 : i32
    %dma_start3A_186 = tpu.memref_slice %arg13[%dma_start3A_185] : memref<10240xf32, #tpu.memory_space<vmem_shared>> -> memref<10240xf32, #tpu.memory_space<vmem_shared>>
    tpu.enqueue_indirect_dma source(%dma_start3A_182 : memref<400xf32, #tpu.memory_space<vmem>>) target(%dma_start3A_186 : memref<10240xf32, #tpu.memory_space<vmem_shared>>) offsets(%dma_start3A_184 : memref<400xi32, #tpu.memory_space<vmem>>) semaphore(%arg18 : memref<!tpu.dma_semaphore, #tpu.memory_space<semaphore_mem>>) {add = true}
    %dma_wait3A_187 = arith.constant 1200 : i32
    %dma_wait3A_188 = tpu.memref_slice %arg10[%dma_wait3A_187] : memref<10000xf32, #tpu.memory_space<vmem>> -> memref<400xf32, #tpu.memory_space<vmem>>
    %dma_wait3A_189 = tpu.memref_slice %arg7[%add3A_169] : memref<20000xi32, #tpu.memory_space<vmem>> -> memref<400xi32, #tpu.memory_space<vmem>>
    %dma_wait3A_190 = arith.constant 0 : i32
    %dma_wait3A_191 = tpu.memref_slice %arg12[%dma_wait3A_190] : memref<10240xf32, #tpu.memory_space<vmem_shared>> -> memref<10240xf32, #tpu.memory_space<vmem_shared>>
    tpu.wait_indirect_dma semaphore(%arg17 : memref<!tpu.dma_semaphore, #tpu.memory_space<semaphore_mem>>) src(%dma_wait3A_191 : memref<10240xf32, #tpu.memory_space<vmem_shared>>) dst(%dma_wait3A_188 : memref<400xf32, #tpu.memory_space<vmem>>)
    %add3A_192 = arith.constant 1600 : i32
    %add3A_193 = arith.addi %mul3A_0, %add3A_192 : i32
    %dma_start3A_194 = arith.constant 1600 : i32
    %dma_start3A_195 = tpu.memref_slice %arg10[%dma_start3A_194] : memref<10000xf32, #tpu.memory_space<vmem>> -> memref<400xf32, #tpu.memory_space<vmem>>
    %dma_start3A_196 = tpu.memref_slice %arg7[%add3A_193] : memref<20000xi32, #tpu.memory_space<vmem>> -> memref<400xi32, #tpu.memory_space<vmem>>
    %dma_start3A_197 = arith.constant 0 : i32
    %dma_start3A_198 = tpu.memref_slice %arg12[%dma_start3A_197] : memref<10240xf32, #tpu.memory_space<vmem_shared>> -> memref<10240xf32, #tpu.memory_space<vmem_shared>>
    tpu.enqueue_indirect_dma source(%dma_start3A_198 : memref<10240xf32, #tpu.memory_space<vmem_shared>>) target(%dma_start3A_195 : memref<400xf32, #tpu.memory_space<vmem>>) offsets(%dma_start3A_196 : memref<400xi32, #tpu.memory_space<vmem>>) semaphore(%arg17 : memref<!tpu.dma_semaphore, #tpu.memory_space<semaphore_mem>>)
    %scan3A_199 = arith.constant 0 : i32
    %scan3A_200 = arith.constant 0 : i32
    %scan3A_201 = arith.constant 25 : i32
    %scan3A_202 = arith.addi %scan3A_200, %scan3A_201 : i32
    %scan3A_203 = arith.constant 1 : i32
    scf.for %scan3A_861 = %scan3A_200 to %scan3A_202 step %scan3A_203  : i32 {
      %mul3A_862 = arith.constant 16 : i32
      %mul3A_863 = arith.muli %scan3A_861, %mul3A_862 : i32
      %add3A_864 = arith.constant 1200 : i32
      %add3A_865 = arith.addi %add3A_864, %mul3A_863 : i32
      %add3A_866 = arith.constant 1200 : i32
      %add3A_867 = arith.addi %mul3A_0, %add3A_866 : i32
      %mul3A_868 = arith.constant 16 : i32
      %mul3A_869 = arith.muli %scan3A_861, %mul3A_868 : i32
      %add3A_870 = arith.addi %add3A_867, %mul3A_869 : i32
      %get3A = arith.index_cast %add3A_870 : i32 to index
      %get3A_871 = tpu.vector_load %arg6[%get3A] {strides = array<i32>} : memref<20000xf32, #tpu.memory_space<vmem>>, vector<16xf32>,
      %get3A_872 = vector.shape_cast %get3A_871 : vector<16xf32> to vector<16xf32>
      %get3A_873 = arith.index_cast %add3A_865 : i32 to index
      %get3A_874 = tpu.vector_load %arg10[%get3A_873] {strides = array<i32>} : memref<10000xf32, #tpu.memory_space<vmem>>, vector<16xf32>,
      %get3A_875 = vector.shape_cast %get3A_874 : vector<16xf32> to vector<16xf32>
      %mul3A_876 = arith.mulf %get3A_872, %get3A_875 : vector<16xf32>
      %swap3A = arith.index_cast %add3A_865 : i32 to index
      %swap3A_877 = tpu.vector_load %arg9[%swap3A] {strides = array<i32>} : memref<10000xf32, #tpu.memory_space<vmem>>, vector<16xf32>,
      %swap3A_878 = vector.shape_cast %swap3A_877 : vector<16xf32> to vector<16xf32>
      %swap3A_879 = vector.shape_cast %mul3A_876 : vector<16xf32> to vector<16xf32>
      tpu.vector_store %arg9[%swap3A], %swap3A_879 {strides = array<i32>} : memref<10000xf32, #tpu.memory_space<vmem>>, vector<16xf32>,
    }
    %scan3A_204 = arith.constant 25 : i32
    %dma_start3A_205 = arith.constant 1200 : i32
    %dma_start3A_206 = tpu.memref_slice %arg9[%dma_start3A_205] : memref<10000xf32, #tpu.memory_space<vmem>> -> memref<400xf32, #tpu.memory_space<vmem>>
    %dma_start3A_207 = arith.constant 1200 : i32
    %dma_start3A_208 = tpu.memref_slice %arg8[%dma_start3A_207] : memref<10000xi32, #tpu.memory_space<vmem>> -> memref<400xi32, #tpu.memory_space<vmem>>
    %dma_start3A_209 = arith.constant 0 : i32
    %dma_start3A_210 = tpu.memref_slice %arg13[%dma_start3A_209] : memref<10240xf32, #tpu.memory_space<vmem_shared>> -> memref<10240xf32, #tpu.memory_space<vmem_shared>>
    tpu.enqueue_indirect_dma source(%dma_start3A_206 : memref<400xf32, #tpu.memory_space<vmem>>) target(%dma_start3A_210 : memref<10240xf32, #tpu.memory_space<vmem_shared>>) offsets(%dma_start3A_208 : memref<400xi32, #tpu.memory_space<vmem>>) semaphore(%arg18 : memref<!tpu.dma_semaphore, #tpu.memory_space<semaphore_mem>>) {add = true}
    %dma_wait3A_211 = arith.constant 1600 : i32
    %dma_wait3A_212 = tpu.memref_slice %arg10[%dma_wait3A_211] : memref<10000xf32, #tpu.memory_space<vmem>> -> memref<400xf32, #tpu.memory_space<vmem>>
    %dma_wait3A_213 = tpu.memref_slice %arg7[%add3A_193] : memref<20000xi32, #tpu.memory_space<vmem>> -> memref<400xi32, #tpu.memory_space<vmem>>
    %dma_wait3A_214 = arith.constant 0 : i32
    %dma_wait3A_215 = tpu.memref_slice %arg12[%dma_wait3A_214] : memref<10240xf32, #tpu.memory_space<vmem_shared>> -> memref<10240xf32, #tpu.memory_space<vmem_shared>>
    tpu.wait_indirect_dma semaphore(%arg17 : memref<!tpu.dma_semaphore, #tpu.memory_space<semaphore_mem>>) src(%dma_wait3A_215 : memref<10240xf32, #tpu.memory_space<vmem_shared>>) dst(%dma_wait3A_212 : memref<400xf32, #tpu.memory_space<vmem>>)
    %add3A_216 = arith.constant 2000 : i32
    %add3A_217 = arith.addi %mul3A_0, %add3A_216 : i32
    %dma_start3A_218 = arith.constant 2000 : i32
    %dma_start3A_219 = tpu.memref_slice %arg10[%dma_start3A_218] : memref<10000xf32, #tpu.memory_space<vmem>> -> memref<400xf32, #tpu.memory_space<vmem>>
    %dma_start3A_220 = tpu.memref_slice %arg7[%add3A_217] : memref<20000xi32, #tpu.memory_space<vmem>> -> memref<400xi32, #tpu.memory_space<vmem>>
    %dma_start3A_221 = arith.constant 0 : i32
    %dma_start3A_222 = tpu.memref_slice %arg12[%dma_start3A_221] : memref<10240xf32, #tpu.memory_space<vmem_shared>> -> memref<10240xf32, #tpu.memory_space<vmem_shared>>
    tpu.enqueue_indirect_dma source(%dma_start3A_222 : memref<10240xf32, #tpu.memory_space<vmem_shared>>) target(%dma_start3A_219 : memref<400xf32, #tpu.memory_space<vmem>>) offsets(%dma_start3A_220 : memref<400xi32, #tpu.memory_space<vmem>>) semaphore(%arg17 : memref<!tpu.dma_semaphore, #tpu.memory_space<semaphore_mem>>)
    %scan3A_223 = arith.constant 0 : i32
    %scan3A_224 = arith.constant 0 : i32
    %scan3A_225 = arith.constant 25 : i32
    %scan3A_226 = arith.addi %scan3A_224, %scan3A_225 : i32
    %scan3A_227 = arith.constant 1 : i32
    scf.for %scan3A_861 = %scan3A_224 to %scan3A_226 step %scan3A_227  : i32 {
      %mul3A_862 = arith.constant 16 : i32
      %mul3A_863 = arith.muli %scan3A_861, %mul3A_862 : i32
      %add3A_864 = arith.constant 1600 : i32
      %add3A_865 = arith.addi %add3A_864, %mul3A_863 : i32
      %add3A_866 = arith.constant 1600 : i32
      %add3A_867 = arith.addi %mul3A_0, %add3A_866 : i32
      %mul3A_868 = arith.constant 16 : i32
      %mul3A_869 = arith.muli %scan3A_861, %mul3A_868 : i32
      %add3A_870 = arith.addi %add3A_867, %mul3A_869 : i32
      %get3A = arith.index_cast %add3A_870 : i32 to index
      %get3A_871 = tpu.vector_load %arg6[%get3A] {strides = array<i32>} : memref<20000xf32, #tpu.memory_space<vmem>>, vector<16xf32>,
      %get3A_872 = vector.shape_cast %get3A_871 : vector<16xf32> to vector<16xf32>
      %get3A_873 = arith.index_cast %add3A_865 : i32 to index
      %get3A_874 = tpu.vector_load %arg10[%get3A_873] {strides = array<i32>} : memref<10000xf32, #tpu.memory_space<vmem>>, vector<16xf32>,
      %get3A_875 = vector.shape_cast %get3A_874 : vector<16xf32> to vector<16xf32>
      %mul3A_876 = arith.mulf %get3A_872, %get3A_875 : vector<16xf32>
      %swap3A = arith.index_cast %add3A_865 : i32 to index
      %swap3A_877 = tpu.vector_load %arg9[%swap3A] {strides = array<i32>} : memref<10000xf32, #tpu.memory_space<vmem>>, vector<16xf32>,
      %swap3A_878 = vector.shape_cast %swap3A_877 : vector<16xf32> to vector<16xf32>
      %swap3A_879 = vector.shape_cast %mul3A_876 : vector<16xf32> to vector<16xf32>
      tpu.vector_store %arg9[%swap3A], %swap3A_879 {strides = array<i32>} : memref<10000xf32, #tpu.memory_space<vmem>>, vector<16xf32>,
    }
    %scan3A_228 = arith.constant 25 : i32
    %dma_start3A_229 = arith.constant 1600 : i32
    %dma_start3A_230 = tpu.memref_slice %arg9[%dma_start3A_229] : memref<10000xf32, #tpu.memory_space<vmem>> -> memref<400xf32, #tpu.memory_space<vmem>>
    %dma_start3A_231 = arith.constant 1600 : i32
    %dma_start3A_232 = tpu.memref_slice %arg8[%dma_start3A_231] : memref<10000xi32, #tpu.memory_space<vmem>> -> memref<400xi32, #tpu.memory_space<vmem>>
    %dma_start3A_233 = arith.constant 0 : i32
    %dma_start3A_234 = tpu.memref_slice %arg13[%dma_start3A_233] : memref<10240xf32, #tpu.memory_space<vmem_shared>> -> memref<10240xf32, #tpu.memory_space<vmem_shared>>
    tpu.enqueue_indirect_dma source(%dma_start3A_230 : memref<400xf32, #tpu.memory_space<vmem>>) target(%dma_start3A_234 : memref<10240xf32, #tpu.memory_space<vmem_shared>>) offsets(%dma_start3A_232 : memref<400xi32, #tpu.memory_space<vmem>>) semaphore(%arg18 : memref<!tpu.dma_semaphore, #tpu.memory_space<semaphore_mem>>) {add = true}
    %dma_wait3A_235 = arith.constant 2000 : i32
    %dma_wait3A_236 = tpu.memref_slice %arg10[%dma_wait3A_235] : memref<10000xf32, #tpu.memory_space<vmem>> -> memref<400xf32, #tpu.memory_space<vmem>>
    %dma_wait3A_237 = tpu.memref_slice %arg7[%add3A_217] : memref<20000xi32, #tpu.memory_space<vmem>> -> memref<400xi32, #tpu.memory_space<vmem>>
    %dma_wait3A_238 = arith.constant 0 : i32
    %dma_wait3A_239 = tpu.memref_slice %arg12[%dma_wait3A_238] : memref<10240xf32, #tpu.memory_space<vmem_shared>> -> memref<10240xf32, #tpu.memory_space<vmem_shared>>
    tpu.wait_indirect_dma semaphore(%arg17 : memref<!tpu.dma_semaphore, #tpu.memory_space<semaphore_mem>>) src(%dma_wait3A_239 : memref<10240xf32, #tpu.memory_space<vmem_shared>>) dst(%dma_wait3A_236 : memref<400xf32, #tpu.memory_space<vmem>>)
    %add3A_240 = arith.constant 2400 : i32
    %add3A_241 = arith.addi %mul3A_0, %add3A_240 : i32
    %dma_start3A_242 = arith.constant 2400 : i32
    %dma_start3A_243 = tpu.memref_slice %arg10[%dma_start3A_242] : memref<10000xf32, #tpu.memory_space<vmem>> -> memref<400xf32, #tpu.memory_space<vmem>>
    %dma_start3A_244 = tpu.memref_slice %arg7[%add3A_241] : memref<20000xi32, #tpu.memory_space<vmem>> -> memref<400xi32, #tpu.memory_space<vmem>>
    %dma_start3A_245 = arith.constant 0 : i32
    %dma_start3A_246 = tpu.memref_slice %arg12[%dma_start3A_245] : memref<10240xf32, #tpu.memory_space<vmem_shared>> -> memref<10240xf32, #tpu.memory_space<vmem_shared>>
    tpu.enqueue_indirect_dma source(%dma_start3A_246 : memref<10240xf32, #tpu.memory_space<vmem_shared>>) target(%dma_start3A_243 : memref<400xf32, #tpu.memory_space<vmem>>) offsets(%dma_start3A_244 : memref<400xi32, #tpu.memory_space<vmem>>) semaphore(%arg17 : memref<!tpu.dma_semaphore, #tpu.memory_space<semaphore_mem>>)
    %scan3A_247 = arith.constant 0 : i32
    %scan3A_248 = arith.constant 0 : i32
    %scan3A_249 = arith.constant 25 : i32
    %scan3A_250 = arith.addi %scan3A_248, %scan3A_249 : i32
    %scan3A_251 = arith.constant 1 : i32
    scf.for %scan3A_861 = %scan3A_248 to %scan3A_250 step %scan3A_251  : i32 {
      %mul3A_862 = arith.constant 16 : i32
      %mul3A_863 = arith.muli %scan3A_861, %mul3A_862 : i32
      %add3A_864 = arith.constant 2000 : i32
      %add3A_865 = arith.addi %add3A_864, %mul3A_863 : i32
      %add3A_866 = arith.constant 2000 : i32
      %add3A_867 = arith.addi %mul3A_0, %add3A_866 : i32
      %mul3A_868 = arith.constant 16 : i32
      %mul3A_869 = arith.muli %scan3A_861, %mul3A_868 : i32
      %add3A_870 = arith.addi %add3A_867, %mul3A_869 : i32
      %get3A = arith.index_cast %add3A_870 : i32 to index
      %get3A_871 = tpu.vector_load %arg6[%get3A] {strides = array<i32>} : memref<20000xf32, #tpu.memory_space<vmem>>, vector<16xf32>,
      %get3A_872 = vector.shape_cast %get3A_871 : vector<16xf32> to vector<16xf32>
      %get3A_873 = arith.index_cast %add3A_865 : i32 to index
      %get3A_874 = tpu.vector_load %arg10[%get3A_873] {strides = array<i32>} : memref<10000xf32, #tpu.memory_space<vmem>>, vector<16xf32>,
      %get3A_875 = vector.shape_cast %get3A_874 : vector<16xf32> to vector<16xf32>
      %mul3A_876 = arith.mulf %get3A_872, %get3A_875 : vector<16xf32>
      %swap3A = arith.index_cast %add3A_865 : i32 to index
      %swap3A_877 = tpu.vector_load %arg9[%swap3A] {strides = array<i32>} : memref<10000xf32, #tpu.memory_space<vmem>>, vector<16xf32>,
      %swap3A_878 = vector.shape_cast %swap3A_877 : vector<16xf32> to vector<16xf32>
      %swap3A_879 = vector.shape_cast %mul3A_876 : vector<16xf32> to vector<16xf32>
      tpu.vector_store %arg9[%swap3A], %swap3A_879 {strides = array<i32>} : memref<10000xf32, #tpu.memory_space<vmem>>, vector<16xf32>,
    }
    %scan3A_252 = arith.constant 25 : i32
    %dma_start3A_253 = arith.constant 2000 : i32
    %dma_start3A_254 = tpu.memref_slice %arg9[%dma_start3A_253] : memref<10000xf32, #tpu.memory_space<vmem>> -> memref<400xf32, #tpu.memory_space<vmem>>
    %dma_start3A_255 = arith.constant 2000 : i32
    %dma_start3A_256 = tpu.memref_slice %arg8[%dma_start3A_255] : memref<10000xi32, #tpu.memory_space<vmem>> -> memref<400xi32, #tpu.memory_space<vmem>>
    %dma_start3A_257 = arith.constant 0 : i32
    %dma_start3A_258 = tpu.memref_slice %arg13[%dma_start3A_257] : memref<10240xf32, #tpu.memory_space<vmem_shared>> -> memref<10240xf32, #tpu.memory_space<vmem_shared>>
    tpu.enqueue_indirect_dma source(%dma_start3A_254 : memref<400xf32, #tpu.memory_space<vmem>>) target(%dma_start3A_258 : memref<10240xf32, #tpu.memory_space<vmem_shared>>) offsets(%dma_start3A_256 : memref<400xi32, #tpu.memory_space<vmem>>) semaphore(%arg18 : memref<!tpu.dma_semaphore, #tpu.memory_space<semaphore_mem>>) {add = true}
    %dma_wait3A_259 = arith.constant 2400 : i32
    %dma_wait3A_260 = tpu.memref_slice %arg10[%dma_wait3A_259] : memref<10000xf32, #tpu.memory_space<vmem>> -> memref<400xf32, #tpu.memory_space<vmem>>
    %dma_wait3A_261 = tpu.memref_slice %arg7[%add3A_241] : memref<20000xi32, #tpu.memory_space<vmem>> -> memref<400xi32, #tpu.memory_space<vmem>>
    %dma_wait3A_262 = arith.constant 0 : i32
    %dma_wait3A_263 = tpu.memref_slice %arg12[%dma_wait3A_262] : memref<10240xf32, #tpu.memory_space<vmem_shared>> -> memref<10240xf32, #tpu.memory_space<vmem_shared>>
    tpu.wait_indirect_dma semaphore(%arg17 : memref<!tpu.dma_semaphore, #tpu.memory_space<semaphore_mem>>) src(%dma_wait3A_263 : memref<10240xf32, #tpu.memory_space<vmem_shared>>) dst(%dma_wait3A_260 : memref<400xf32, #tpu.memory_space<vmem>>)
    %add3A_264 = arith.constant 2800 : i32
    %add3A_265 = arith.addi %mul3A_0, %add3A_264 : i32
    %dma_start3A_266 = arith.constant 2800 : i32
    %dma_start3A_267 = tpu.memref_slice %arg10[%dma_start3A_266] : memref<10000xf32, #tpu.memory_space<vmem>> -> memref<400xf32, #tpu.memory_space<vmem>>
    %dma_start3A_268 = tpu.memref_slice %arg7[%add3A_265] : memref<20000xi32, #tpu.memory_space<vmem>> -> memref<400xi32, #tpu.memory_space<vmem>>
    %dma_start3A_269 = arith.constant 0 : i32
    %dma_start3A_270 = tpu.memref_slice %arg12[%dma_start3A_269] : memref<10240xf32, #tpu.memory_space<vmem_shared>> -> memref<10240xf32, #tpu.memory_space<vmem_shared>>
    tpu.enqueue_indirect_dma source(%dma_start3A_270 : memref<10240xf32, #tpu.memory_space<vmem_shared>>) target(%dma_start3A_267 : memref<400xf32, #tpu.memory_space<vmem>>) offsets(%dma_start3A_268 : memref<400xi32, #tpu.memory_space<vmem>>) semaphore(%arg17 : memref<!tpu.dma_semaphore, #tpu.memory_space<semaphore_mem>>)
    %scan3A_271 = arith.constant 0 : i32
    %scan3A_272 = arith.constant 0 : i32
    %scan3A_273 = arith.constant 25 : i32
    %scan3A_274 = arith.addi %scan3A_272, %scan3A_273 : i32
    %scan3A_275 = arith.constant 1 : i32
    scf.for %scan3A_861 = %scan3A_272 to %scan3A_274 step %scan3A_275  : i32 {
      %mul3A_862 = arith.constant 16 : i32
      %mul3A_863 = arith.muli %scan3A_861, %mul3A_862 : i32
      %add3A_864 = arith.constant 2400 : i32
      %add3A_865 = arith.addi %add3A_864, %mul3A_863 : i32
      %add3A_866 = arith.constant 2400 : i32
      %add3A_867 = arith.addi %mul3A_0, %add3A_866 : i32
      %mul3A_868 = arith.constant 16 : i32
      %mul3A_869 = arith.muli %scan3A_861, %mul3A_868 : i32
      %add3A_870 = arith.addi %add3A_867, %mul3A_869 : i32
      %get3A = arith.index_cast %add3A_870 : i32 to index
      %get3A_871 = tpu.vector_load %arg6[%get3A] {strides = array<i32>} : memref<20000xf32, #tpu.memory_space<vmem>>, vector<16xf32>,
      %get3A_872 = vector.shape_cast %get3A_871 : vector<16xf32> to vector<16xf32>
      %get3A_873 = arith.index_cast %add3A_865 : i32 to index
      %get3A_874 = tpu.vector_load %arg10[%get3A_873] {strides = array<i32>} : memref<10000xf32, #tpu.memory_space<vmem>>, vector<16xf32>,
      %get3A_875 = vector.shape_cast %get3A_874 : vector<16xf32> to vector<16xf32>
      %mul3A_876 = arith.mulf %get3A_872, %get3A_875 : vector<16xf32>
      %swap3A = arith.index_cast %add3A_865 : i32 to index
      %swap3A_877 = tpu.vector_load %arg9[%swap3A] {strides = array<i32>} : memref<10000xf32, #tpu.memory_space<vmem>>, vector<16xf32>,
      %swap3A_878 = vector.shape_cast %swap3A_877 : vector<16xf32> to vector<16xf32>
      %swap3A_879 = vector.shape_cast %mul3A_876 : vector<16xf32> to vector<16xf32>
      tpu.vector_store %arg9[%swap3A], %swap3A_879 {strides = array<i32>} : memref<10000xf32, #tpu.memory_space<vmem>>, vector<16xf32>,
    }
    %scan3A_276 = arith.constant 25 : i32
    %dma_start3A_277 = arith.constant 2400 : i32
    %dma_start3A_278 = tpu.memref_slice %arg9[%dma_start3A_277] : memref<10000xf32, #tpu.memory_space<vmem>> -> memref<400xf32, #tpu.memory_space<vmem>>
    %dma_start3A_279 = arith.constant 2400 : i32
    %dma_start3A_280 = tpu.memref_slice %arg8[%dma_start3A_279] : memref<10000xi32, #tpu.memory_space<vmem>> -> memref<400xi32, #tpu.memory_space<vmem>>
    %dma_start3A_281 = arith.constant 0 : i32
    %dma_start3A_282 = tpu.memref_slice %arg13[%dma_start3A_281] : memref<10240xf32, #tpu.memory_space<vmem_shared>> -> memref<10240xf32, #tpu.memory_space<vmem_shared>>
    tpu.enqueue_indirect_dma source(%dma_start3A_278 : memref<400xf32, #tpu.memory_space<vmem>>) target(%dma_start3A_282 : memref<10240xf32, #tpu.memory_space<vmem_shared>>) offsets(%dma_start3A_280 : memref<400xi32, #tpu.memory_space<vmem>>) semaphore(%arg18 : memref<!tpu.dma_semaphore, #tpu.memory_space<semaphore_mem>>) {add = true}
    %dma_wait3A_283 = arith.constant 2800 : i32
    %dma_wait3A_284 = tpu.memref_slice %arg10[%dma_wait3A_283] : memref<10000xf32, #tpu.memory_space<vmem>> -> memref<400xf32, #tpu.memory_space<vmem>>
    %dma_wait3A_285 = tpu.memref_slice %arg7[%add3A_265] : memref<20000xi32, #tpu.memory_space<vmem>> -> memref<400xi32, #tpu.memory_space<vmem>>
    %dma_wait3A_286 = arith.constant 0 : i32
    %dma_wait3A_287 = tpu.memref_slice %arg12[%dma_wait3A_286] : memref<10240xf32, #tpu.memory_space<vmem_shared>> -> memref<10240xf32, #tpu.memory_space<vmem_shared>>
    tpu.wait_indirect_dma semaphore(%arg17 : memref<!tpu.dma_semaphore, #tpu.memory_space<semaphore_mem>>) src(%dma_wait3A_287 : memref<10240xf32, #tpu.memory_space<vmem_shared>>) dst(%dma_wait3A_284 : memref<400xf32, #tpu.memory_space<vmem>>)
    %add3A_288 = arith.constant 3200 : i32
    %add3A_289 = arith.addi %mul3A_0, %add3A_288 : i32
    %dma_start3A_290 = arith.constant 3200 : i32
    %dma_start3A_291 = tpu.memref_slice %arg10[%dma_start3A_290] : memref<10000xf32, #tpu.memory_space<vmem>> -> memref<400xf32, #tpu.memory_space<vmem>>
    %dma_start3A_292 = tpu.memref_slice %arg7[%add3A_289] : memref<20000xi32, #tpu.memory_space<vmem>> -> memref<400xi32, #tpu.memory_space<vmem>>
    %dma_start3A_293 = arith.constant 0 : i32
    %dma_start3A_294 = tpu.memref_slice %arg12[%dma_start3A_293] : memref<10240xf32, #tpu.memory_space<vmem_shared>> -> memref<10240xf32, #tpu.memory_space<vmem_shared>>
    tpu.enqueue_indirect_dma source(%dma_start3A_294 : memref<10240xf32, #tpu.memory_space<vmem_shared>>) target(%dma_start3A_291 : memref<400xf32, #tpu.memory_space<vmem>>) offsets(%dma_start3A_292 : memref<400xi32, #tpu.memory_space<vmem>>) semaphore(%arg17 : memref<!tpu.dma_semaphore, #tpu.memory_space<semaphore_mem>>)
    %scan3A_295 = arith.constant 0 : i32
    %scan3A_296 = arith.constant 0 : i32
    %scan3A_297 = arith.constant 25 : i32
    %scan3A_298 = arith.addi %scan3A_296, %scan3A_297 : i32
    %scan3A_299 = arith.constant 1 : i32
    scf.for %scan3A_861 = %scan3A_296 to %scan3A_298 step %scan3A_299  : i32 {
      %mul3A_862 = arith.constant 16 : i32
      %mul3A_863 = arith.muli %scan3A_861, %mul3A_862 : i32
      %add3A_864 = arith.constant 2800 : i32
      %add3A_865 = arith.addi %add3A_864, %mul3A_863 : i32
      %add3A_866 = arith.constant 2800 : i32
      %add3A_867 = arith.addi %mul3A_0, %add3A_866 : i32
      %mul3A_868 = arith.constant 16 : i32
      %mul3A_869 = arith.muli %scan3A_861, %mul3A_868 : i32
      %add3A_870 = arith.addi %add3A_867, %mul3A_869 : i32
      %get3A = arith.index_cast %add3A_870 : i32 to index
      %get3A_871 = tpu.vector_load %arg6[%get3A] {strides = array<i32>} : memref<20000xf32, #tpu.memory_space<vmem>>, vector<16xf32>,
      %get3A_872 = vector.shape_cast %get3A_871 : vector<16xf32> to vector<16xf32>
      %get3A_873 = arith.index_cast %add3A_865 : i32 to index
      %get3A_874 = tpu.vector_load %arg10[%get3A_873] {strides = array<i32>} : memref<10000xf32, #tpu.memory_space<vmem>>, vector<16xf32>,
      %get3A_875 = vector.shape_cast %get3A_874 : vector<16xf32> to vector<16xf32>
      %mul3A_876 = arith.mulf %get3A_872, %get3A_875 : vector<16xf32>
      %swap3A = arith.index_cast %add3A_865 : i32 to index
      %swap3A_877 = tpu.vector_load %arg9[%swap3A] {strides = array<i32>} : memref<10000xf32, #tpu.memory_space<vmem>>, vector<16xf32>,
      %swap3A_878 = vector.shape_cast %swap3A_877 : vector<16xf32> to vector<16xf32>
      %swap3A_879 = vector.shape_cast %mul3A_876 : vector<16xf32> to vector<16xf32>
      tpu.vector_store %arg9[%swap3A], %swap3A_879 {strides = array<i32>} : memref<10000xf32, #tpu.memory_space<vmem>>, vector<16xf32>,
    }
    %scan3A_300 = arith.constant 25 : i32
    %dma_start3A_301 = arith.constant 2800 : i32
    %dma_start3A_302 = tpu.memref_slice %arg9[%dma_start3A_301] : memref<10000xf32, #tpu.memory_space<vmem>> -> memref<400xf32, #tpu.memory_space<vmem>>
    %dma_start3A_303 = arith.constant 2800 : i32
    %dma_start3A_304 = tpu.memref_slice %arg8[%dma_start3A_303] : memref<10000xi32, #tpu.memory_space<vmem>> -> memref<400xi32, #tpu.memory_space<vmem>>
    %dma_start3A_305 = arith.constant 0 : i32
    %dma_start3A_306 = tpu.memref_slice %arg13[%dma_start3A_305] : memref<10240xf32, #tpu.memory_space<vmem_shared>> -> memref<10240xf32, #tpu.memory_space<vmem_shared>>
    tpu.enqueue_indirect_dma source(%dma_start3A_302 : memref<400xf32, #tpu.memory_space<vmem>>) target(%dma_start3A_306 : memref<10240xf32, #tpu.memory_space<vmem_shared>>) offsets(%dma_start3A_304 : memref<400xi32, #tpu.memory_space<vmem>>) semaphore(%arg18 : memref<!tpu.dma_semaphore, #tpu.memory_space<semaphore_mem>>) {add = true}
    %dma_wait3A_307 = arith.constant 3200 : i32
    %dma_wait3A_308 = tpu.memref_slice %arg10[%dma_wait3A_307] : memref<10000xf32, #tpu.memory_space<vmem>> -> memref<400xf32, #tpu.memory_space<vmem>>
    %dma_wait3A_309 = tpu.memref_slice %arg7[%add3A_289] : memref<20000xi32, #tpu.memory_space<vmem>> -> memref<400xi32, #tpu.memory_space<vmem>>
    %dma_wait3A_310 = arith.constant 0 : i32
    %dma_wait3A_311 = tpu.memref_slice %arg12[%dma_wait3A_310] : memref<10240xf32, #tpu.memory_space<vmem_shared>> -> memref<10240xf32, #tpu.memory_space<vmem_shared>>
    tpu.wait_indirect_dma semaphore(%arg17 : memref<!tpu.dma_semaphore, #tpu.memory_space<semaphore_mem>>) src(%dma_wait3A_311 : memref<10240xf32, #tpu.memory_space<vmem_shared>>) dst(%dma_wait3A_308 : memref<400xf32, #tpu.memory_space<vmem>>)
    %add3A_312 = arith.constant 3600 : i32
    %add3A_313 = arith.addi %mul3A_0, %add3A_312 : i32
    %dma_start3A_314 = arith.constant 3600 : i32
    %dma_start3A_315 = tpu.memref_slice %arg10[%dma_start3A_314] : memref<10000xf32, #tpu.memory_space<vmem>> -> memref<400xf32, #tpu.memory_space<vmem>>
    %dma_start3A_316 = tpu.memref_slice %arg7[%add3A_313] : memref<20000xi32, #tpu.memory_space<vmem>> -> memref<400xi32, #tpu.memory_space<vmem>>
    %dma_start3A_317 = arith.constant 0 : i32
    %dma_start3A_318 = tpu.memref_slice %arg12[%dma_start3A_317] : memref<10240xf32, #tpu.memory_space<vmem_shared>> -> memref<10240xf32, #tpu.memory_space<vmem_shared>>
    tpu.enqueue_indirect_dma source(%dma_start3A_318 : memref<10240xf32, #tpu.memory_space<vmem_shared>>) target(%dma_start3A_315 : memref<400xf32, #tpu.memory_space<vmem>>) offsets(%dma_start3A_316 : memref<400xi32, #tpu.memory_space<vmem>>) semaphore(%arg17 : memref<!tpu.dma_semaphore, #tpu.memory_space<semaphore_mem>>)
    %scan3A_319 = arith.constant 0 : i32
    %scan3A_320 = arith.constant 0 : i32
    %scan3A_321 = arith.constant 25 : i32
    %scan3A_322 = arith.addi %scan3A_320, %scan3A_321 : i32
    %scan3A_323 = arith.constant 1 : i32
    scf.for %scan3A_861 = %scan3A_320 to %scan3A_322 step %scan3A_323  : i32 {
      %mul3A_862 = arith.constant 16 : i32
      %mul3A_863 = arith.muli %scan3A_861, %mul3A_862 : i32
      %add3A_864 = arith.constant 3200 : i32
      %add3A_865 = arith.addi %add3A_864, %mul3A_863 : i32
      %add3A_866 = arith.constant 3200 : i32
      %add3A_867 = arith.addi %mul3A_0, %add3A_866 : i32
      %mul3A_868 = arith.constant 16 : i32
      %mul3A_869 = arith.muli %scan3A_861, %mul3A_868 : i32
      %add3A_870 = arith.addi %add3A_867, %mul3A_869 : i32
      %get3A = arith.index_cast %add3A_870 : i32 to index
      %get3A_871 = tpu.vector_load %arg6[%get3A] {strides = array<i32>} : memref<20000xf32, #tpu.memory_space<vmem>>, vector<16xf32>,
      %get3A_872 = vector.shape_cast %get3A_871 : vector<16xf32> to vector<16xf32>
      %get3A_873 = arith.index_cast %add3A_865 : i32 to index
      %get3A_874 = tpu.vector_load %arg10[%get3A_873] {strides = array<i32>} : memref<10000xf32, #tpu.memory_space<vmem>>, vector<16xf32>,
      %get3A_875 = vector.shape_cast %get3A_874 : vector<16xf32> to vector<16xf32>
      %mul3A_876 = arith.mulf %get3A_872, %get3A_875 : vector<16xf32>
      %swap3A = arith.index_cast %add3A_865 : i32 to index
      %swap3A_877 = tpu.vector_load %arg9[%swap3A] {strides = array<i32>} : memref<10000xf32, #tpu.memory_space<vmem>>, vector<16xf32>,
      %swap3A_878 = vector.shape_cast %swap3A_877 : vector<16xf32> to vector<16xf32>
      %swap3A_879 = vector.shape_cast %mul3A_876 : vector<16xf32> to vector<16xf32>
      tpu.vector_store %arg9[%swap3A], %swap3A_879 {strides = array<i32>} : memref<10000xf32, #tpu.memory_space<vmem>>, vector<16xf32>,
    }
    %scan3A_324 = arith.constant 25 : i32
    %dma_start3A_325 = arith.constant 3200 : i32
    %dma_start3A_326 = tpu.memref_slice %arg9[%dma_start3A_325] : memref<10000xf32, #tpu.memory_space<vmem>> -> memref<400xf32, #tpu.memory_space<vmem>>
    %dma_start3A_327 = arith.constant 3200 : i32
    %dma_start3A_328 = tpu.memref_slice %arg8[%dma_start3A_327] : memref<10000xi32, #tpu.memory_space<vmem>> -> memref<400xi32, #tpu.memory_space<vmem>>
    %dma_start3A_329 = arith.constant 0 : i32
    %dma_start3A_330 = tpu.memref_slice %arg13[%dma_start3A_329] : memref<10240xf32, #tpu.memory_space<vmem_shared>> -> memref<10240xf32, #tpu.memory_space<vmem_shared>>
    tpu.enqueue_indirect_dma source(%dma_start3A_326 : memref<400xf32, #tpu.memory_space<vmem>>) target(%dma_start3A_330 : memref<10240xf32, #tpu.memory_space<vmem_shared>>) offsets(%dma_start3A_328 : memref<400xi32, #tpu.memory_space<vmem>>) semaphore(%arg18 : memref<!tpu.dma_semaphore, #tpu.memory_space<semaphore_mem>>) {add = true}
    %dma_wait3A_331 = arith.constant 3600 : i32
    %dma_wait3A_332 = tpu.memref_slice %arg10[%dma_wait3A_331] : memref<10000xf32, #tpu.memory_space<vmem>> -> memref<400xf32, #tpu.memory_space<vmem>>
    %dma_wait3A_333 = tpu.memref_slice %arg7[%add3A_313] : memref<20000xi32, #tpu.memory_space<vmem>> -> memref<400xi32, #tpu.memory_space<vmem>>
    %dma_wait3A_334 = arith.constant 0 : i32
    %dma_wait3A_335 = tpu.memref_slice %arg12[%dma_wait3A_334] : memref<10240xf32, #tpu.memory_space<vmem_shared>> -> memref<10240xf32, #tpu.memory_space<vmem_shared>>
    tpu.wait_indirect_dma semaphore(%arg17 : memref<!tpu.dma_semaphore, #tpu.memory_space<semaphore_mem>>) src(%dma_wait3A_335 : memref<10240xf32, #tpu.memory_space<vmem_shared>>) dst(%dma_wait3A_332 : memref<400xf32, #tpu.memory_space<vmem>>)
    %add3A_336 = arith.constant 4000 : i32
    %add3A_337 = arith.addi %mul3A_0, %add3A_336 : i32
    %dma_start3A_338 = arith.constant 4000 : i32
    %dma_start3A_339 = tpu.memref_slice %arg10[%dma_start3A_338] : memref<10000xf32, #tpu.memory_space<vmem>> -> memref<400xf32, #tpu.memory_space<vmem>>
    %dma_start3A_340 = tpu.memref_slice %arg7[%add3A_337] : memref<20000xi32, #tpu.memory_space<vmem>> -> memref<400xi32, #tpu.memory_space<vmem>>
    %dma_start3A_341 = arith.constant 0 : i32
    %dma_start3A_342 = tpu.memref_slice %arg12[%dma_start3A_341] : memref<10240xf32, #tpu.memory_space<vmem_shared>> -> memref<10240xf32, #tpu.memory_space<vmem_shared>>
    tpu.enqueue_indirect_dma source(%dma_start3A_342 : memref<10240xf32, #tpu.memory_space<vmem_shared>>) target(%dma_start3A_339 : memref<400xf32, #tpu.memory_space<vmem>>) offsets(%dma_start3A_340 : memref<400xi32, #tpu.memory_space<vmem>>) semaphore(%arg17 : memref<!tpu.dma_semaphore, #tpu.memory_space<semaphore_mem>>)
    %scan3A_343 = arith.constant 0 : i32
    %scan3A_344 = arith.constant 0 : i32
    %scan3A_345 = arith.constant 25 : i32
    %scan3A_346 = arith.addi %scan3A_344, %scan3A_345 : i32
    %scan3A_347 = arith.constant 1 : i32
    scf.for %scan3A_861 = %scan3A_344 to %scan3A_346 step %scan3A_347  : i32 {
      %mul3A_862 = arith.constant 16 : i32
      %mul3A_863 = arith.muli %scan3A_861, %mul3A_862 : i32
      %add3A_864 = arith.constant 3600 : i32
      %add3A_865 = arith.addi %add3A_864, %mul3A_863 : i32
      %add3A_866 = arith.constant 3600 : i32
      %add3A_867 = arith.addi %mul3A_0, %add3A_866 : i32
      %mul3A_868 = arith.constant 16 : i32
      %mul3A_869 = arith.muli %scan3A_861, %mul3A_868 : i32
      %add3A_870 = arith.addi %add3A_867, %mul3A_869 : i32
      %get3A = arith.index_cast %add3A_870 : i32 to index
      %get3A_871 = tpu.vector_load %arg6[%get3A] {strides = array<i32>} : memref<20000xf32, #tpu.memory_space<vmem>>, vector<16xf32>,
      %get3A_872 = vector.shape_cast %get3A_871 : vector<16xf32> to vector<16xf32>
      %get3A_873 = arith.index_cast %add3A_865 : i32 to index
      %get3A_874 = tpu.vector_load %arg10[%get3A_873] {strides = array<i32>} : memref<10000xf32, #tpu.memory_space<vmem>>, vector<16xf32>,
      %get3A_875 = vector.shape_cast %get3A_874 : vector<16xf32> to vector<16xf32>
      %mul3A_876 = arith.mulf %get3A_872, %get3A_875 : vector<16xf32>
      %swap3A = arith.index_cast %add3A_865 : i32 to index
      %swap3A_877 = tpu.vector_load %arg9[%swap3A] {strides = array<i32>} : memref<10000xf32, #tpu.memory_space<vmem>>, vector<16xf32>,
      %swap3A_878 = vector.shape_cast %swap3A_877 : vector<16xf32> to vector<16xf32>
      %swap3A_879 = vector.shape_cast %mul3A_876 : vector<16xf32> to vector<16xf32>
      tpu.vector_store %arg9[%swap3A], %swap3A_879 {strides = array<i32>} : memref<10000xf32, #tpu.memory_space<vmem>>, vector<16xf32>,
    }
    %scan3A_348 = arith.constant 25 : i32
    %dma_start3A_349 = arith.constant 3600 : i32
    %dma_start3A_350 = tpu.memref_slice %arg9[%dma_start3A_349] : memref<10000xf32, #tpu.memory_space<vmem>> -> memref<400xf32, #tpu.memory_space<vmem>>
    %dma_start3A_351 = arith.constant 3600 : i32
    %dma_start3A_352 = tpu.memref_slice %arg8[%dma_start3A_351] : memref<10000xi32, #tpu.memory_space<vmem>> -> memref<400xi32, #tpu.memory_space<vmem>>
    %dma_start3A_353 = arith.constant 0 : i32
    %dma_start3A_354 = tpu.memref_slice %arg13[%dma_start3A_353] : memref<10240xf32, #tpu.memory_space<vmem_shared>> -> memref<10240xf32, #tpu.memory_space<vmem_shared>>
    tpu.enqueue_indirect_dma source(%dma_start3A_350 : memref<400xf32, #tpu.memory_space<vmem>>) target(%dma_start3A_354 : memref<10240xf32, #tpu.memory_space<vmem_shared>>) offsets(%dma_start3A_352 : memref<400xi32, #tpu.memory_space<vmem>>) semaphore(%arg18 : memref<!tpu.dma_semaphore, #tpu.memory_space<semaphore_mem>>) {add = true}
    %dma_wait3A_355 = arith.constant 4000 : i32
    %dma_wait3A_356 = tpu.memref_slice %arg10[%dma_wait3A_355] : memref<10000xf32, #tpu.memory_space<vmem>> -> memref<400xf32, #tpu.memory_space<vmem>>
    %dma_wait3A_357 = tpu.memref_slice %arg7[%add3A_337] : memref<20000xi32, #tpu.memory_space<vmem>> -> memref<400xi32, #tpu.memory_space<vmem>>
    %dma_wait3A_358 = arith.constant 0 : i32
    %dma_wait3A_359 = tpu.memref_slice %arg12[%dma_wait3A_358] : memref<10240xf32, #tpu.memory_space<vmem_shared>> -> memref<10240xf32, #tpu.memory_space<vmem_shared>>
    tpu.wait_indirect_dma semaphore(%arg17 : memref<!tpu.dma_semaphore, #tpu.memory_space<semaphore_mem>>) src(%dma_wait3A_359 : memref<10240xf32, #tpu.memory_space<vmem_shared>>) dst(%dma_wait3A_356 : memref<400xf32, #tpu.memory_space<vmem>>)
    %add3A_360 = arith.constant 4400 : i32
    %add3A_361 = arith.addi %mul3A_0, %add3A_360 : i32
    %dma_start3A_362 = arith.constant 4400 : i32
    %dma_start3A_363 = tpu.memref_slice %arg10[%dma_start3A_362] : memref<10000xf32, #tpu.memory_space<vmem>> -> memref<400xf32, #tpu.memory_space<vmem>>
    %dma_start3A_364 = tpu.memref_slice %arg7[%add3A_361] : memref<20000xi32, #tpu.memory_space<vmem>> -> memref<400xi32, #tpu.memory_space<vmem>>
    %dma_start3A_365 = arith.constant 0 : i32
    %dma_start3A_366 = tpu.memref_slice %arg12[%dma_start3A_365] : memref<10240xf32, #tpu.memory_space<vmem_shared>> -> memref<10240xf32, #tpu.memory_space<vmem_shared>>
    tpu.enqueue_indirect_dma source(%dma_start3A_366 : memref<10240xf32, #tpu.memory_space<vmem_shared>>) target(%dma_start3A_363 : memref<400xf32, #tpu.memory_space<vmem>>) offsets(%dma_start3A_364 : memref<400xi32, #tpu.memory_space<vmem>>) semaphore(%arg17 : memref<!tpu.dma_semaphore, #tpu.memory_space<semaphore_mem>>)
    %scan3A_367 = arith.constant 0 : i32
    %scan3A_368 = arith.constant 0 : i32
    %scan3A_369 = arith.constant 25 : i32
    %scan3A_370 = arith.addi %scan3A_368, %scan3A_369 : i32
    %scan3A_371 = arith.constant 1 : i32
    scf.for %scan3A_861 = %scan3A_368 to %scan3A_370 step %scan3A_371  : i32 {
      %mul3A_862 = arith.constant 16 : i32
      %mul3A_863 = arith.muli %scan3A_861, %mul3A_862 : i32
      %add3A_864 = arith.constant 4000 : i32
      %add3A_865 = arith.addi %add3A_864, %mul3A_863 : i32
      %add3A_866 = arith.constant 4000 : i32
      %add3A_867 = arith.addi %mul3A_0, %add3A_866 : i32
      %mul3A_868 = arith.constant 16 : i32
      %mul3A_869 = arith.muli %scan3A_861, %mul3A_868 : i32
      %add3A_870 = arith.addi %add3A_867, %mul3A_869 : i32
      %get3A = arith.index_cast %add3A_870 : i32 to index
      %get3A_871 = tpu.vector_load %arg6[%get3A] {strides = array<i32>} : memref<20000xf32, #tpu.memory_space<vmem>>, vector<16xf32>,
      %get3A_872 = vector.shape_cast %get3A_871 : vector<16xf32> to vector<16xf32>
      %get3A_873 = arith.index_cast %add3A_865 : i32 to index
      %get3A_874 = tpu.vector_load %arg10[%get3A_873] {strides = array<i32>} : memref<10000xf32, #tpu.memory_space<vmem>>, vector<16xf32>,
      %get3A_875 = vector.shape_cast %get3A_874 : vector<16xf32> to vector<16xf32>
      %mul3A_876 = arith.mulf %get3A_872, %get3A_875 : vector<16xf32>
      %swap3A = arith.index_cast %add3A_865 : i32 to index
      %swap3A_877 = tpu.vector_load %arg9[%swap3A] {strides = array<i32>} : memref<10000xf32, #tpu.memory_space<vmem>>, vector<16xf32>,
      %swap3A_878 = vector.shape_cast %swap3A_877 : vector<16xf32> to vector<16xf32>
      %swap3A_879 = vector.shape_cast %mul3A_876 : vector<16xf32> to vector<16xf32>
      tpu.vector_store %arg9[%swap3A], %swap3A_879 {strides = array<i32>} : memref<10000xf32, #tpu.memory_space<vmem>>, vector<16xf32>,
    }
    %scan3A_372 = arith.constant 25 : i32
    %dma_start3A_373 = arith.constant 4000 : i32
    %dma_start3A_374 = tpu.memref_slice %arg9[%dma_start3A_373] : memref<10000xf32, #tpu.memory_space<vmem>> -> memref<400xf32, #tpu.memory_space<vmem>>
    %dma_start3A_375 = arith.constant 4000 : i32
    %dma_start3A_376 = tpu.memref_slice %arg8[%dma_start3A_375] : memref<10000xi32, #tpu.memory_space<vmem>> -> memref<400xi32, #tpu.memory_space<vmem>>
    %dma_start3A_377 = arith.constant 0 : i32
    %dma_start3A_378 = tpu.memref_slice %arg13[%dma_start3A_377] : memref<10240xf32, #tpu.memory_space<vmem_shared>> -> memref<10240xf32, #tpu.memory_space<vmem_shared>>
    tpu.enqueue_indirect_dma source(%dma_start3A_374 : memref<400xf32, #tpu.memory_space<vmem>>) target(%dma_start3A_378 : memref<10240xf32, #tpu.memory_space<vmem_shared>>) offsets(%dma_start3A_376 : memref<400xi32, #tpu.memory_space<vmem>>) semaphore(%arg18 : memref<!tpu.dma_semaphore, #tpu.memory_space<semaphore_mem>>) {add = true}
    %dma_wait3A_379 = arith.constant 4400 : i32
    %dma_wait3A_380 = tpu.memref_slice %arg10[%dma_wait3A_379] : memref<10000xf32, #tpu.memory_space<vmem>> -> memref<400xf32, #tpu.memory_space<vmem>>
    %dma_wait3A_381 = tpu.memref_slice %arg7[%add3A_361] : memref<20000xi32, #tpu.memory_space<vmem>> -> memref<400xi32, #tpu.memory_space<vmem>>
    %dma_wait3A_382 = arith.constant 0 : i32
    %dma_wait3A_383 = tpu.memref_slice %arg12[%dma_wait3A_382] : memref<10240xf32, #tpu.memory_space<vmem_shared>> -> memref<10240xf32, #tpu.memory_space<vmem_shared>>
    tpu.wait_indirect_dma semaphore(%arg17 : memref<!tpu.dma_semaphore, #tpu.memory_space<semaphore_mem>>) src(%dma_wait3A_383 : memref<10240xf32, #tpu.memory_space<vmem_shared>>) dst(%dma_wait3A_380 : memref<400xf32, #tpu.memory_space<vmem>>)
    %add3A_384 = arith.constant 4800 : i32
    %add3A_385 = arith.addi %mul3A_0, %add3A_384 : i32
    %dma_start3A_386 = arith.constant 4800 : i32
    %dma_start3A_387 = tpu.memref_slice %arg10[%dma_start3A_386] : memref<10000xf32, #tpu.memory_space<vmem>> -> memref<400xf32, #tpu.memory_space<vmem>>
    %dma_start3A_388 = tpu.memref_slice %arg7[%add3A_385] : memref<20000xi32, #tpu.memory_space<vmem>> -> memref<400xi32, #tpu.memory_space<vmem>>
    %dma_start3A_389 = arith.constant 0 : i32
    %dma_start3A_390 = tpu.memref_slice %arg12[%dma_start3A_389] : memref<10240xf32, #tpu.memory_space<vmem_shared>> -> memref<10240xf32, #tpu.memory_space<vmem_shared>>
    tpu.enqueue_indirect_dma source(%dma_start3A_390 : memref<10240xf32, #tpu.memory_space<vmem_shared>>) target(%dma_start3A_387 : memref<400xf32, #tpu.memory_space<vmem>>) offsets(%dma_start3A_388 : memref<400xi32, #tpu.memory_space<vmem>>) semaphore(%arg17 : memref<!tpu.dma_semaphore, #tpu.memory_space<semaphore_mem>>)
    %scan3A_391 = arith.constant 0 : i32
    %scan3A_392 = arith.constant 0 : i32
    %scan3A_393 = arith.constant 25 : i32
    %scan3A_394 = arith.addi %scan3A_392, %scan3A_393 : i32
    %scan3A_395 = arith.constant 1 : i32
    scf.for %scan3A_861 = %scan3A_392 to %scan3A_394 step %scan3A_395  : i32 {
      %mul3A_862 = arith.constant 16 : i32
      %mul3A_863 = arith.muli %scan3A_861, %mul3A_862 : i32
      %add3A_864 = arith.constant 4400 : i32
      %add3A_865 = arith.addi %add3A_864, %mul3A_863 : i32
      %add3A_866 = arith.constant 4400 : i32
      %add3A_867 = arith.addi %mul3A_0, %add3A_866 : i32
      %mul3A_868 = arith.constant 16 : i32
      %mul3A_869 = arith.muli %scan3A_861, %mul3A_868 : i32
      %add3A_870 = arith.addi %add3A_867, %mul3A_869 : i32
      %get3A = arith.index_cast %add3A_870 : i32 to index
      %get3A_871 = tpu.vector_load %arg6[%get3A] {strides = array<i32>} : memref<20000xf32, #tpu.memory_space<vmem>>, vector<16xf32>,
      %get3A_872 = vector.shape_cast %get3A_871 : vector<16xf32> to vector<16xf32>
      %get3A_873 = arith.index_cast %add3A_865 : i32 to index
      %get3A_874 = tpu.vector_load %arg10[%get3A_873] {strides = array<i32>} : memref<10000xf32, #tpu.memory_space<vmem>>, vector<16xf32>,
      %get3A_875 = vector.shape_cast %get3A_874 : vector<16xf32> to vector<16xf32>
      %mul3A_876 = arith.mulf %get3A_872, %get3A_875 : vector<16xf32>
      %swap3A = arith.index_cast %add3A_865 : i32 to index
      %swap3A_877 = tpu.vector_load %arg9[%swap3A] {strides = array<i32>} : memref<10000xf32, #tpu.memory_space<vmem>>, vector<16xf32>,
      %swap3A_878 = vector.shape_cast %swap3A_877 : vector<16xf32> to vector<16xf32>
      %swap3A_879 = vector.shape_cast %mul3A_876 : vector<16xf32> to vector<16xf32>
      tpu.vector_store %arg9[%swap3A], %swap3A_879 {strides = array<i32>} : memref<10000xf32, #tpu.memory_space<vmem>>, vector<16xf32>,
    }
    %scan3A_396 = arith.constant 25 : i32
    %dma_start3A_397 = arith.constant 4400 : i32
    %dma_start3A_398 = tpu.memref_slice %arg9[%dma_start3A_397] : memref<10000xf32, #tpu.memory_space<vmem>> -> memref<400xf32, #tpu.memory_space<vmem>>
    %dma_start3A_399 = arith.constant 4400 : i32
    %dma_start3A_400 = tpu.memref_slice %arg8[%dma_start3A_399] : memref<10000xi32, #tpu.memory_space<vmem>> -> memref<400xi32, #tpu.memory_space<vmem>>
    %dma_start3A_401 = arith.constant 0 : i32
    %dma_start3A_402 = tpu.memref_slice %arg13[%dma_start3A_401] : memref<10240xf32, #tpu.memory_space<vmem_shared>> -> memref<10240xf32, #tpu.memory_space<vmem_shared>>
    tpu.enqueue_indirect_dma source(%dma_start3A_398 : memref<400xf32, #tpu.memory_space<vmem>>) target(%dma_start3A_402 : memref<10240xf32, #tpu.memory_space<vmem_shared>>) offsets(%dma_start3A_400 : memref<400xi32, #tpu.memory_space<vmem>>) semaphore(%arg18 : memref<!tpu.dma_semaphore, #tpu.memory_space<semaphore_mem>>) {add = true}
    %dma_wait3A_403 = arith.constant 4800 : i32
    %dma_wait3A_404 = tpu.memref_slice %arg10[%dma_wait3A_403] : memref<10000xf32, #tpu.memory_space<vmem>> -> memref<400xf32, #tpu.memory_space<vmem>>
    %dma_wait3A_405 = tpu.memref_slice %arg7[%add3A_385] : memref<20000xi32, #tpu.memory_space<vmem>> -> memref<400xi32, #tpu.memory_space<vmem>>
    %dma_wait3A_406 = arith.constant 0 : i32
    %dma_wait3A_407 = tpu.memref_slice %arg12[%dma_wait3A_406] : memref<10240xf32, #tpu.memory_space<vmem_shared>> -> memref<10240xf32, #tpu.memory_space<vmem_shared>>
    tpu.wait_indirect_dma semaphore(%arg17 : memref<!tpu.dma_semaphore, #tpu.memory_space<semaphore_mem>>) src(%dma_wait3A_407 : memref<10240xf32, #tpu.memory_space<vmem_shared>>) dst(%dma_wait3A_404 : memref<400xf32, #tpu.memory_space<vmem>>)
    %add3A_408 = arith.constant 5200 : i32
    %add3A_409 = arith.addi %mul3A_0, %add3A_408 : i32
    %dma_start3A_410 = arith.constant 5200 : i32
    %dma_start3A_411 = tpu.memref_slice %arg10[%dma_start3A_410] : memref<10000xf32, #tpu.memory_space<vmem>> -> memref<400xf32, #tpu.memory_space<vmem>>
    %dma_start3A_412 = tpu.memref_slice %arg7[%add3A_409] : memref<20000xi32, #tpu.memory_space<vmem>> -> memref<400xi32, #tpu.memory_space<vmem>>
    %dma_start3A_413 = arith.constant 0 : i32
    %dma_start3A_414 = tpu.memref_slice %arg12[%dma_start3A_413] : memref<10240xf32, #tpu.memory_space<vmem_shared>> -> memref<10240xf32, #tpu.memory_space<vmem_shared>>
    tpu.enqueue_indirect_dma source(%dma_start3A_414 : memref<10240xf32, #tpu.memory_space<vmem_shared>>) target(%dma_start3A_411 : memref<400xf32, #tpu.memory_space<vmem>>) offsets(%dma_start3A_412 : memref<400xi32, #tpu.memory_space<vmem>>) semaphore(%arg17 : memref<!tpu.dma_semaphore, #tpu.memory_space<semaphore_mem>>)
    %scan3A_415 = arith.constant 0 : i32
    %scan3A_416 = arith.constant 0 : i32
    %scan3A_417 = arith.constant 25 : i32
    %scan3A_418 = arith.addi %scan3A_416, %scan3A_417 : i32
    %scan3A_419 = arith.constant 1 : i32
    scf.for %scan3A_861 = %scan3A_416 to %scan3A_418 step %scan3A_419  : i32 {
      %mul3A_862 = arith.constant 16 : i32
      %mul3A_863 = arith.muli %scan3A_861, %mul3A_862 : i32
      %add3A_864 = arith.constant 4800 : i32
      %add3A_865 = arith.addi %add3A_864, %mul3A_863 : i32
      %add3A_866 = arith.constant 4800 : i32
      %add3A_867 = arith.addi %mul3A_0, %add3A_866 : i32
      %mul3A_868 = arith.constant 16 : i32
      %mul3A_869 = arith.muli %scan3A_861, %mul3A_868 : i32
      %add3A_870 = arith.addi %add3A_867, %mul3A_869 : i32
      %get3A = arith.index_cast %add3A_870 : i32 to index
      %get3A_871 = tpu.vector_load %arg6[%get3A] {strides = array<i32>} : memref<20000xf32, #tpu.memory_space<vmem>>, vector<16xf32>,
      %get3A_872 = vector.shape_cast %get3A_871 : vector<16xf32> to vector<16xf32>
      %get3A_873 = arith.index_cast %add3A_865 : i32 to index
      %get3A_874 = tpu.vector_load %arg10[%get3A_873] {strides = array<i32>} : memref<10000xf32, #tpu.memory_space<vmem>>, vector<16xf32>,
      %get3A_875 = vector.shape_cast %get3A_874 : vector<16xf32> to vector<16xf32>
      %mul3A_876 = arith.mulf %get3A_872, %get3A_875 : vector<16xf32>
      %swap3A = arith.index_cast %add3A_865 : i32 to index
      %swap3A_877 = tpu.vector_load %arg9[%swap3A] {strides = array<i32>} : memref<10000xf32, #tpu.memory_space<vmem>>, vector<16xf32>,
      %swap3A_878 = vector.shape_cast %swap3A_877 : vector<16xf32> to vector<16xf32>
      %swap3A_879 = vector.shape_cast %mul3A_876 : vector<16xf32> to vector<16xf32>
      tpu.vector_store %arg9[%swap3A], %swap3A_879 {strides = array<i32>} : memref<10000xf32, #tpu.memory_space<vmem>>, vector<16xf32>,
    }
    %scan3A_420 = arith.constant 25 : i32
    %dma_start3A_421 = arith.constant 4800 : i32
    %dma_start3A_422 = tpu.memref_slice %arg9[%dma_start3A_421] : memref<10000xf32, #tpu.memory_space<vmem>> -> memref<400xf32, #tpu.memory_space<vmem>>
    %dma_start3A_423 = arith.constant 4800 : i32
    %dma_start3A_424 = tpu.memref_slice %arg8[%dma_start3A_423] : memref<10000xi32, #tpu.memory_space<vmem>> -> memref<400xi32, #tpu.memory_space<vmem>>
    %dma_start3A_425 = arith.constant 0 : i32
    %dma_start3A_426 = tpu.memref_slice %arg13[%dma_start3A_425] : memref<10240xf32, #tpu.memory_space<vmem_shared>> -> memref<10240xf32, #tpu.memory_space<vmem_shared>>
    tpu.enqueue_indirect_dma source(%dma_start3A_422 : memref<400xf32, #tpu.memory_space<vmem>>) target(%dma_start3A_426 : memref<10240xf32, #tpu.memory_space<vmem_shared>>) offsets(%dma_start3A_424 : memref<400xi32, #tpu.memory_space<vmem>>) semaphore(%arg18 : memref<!tpu.dma_semaphore, #tpu.memory_space<semaphore_mem>>) {add = true}
    %dma_wait3A_427 = arith.constant 5200 : i32
    %dma_wait3A_428 = tpu.memref_slice %arg10[%dma_wait3A_427] : memref<10000xf32, #tpu.memory_space<vmem>> -> memref<400xf32, #tpu.memory_space<vmem>>
    %dma_wait3A_429 = tpu.memref_slice %arg7[%add3A_409] : memref<20000xi32, #tpu.memory_space<vmem>> -> memref<400xi32, #tpu.memory_space<vmem>>
    %dma_wait3A_430 = arith.constant 0 : i32
    %dma_wait3A_431 = tpu.memref_slice %arg12[%dma_wait3A_430] : memref<10240xf32, #tpu.memory_space<vmem_shared>> -> memref<10240xf32, #tpu.memory_space<vmem_shared>>
    tpu.wait_indirect_dma semaphore(%arg17 : memref<!tpu.dma_semaphore, #tpu.memory_space<semaphore_mem>>) src(%dma_wait3A_431 : memref<10240xf32, #tpu.memory_space<vmem_shared>>) dst(%dma_wait3A_428 : memref<400xf32, #tpu.memory_space<vmem>>)
    %add3A_432 = arith.constant 5600 : i32
    %add3A_433 = arith.addi %mul3A_0, %add3A_432 : i32
    %dma_start3A_434 = arith.constant 5600 : i32
    %dma_start3A_435 = tpu.memref_slice %arg10[%dma_start3A_434] : memref<10000xf32, #tpu.memory_space<vmem>> -> memref<400xf32, #tpu.memory_space<vmem>>
    %dma_start3A_436 = tpu.memref_slice %arg7[%add3A_433] : memref<20000xi32, #tpu.memory_space<vmem>> -> memref<400xi32, #tpu.memory_space<vmem>>
    %dma_start3A_437 = arith.constant 0 : i32
    %dma_start3A_438 = tpu.memref_slice %arg12[%dma_start3A_437] : memref<10240xf32, #tpu.memory_space<vmem_shared>> -> memref<10240xf32, #tpu.memory_space<vmem_shared>>
    tpu.enqueue_indirect_dma source(%dma_start3A_438 : memref<10240xf32, #tpu.memory_space<vmem_shared>>) target(%dma_start3A_435 : memref<400xf32, #tpu.memory_space<vmem>>) offsets(%dma_start3A_436 : memref<400xi32, #tpu.memory_space<vmem>>) semaphore(%arg17 : memref<!tpu.dma_semaphore, #tpu.memory_space<semaphore_mem>>)
    %scan3A_439 = arith.constant 0 : i32
    %scan3A_440 = arith.constant 0 : i32
    %scan3A_441 = arith.constant 25 : i32
    %scan3A_442 = arith.addi %scan3A_440, %scan3A_441 : i32
    %scan3A_443 = arith.constant 1 : i32
    scf.for %scan3A_861 = %scan3A_440 to %scan3A_442 step %scan3A_443  : i32 {
      %mul3A_862 = arith.constant 16 : i32
      %mul3A_863 = arith.muli %scan3A_861, %mul3A_862 : i32
      %add3A_864 = arith.constant 5200 : i32
      %add3A_865 = arith.addi %add3A_864, %mul3A_863 : i32
      %add3A_866 = arith.constant 5200 : i32
      %add3A_867 = arith.addi %mul3A_0, %add3A_866 : i32
      %mul3A_868 = arith.constant 16 : i32
      %mul3A_869 = arith.muli %scan3A_861, %mul3A_868 : i32
      %add3A_870 = arith.addi %add3A_867, %mul3A_869 : i32
      %get3A = arith.index_cast %add3A_870 : i32 to index
      %get3A_871 = tpu.vector_load %arg6[%get3A] {strides = array<i32>} : memref<20000xf32, #tpu.memory_space<vmem>>, vector<16xf32>,
      %get3A_872 = vector.shape_cast %get3A_871 : vector<16xf32> to vector<16xf32>
      %get3A_873 = arith.index_cast %add3A_865 : i32 to index
      %get3A_874 = tpu.vector_load %arg10[%get3A_873] {strides = array<i32>} : memref<10000xf32, #tpu.memory_space<vmem>>, vector<16xf32>,
      %get3A_875 = vector.shape_cast %get3A_874 : vector<16xf32> to vector<16xf32>
      %mul3A_876 = arith.mulf %get3A_872, %get3A_875 : vector<16xf32>
      %swap3A = arith.index_cast %add3A_865 : i32 to index
      %swap3A_877 = tpu.vector_load %arg9[%swap3A] {strides = array<i32>} : memref<10000xf32, #tpu.memory_space<vmem>>, vector<16xf32>,
      %swap3A_878 = vector.shape_cast %swap3A_877 : vector<16xf32> to vector<16xf32>
      %swap3A_879 = vector.shape_cast %mul3A_876 : vector<16xf32> to vector<16xf32>
      tpu.vector_store %arg9[%swap3A], %swap3A_879 {strides = array<i32>} : memref<10000xf32, #tpu.memory_space<vmem>>, vector<16xf32>,
    }
    %scan3A_444 = arith.constant 25 : i32
    %dma_start3A_445 = arith.constant 5200 : i32
    %dma_start3A_446 = tpu.memref_slice %arg9[%dma_start3A_445] : memref<10000xf32, #tpu.memory_space<vmem>> -> memref<400xf32, #tpu.memory_space<vmem>>
    %dma_start3A_447 = arith.constant 5200 : i32
    %dma_start3A_448 = tpu.memref_slice %arg8[%dma_start3A_447] : memref<10000xi32, #tpu.memory_space<vmem>> -> memref<400xi32, #tpu.memory_space<vmem>>
    %dma_start3A_449 = arith.constant 0 : i32
    %dma_start3A_450 = tpu.memref_slice %arg13[%dma_start3A_449] : memref<10240xf32, #tpu.memory_space<vmem_shared>> -> memref<10240xf32, #tpu.memory_space<vmem_shared>>
    tpu.enqueue_indirect_dma source(%dma_start3A_446 : memref<400xf32, #tpu.memory_space<vmem>>) target(%dma_start3A_450 : memref<10240xf32, #tpu.memory_space<vmem_shared>>) offsets(%dma_start3A_448 : memref<400xi32, #tpu.memory_space<vmem>>) semaphore(%arg18 : memref<!tpu.dma_semaphore, #tpu.memory_space<semaphore_mem>>) {add = true}
    %dma_wait3A_451 = arith.constant 5600 : i32
    %dma_wait3A_452 = tpu.memref_slice %arg10[%dma_wait3A_451] : memref<10000xf32, #tpu.memory_space<vmem>> -> memref<400xf32, #tpu.memory_space<vmem>>
    %dma_wait3A_453 = tpu.memref_slice %arg7[%add3A_433] : memref<20000xi32, #tpu.memory_space<vmem>> -> memref<400xi32, #tpu.memory_space<vmem>>
    %dma_wait3A_454 = arith.constant 0 : i32
    %dma_wait3A_455 = tpu.memref_slice %arg12[%dma_wait3A_454] : memref<10240xf32, #tpu.memory_space<vmem_shared>> -> memref<10240xf32, #tpu.memory_space<vmem_shared>>
    tpu.wait_indirect_dma semaphore(%arg17 : memref<!tpu.dma_semaphore, #tpu.memory_space<semaphore_mem>>) src(%dma_wait3A_455 : memref<10240xf32, #tpu.memory_space<vmem_shared>>) dst(%dma_wait3A_452 : memref<400xf32, #tpu.memory_space<vmem>>)
    %add3A_456 = arith.constant 6000 : i32
    %add3A_457 = arith.addi %mul3A_0, %add3A_456 : i32
    %dma_start3A_458 = arith.constant 6000 : i32
    %dma_start3A_459 = tpu.memref_slice %arg10[%dma_start3A_458] : memref<10000xf32, #tpu.memory_space<vmem>> -> memref<400xf32, #tpu.memory_space<vmem>>
    %dma_start3A_460 = tpu.memref_slice %arg7[%add3A_457] : memref<20000xi32, #tpu.memory_space<vmem>> -> memref<400xi32, #tpu.memory_space<vmem>>
    %dma_start3A_461 = arith.constant 0 : i32
    %dma_start3A_462 = tpu.memref_slice %arg12[%dma_start3A_461] : memref<10240xf32, #tpu.memory_space<vmem_shared>> -> memref<10240xf32, #tpu.memory_space<vmem_shared>>
    tpu.enqueue_indirect_dma source(%dma_start3A_462 : memref<10240xf32, #tpu.memory_space<vmem_shared>>) target(%dma_start3A_459 : memref<400xf32, #tpu.memory_space<vmem>>) offsets(%dma_start3A_460 : memref<400xi32, #tpu.memory_space<vmem>>) semaphore(%arg17 : memref<!tpu.dma_semaphore, #tpu.memory_space<semaphore_mem>>)
    %scan3A_463 = arith.constant 0 : i32
    %scan3A_464 = arith.constant 0 : i32
    %scan3A_465 = arith.constant 25 : i32
    %scan3A_466 = arith.addi %scan3A_464, %scan3A_465 : i32
    %scan3A_467 = arith.constant 1 : i32
    scf.for %scan3A_861 = %scan3A_464 to %scan3A_466 step %scan3A_467  : i32 {
      %mul3A_862 = arith.constant 16 : i32
      %mul3A_863 = arith.muli %scan3A_861, %mul3A_862 : i32
      %add3A_864 = arith.constant 5600 : i32
      %add3A_865 = arith.addi %add3A_864, %mul3A_863 : i32
      %add3A_866 = arith.constant 5600 : i32
      %add3A_867 = arith.addi %mul3A_0, %add3A_866 : i32
      %mul3A_868 = arith.constant 16 : i32
      %mul3A_869 = arith.muli %scan3A_861, %mul3A_868 : i32
      %add3A_870 = arith.addi %add3A_867, %mul3A_869 : i32
      %get3A = arith.index_cast %add3A_870 : i32 to index
      %get3A_871 = tpu.vector_load %arg6[%get3A] {strides = array<i32>} : memref<20000xf32, #tpu.memory_space<vmem>>, vector<16xf32>,
      %get3A_872 = vector.shape_cast %get3A_871 : vector<16xf32> to vector<16xf32>
      %get3A_873 = arith.index_cast %add3A_865 : i32 to index
      %get3A_874 = tpu.vector_load %arg10[%get3A_873] {strides = array<i32>} : memref<10000xf32, #tpu.memory_space<vmem>>, vector<16xf32>,
      %get3A_875 = vector.shape_cast %get3A_874 : vector<16xf32> to vector<16xf32>
      %mul3A_876 = arith.mulf %get3A_872, %get3A_875 : vector<16xf32>
      %swap3A = arith.index_cast %add3A_865 : i32 to index
      %swap3A_877 = tpu.vector_load %arg9[%swap3A] {strides = array<i32>} : memref<10000xf32, #tpu.memory_space<vmem>>, vector<16xf32>,
      %swap3A_878 = vector.shape_cast %swap3A_877 : vector<16xf32> to vector<16xf32>
      %swap3A_879 = vector.shape_cast %mul3A_876 : vector<16xf32> to vector<16xf32>
      tpu.vector_store %arg9[%swap3A], %swap3A_879 {strides = array<i32>} : memref<10000xf32, #tpu.memory_space<vmem>>, vector<16xf32>,
    }
    %scan3A_468 = arith.constant 25 : i32
    %dma_start3A_469 = arith.constant 5600 : i32
    %dma_start3A_470 = tpu.memref_slice %arg9[%dma_start3A_469] : memref<10000xf32, #tpu.memory_space<vmem>> -> memref<400xf32, #tpu.memory_space<vmem>>
    %dma_start3A_471 = arith.constant 5600 : i32
    %dma_start3A_472 = tpu.memref_slice %arg8[%dma_start3A_471] : memref<10000xi32, #tpu.memory_space<vmem>> -> memref<400xi32, #tpu.memory_space<vmem>>
    %dma_start3A_473 = arith.constant 0 : i32
    %dma_start3A_474 = tpu.memref_slice %arg13[%dma_start3A_473] : memref<10240xf32, #tpu.memory_space<vmem_shared>> -> memref<10240xf32, #tpu.memory_space<vmem_shared>>
    tpu.enqueue_indirect_dma source(%dma_start3A_470 : memref<400xf32, #tpu.memory_space<vmem>>) target(%dma_start3A_474 : memref<10240xf32, #tpu.memory_space<vmem_shared>>) offsets(%dma_start3A_472 : memref<400xi32, #tpu.memory_space<vmem>>) semaphore(%arg18 : memref<!tpu.dma_semaphore, #tpu.memory_space<semaphore_mem>>) {add = true}
    %dma_wait3A_475 = arith.constant 6000 : i32
    %dma_wait3A_476 = tpu.memref_slice %arg10[%dma_wait3A_475] : memref<10000xf32, #tpu.memory_space<vmem>> -> memref<400xf32, #tpu.memory_space<vmem>>
    %dma_wait3A_477 = tpu.memref_slice %arg7[%add3A_457] : memref<20000xi32, #tpu.memory_space<vmem>> -> memref<400xi32, #tpu.memory_space<vmem>>
    %dma_wait3A_478 = arith.constant 0 : i32
    %dma_wait3A_479 = tpu.memref_slice %arg12[%dma_wait3A_478] : memref<10240xf32, #tpu.memory_space<vmem_shared>> -> memref<10240xf32, #tpu.memory_space<vmem_shared>>
    tpu.wait_indirect_dma semaphore(%arg17 : memref<!tpu.dma_semaphore, #tpu.memory_space<semaphore_mem>>) src(%dma_wait3A_479 : memref<10240xf32, #tpu.memory_space<vmem_shared>>) dst(%dma_wait3A_476 : memref<400xf32, #tpu.memory_space<vmem>>)
    %add3A_480 = arith.constant 6400 : i32
    %add3A_481 = arith.addi %mul3A_0, %add3A_480 : i32
    %dma_start3A_482 = arith.constant 6400 : i32
    %dma_start3A_483 = tpu.memref_slice %arg10[%dma_start3A_482] : memref<10000xf32, #tpu.memory_space<vmem>> -> memref<400xf32, #tpu.memory_space<vmem>>
    %dma_start3A_484 = tpu.memref_slice %arg7[%add3A_481] : memref<20000xi32, #tpu.memory_space<vmem>> -> memref<400xi32, #tpu.memory_space<vmem>>
    %dma_start3A_485 = arith.constant 0 : i32
    %dma_start3A_486 = tpu.memref_slice %arg12[%dma_start3A_485] : memref<10240xf32, #tpu.memory_space<vmem_shared>> -> memref<10240xf32, #tpu.memory_space<vmem_shared>>
    tpu.enqueue_indirect_dma source(%dma_start3A_486 : memref<10240xf32, #tpu.memory_space<vmem_shared>>) target(%dma_start3A_483 : memref<400xf32, #tpu.memory_space<vmem>>) offsets(%dma_start3A_484 : memref<400xi32, #tpu.memory_space<vmem>>) semaphore(%arg17 : memref<!tpu.dma_semaphore, #tpu.memory_space<semaphore_mem>>)
    %scan3A_487 = arith.constant 0 : i32
    %scan3A_488 = arith.constant 0 : i32
    %scan3A_489 = arith.constant 25 : i32
    %scan3A_490 = arith.addi %scan3A_488, %scan3A_489 : i32
    %scan3A_491 = arith.constant 1 : i32
    scf.for %scan3A_861 = %scan3A_488 to %scan3A_490 step %scan3A_491  : i32 {
      %mul3A_862 = arith.constant 16 : i32
      %mul3A_863 = arith.muli %scan3A_861, %mul3A_862 : i32
      %add3A_864 = arith.constant 6000 : i32
      %add3A_865 = arith.addi %add3A_864, %mul3A_863 : i32
      %add3A_866 = arith.constant 6000 : i32
      %add3A_867 = arith.addi %mul3A_0, %add3A_866 : i32
      %mul3A_868 = arith.constant 16 : i32
      %mul3A_869 = arith.muli %scan3A_861, %mul3A_868 : i32
      %add3A_870 = arith.addi %add3A_867, %mul3A_869 : i32
      %get3A = arith.index_cast %add3A_870 : i32 to index
      %get3A_871 = tpu.vector_load %arg6[%get3A] {strides = array<i32>} : memref<20000xf32, #tpu.memory_space<vmem>>, vector<16xf32>,
      %get3A_872 = vector.shape_cast %get3A_871 : vector<16xf32> to vector<16xf32>
      %get3A_873 = arith.index_cast %add3A_865 : i32 to index
      %get3A_874 = tpu.vector_load %arg10[%get3A_873] {strides = array<i32>} : memref<10000xf32, #tpu.memory_space<vmem>>, vector<16xf32>,
      %get3A_875 = vector.shape_cast %get3A_874 : vector<16xf32> to vector<16xf32>
      %mul3A_876 = arith.mulf %get3A_872, %get3A_875 : vector<16xf32>
      %swap3A = arith.index_cast %add3A_865 : i32 to index
      %swap3A_877 = tpu.vector_load %arg9[%swap3A] {strides = array<i32>} : memref<10000xf32, #tpu.memory_space<vmem>>, vector<16xf32>,
      %swap3A_878 = vector.shape_cast %swap3A_877 : vector<16xf32> to vector<16xf32>
      %swap3A_879 = vector.shape_cast %mul3A_876 : vector<16xf32> to vector<16xf32>
      tpu.vector_store %arg9[%swap3A], %swap3A_879 {strides = array<i32>} : memref<10000xf32, #tpu.memory_space<vmem>>, vector<16xf32>,
    }
    %scan3A_492 = arith.constant 25 : i32
    %dma_start3A_493 = arith.constant 6000 : i32
    %dma_start3A_494 = tpu.memref_slice %arg9[%dma_start3A_493] : memref<10000xf32, #tpu.memory_space<vmem>> -> memref<400xf32, #tpu.memory_space<vmem>>
    %dma_start3A_495 = arith.constant 6000 : i32
    %dma_start3A_496 = tpu.memref_slice %arg8[%dma_start3A_495] : memref<10000xi32, #tpu.memory_space<vmem>> -> memref<400xi32, #tpu.memory_space<vmem>>
    %dma_start3A_497 = arith.constant 0 : i32
    %dma_start3A_498 = tpu.memref_slice %arg13[%dma_start3A_497] : memref<10240xf32, #tpu.memory_space<vmem_shared>> -> memref<10240xf32, #tpu.memory_space<vmem_shared>>
    tpu.enqueue_indirect_dma source(%dma_start3A_494 : memref<400xf32, #tpu.memory_space<vmem>>) target(%dma_start3A_498 : memref<10240xf32, #tpu.memory_space<vmem_shared>>) offsets(%dma_start3A_496 : memref<400xi32, #tpu.memory_space<vmem>>) semaphore(%arg18 : memref<!tpu.dma_semaphore, #tpu.memory_space<semaphore_mem>>) {add = true}
    %dma_wait3A_499 = arith.constant 6400 : i32
    %dma_wait3A_500 = tpu.memref_slice %arg10[%dma_wait3A_499] : memref<10000xf32, #tpu.memory_space<vmem>> -> memref<400xf32, #tpu.memory_space<vmem>>
    %dma_wait3A_501 = tpu.memref_slice %arg7[%add3A_481] : memref<20000xi32, #tpu.memory_space<vmem>> -> memref<400xi32, #tpu.memory_space<vmem>>
    %dma_wait3A_502 = arith.constant 0 : i32
    %dma_wait3A_503 = tpu.memref_slice %arg12[%dma_wait3A_502] : memref<10240xf32, #tpu.memory_space<vmem_shared>> -> memref<10240xf32, #tpu.memory_space<vmem_shared>>
    tpu.wait_indirect_dma semaphore(%arg17 : memref<!tpu.dma_semaphore, #tpu.memory_space<semaphore_mem>>) src(%dma_wait3A_503 : memref<10240xf32, #tpu.memory_space<vmem_shared>>) dst(%dma_wait3A_500 : memref<400xf32, #tpu.memory_space<vmem>>)
    %add3A_504 = arith.constant 6800 : i32
    %add3A_505 = arith.addi %mul3A_0, %add3A_504 : i32
    %dma_start3A_506 = arith.constant 6800 : i32
    %dma_start3A_507 = tpu.memref_slice %arg10[%dma_start3A_506] : memref<10000xf32, #tpu.memory_space<vmem>> -> memref<400xf32, #tpu.memory_space<vmem>>
    %dma_start3A_508 = tpu.memref_slice %arg7[%add3A_505] : memref<20000xi32, #tpu.memory_space<vmem>> -> memref<400xi32, #tpu.memory_space<vmem>>
    %dma_start3A_509 = arith.constant 0 : i32
    %dma_start3A_510 = tpu.memref_slice %arg12[%dma_start3A_509] : memref<10240xf32, #tpu.memory_space<vmem_shared>> -> memref<10240xf32, #tpu.memory_space<vmem_shared>>
    tpu.enqueue_indirect_dma source(%dma_start3A_510 : memref<10240xf32, #tpu.memory_space<vmem_shared>>) target(%dma_start3A_507 : memref<400xf32, #tpu.memory_space<vmem>>) offsets(%dma_start3A_508 : memref<400xi32, #tpu.memory_space<vmem>>) semaphore(%arg17 : memref<!tpu.dma_semaphore, #tpu.memory_space<semaphore_mem>>)
    %scan3A_511 = arith.constant 0 : i32
    %scan3A_512 = arith.constant 0 : i32
    %scan3A_513 = arith.constant 25 : i32
    %scan3A_514 = arith.addi %scan3A_512, %scan3A_513 : i32
    %scan3A_515 = arith.constant 1 : i32
    scf.for %scan3A_861 = %scan3A_512 to %scan3A_514 step %scan3A_515  : i32 {
      %mul3A_862 = arith.constant 16 : i32
      %mul3A_863 = arith.muli %scan3A_861, %mul3A_862 : i32
      %add3A_864 = arith.constant 6400 : i32
      %add3A_865 = arith.addi %add3A_864, %mul3A_863 : i32
      %add3A_866 = arith.constant 6400 : i32
      %add3A_867 = arith.addi %mul3A_0, %add3A_866 : i32
      %mul3A_868 = arith.constant 16 : i32
      %mul3A_869 = arith.muli %scan3A_861, %mul3A_868 : i32
      %add3A_870 = arith.addi %add3A_867, %mul3A_869 : i32
      %get3A = arith.index_cast %add3A_870 : i32 to index
      %get3A_871 = tpu.vector_load %arg6[%get3A] {strides = array<i32>} : memref<20000xf32, #tpu.memory_space<vmem>>, vector<16xf32>,
      %get3A_872 = vector.shape_cast %get3A_871 : vector<16xf32> to vector<16xf32>
      %get3A_873 = arith.index_cast %add3A_865 : i32 to index
      %get3A_874 = tpu.vector_load %arg10[%get3A_873] {strides = array<i32>} : memref<10000xf32, #tpu.memory_space<vmem>>, vector<16xf32>,
      %get3A_875 = vector.shape_cast %get3A_874 : vector<16xf32> to vector<16xf32>
      %mul3A_876 = arith.mulf %get3A_872, %get3A_875 : vector<16xf32>
      %swap3A = arith.index_cast %add3A_865 : i32 to index
      %swap3A_877 = tpu.vector_load %arg9[%swap3A] {strides = array<i32>} : memref<10000xf32, #tpu.memory_space<vmem>>, vector<16xf32>,
      %swap3A_878 = vector.shape_cast %swap3A_877 : vector<16xf32> to vector<16xf32>
      %swap3A_879 = vector.shape_cast %mul3A_876 : vector<16xf32> to vector<16xf32>
      tpu.vector_store %arg9[%swap3A], %swap3A_879 {strides = array<i32>} : memref<10000xf32, #tpu.memory_space<vmem>>, vector<16xf32>,
    }
    %scan3A_516 = arith.constant 25 : i32
    %dma_start3A_517 = arith.constant 6400 : i32
    %dma_start3A_518 = tpu.memref_slice %arg9[%dma_start3A_517] : memref<10000xf32, #tpu.memory_space<vmem>> -> memref<400xf32, #tpu.memory_space<vmem>>
    %dma_start3A_519 = arith.constant 6400 : i32
    %dma_start3A_520 = tpu.memref_slice %arg8[%dma_start3A_519] : memref<10000xi32, #tpu.memory_space<vmem>> -> memref<400xi32, #tpu.memory_space<vmem>>
    %dma_start3A_521 = arith.constant 0 : i32
    %dma_start3A_522 = tpu.memref_slice %arg13[%dma_start3A_521] : memref<10240xf32, #tpu.memory_space<vmem_shared>> -> memref<10240xf32, #tpu.memory_space<vmem_shared>>
    tpu.enqueue_indirect_dma source(%dma_start3A_518 : memref<400xf32, #tpu.memory_space<vmem>>) target(%dma_start3A_522 : memref<10240xf32, #tpu.memory_space<vmem_shared>>) offsets(%dma_start3A_520 : memref<400xi32, #tpu.memory_space<vmem>>) semaphore(%arg18 : memref<!tpu.dma_semaphore, #tpu.memory_space<semaphore_mem>>) {add = true}
    %dma_wait3A_523 = arith.constant 6800 : i32
    %dma_wait3A_524 = tpu.memref_slice %arg10[%dma_wait3A_523] : memref<10000xf32, #tpu.memory_space<vmem>> -> memref<400xf32, #tpu.memory_space<vmem>>
    %dma_wait3A_525 = tpu.memref_slice %arg7[%add3A_505] : memref<20000xi32, #tpu.memory_space<vmem>> -> memref<400xi32, #tpu.memory_space<vmem>>
    %dma_wait3A_526 = arith.constant 0 : i32
    %dma_wait3A_527 = tpu.memref_slice %arg12[%dma_wait3A_526] : memref<10240xf32, #tpu.memory_space<vmem_shared>> -> memref<10240xf32, #tpu.memory_space<vmem_shared>>
    tpu.wait_indirect_dma semaphore(%arg17 : memref<!tpu.dma_semaphore, #tpu.memory_space<semaphore_mem>>) src(%dma_wait3A_527 : memref<10240xf32, #tpu.memory_space<vmem_shared>>) dst(%dma_wait3A_524 : memref<400xf32, #tpu.memory_space<vmem>>)
    %add3A_528 = arith.constant 7200 : i32
    %add3A_529 = arith.addi %mul3A_0, %add3A_528 : i32
    %dma_start3A_530 = arith.constant 7200 : i32
    %dma_start3A_531 = tpu.memref_slice %arg10[%dma_start3A_530] : memref<10000xf32, #tpu.memory_space<vmem>> -> memref<400xf32, #tpu.memory_space<vmem>>
    %dma_start3A_532 = tpu.memref_slice %arg7[%add3A_529] : memref<20000xi32, #tpu.memory_space<vmem>> -> memref<400xi32, #tpu.memory_space<vmem>>
    %dma_start3A_533 = arith.constant 0 : i32
    %dma_start3A_534 = tpu.memref_slice %arg12[%dma_start3A_533] : memref<10240xf32, #tpu.memory_space<vmem_shared>> -> memref<10240xf32, #tpu.memory_space<vmem_shared>>
    tpu.enqueue_indirect_dma source(%dma_start3A_534 : memref<10240xf32, #tpu.memory_space<vmem_shared>>) target(%dma_start3A_531 : memref<400xf32, #tpu.memory_space<vmem>>) offsets(%dma_start3A_532 : memref<400xi32, #tpu.memory_space<vmem>>) semaphore(%arg17 : memref<!tpu.dma_semaphore, #tpu.memory_space<semaphore_mem>>)
    %scan3A_535 = arith.constant 0 : i32
    %scan3A_536 = arith.constant 0 : i32
    %scan3A_537 = arith.constant 25 : i32
    %scan3A_538 = arith.addi %scan3A_536, %scan3A_537 : i32
    %scan3A_539 = arith.constant 1 : i32
    scf.for %scan3A_861 = %scan3A_536 to %scan3A_538 step %scan3A_539  : i32 {
      %mul3A_862 = arith.constant 16 : i32
      %mul3A_863 = arith.muli %scan3A_861, %mul3A_862 : i32
      %add3A_864 = arith.constant 6800 : i32
      %add3A_865 = arith.addi %add3A_864, %mul3A_863 : i32
      %add3A_866 = arith.constant 6800 : i32
      %add3A_867 = arith.addi %mul3A_0, %add3A_866 : i32
      %mul3A_868 = arith.constant 16 : i32
      %mul3A_869 = arith.muli %scan3A_861, %mul3A_868 : i32
      %add3A_870 = arith.addi %add3A_867, %mul3A_869 : i32
      %get3A = arith.index_cast %add3A_870 : i32 to index
      %get3A_871 = tpu.vector_load %arg6[%get3A] {strides = array<i32>} : memref<20000xf32, #tpu.memory_space<vmem>>, vector<16xf32>,
      %get3A_872 = vector.shape_cast %get3A_871 : vector<16xf32> to vector<16xf32>
      %get3A_873 = arith.index_cast %add3A_865 : i32 to index
      %get3A_874 = tpu.vector_load %arg10[%get3A_873] {strides = array<i32>} : memref<10000xf32, #tpu.memory_space<vmem>>, vector<16xf32>,
      %get3A_875 = vector.shape_cast %get3A_874 : vector<16xf32> to vector<16xf32>
      %mul3A_876 = arith.mulf %get3A_872, %get3A_875 : vector<16xf32>
      %swap3A = arith.index_cast %add3A_865 : i32 to index
      %swap3A_877 = tpu.vector_load %arg9[%swap3A] {strides = array<i32>} : memref<10000xf32, #tpu.memory_space<vmem>>, vector<16xf32>,
      %swap3A_878 = vector.shape_cast %swap3A_877 : vector<16xf32> to vector<16xf32>
      %swap3A_879 = vector.shape_cast %mul3A_876 : vector<16xf32> to vector<16xf32>
      tpu.vector_store %arg9[%swap3A], %swap3A_879 {strides = array<i32>} : memref<10000xf32, #tpu.memory_space<vmem>>, vector<16xf32>,
    }
    %scan3A_540 = arith.constant 25 : i32
    %dma_start3A_541 = arith.constant 6800 : i32
    %dma_start3A_542 = tpu.memref_slice %arg9[%dma_start3A_541] : memref<10000xf32, #tpu.memory_space<vmem>> -> memref<400xf32, #tpu.memory_space<vmem>>
    %dma_start3A_543 = arith.constant 6800 : i32
    %dma_start3A_544 = tpu.memref_slice %arg8[%dma_start3A_543] : memref<10000xi32, #tpu.memory_space<vmem>> -> memref<400xi32, #tpu.memory_space<vmem>>
    %dma_start3A_545 = arith.constant 0 : i32
    %dma_start3A_546 = tpu.memref_slice %arg13[%dma_start3A_545] : memref<10240xf32, #tpu.memory_space<vmem_shared>> -> memref<10240xf32, #tpu.memory_space<vmem_shared>>
    tpu.enqueue_indirect_dma source(%dma_start3A_542 : memref<400xf32, #tpu.memory_space<vmem>>) target(%dma_start3A_546 : memref<10240xf32, #tpu.memory_space<vmem_shared>>) offsets(%dma_start3A_544 : memref<400xi32, #tpu.memory_space<vmem>>) semaphore(%arg18 : memref<!tpu.dma_semaphore, #tpu.memory_space<semaphore_mem>>) {add = true}
    %dma_wait3A_547 = arith.constant 7200 : i32
    %dma_wait3A_548 = tpu.memref_slice %arg10[%dma_wait3A_547] : memref<10000xf32, #tpu.memory_space<vmem>> -> memref<400xf32, #tpu.memory_space<vmem>>
    %dma_wait3A_549 = tpu.memref_slice %arg7[%add3A_529] : memref<20000xi32, #tpu.memory_space<vmem>> -> memref<400xi32, #tpu.memory_space<vmem>>
    %dma_wait3A_550 = arith.constant 0 : i32
    %dma_wait3A_551 = tpu.memref_slice %arg12[%dma_wait3A_550] : memref<10240xf32, #tpu.memory_space<vmem_shared>> -> memref<10240xf32, #tpu.memory_space<vmem_shared>>
    tpu.wait_indirect_dma semaphore(%arg17 : memref<!tpu.dma_semaphore, #tpu.memory_space<semaphore_mem>>) src(%dma_wait3A_551 : memref<10240xf32, #tpu.memory_space<vmem_shared>>) dst(%dma_wait3A_548 : memref<400xf32, #tpu.memory_space<vmem>>)
    %add3A_552 = arith.constant 7600 : i32
    %add3A_553 = arith.addi %mul3A_0, %add3A_552 : i32
    %dma_start3A_554 = arith.constant 7600 : i32
    %dma_start3A_555 = tpu.memref_slice %arg10[%dma_start3A_554] : memref<10000xf32, #tpu.memory_space<vmem>> -> memref<400xf32, #tpu.memory_space<vmem>>
    %dma_start3A_556 = tpu.memref_slice %arg7[%add3A_553] : memref<20000xi32, #tpu.memory_space<vmem>> -> memref<400xi32, #tpu.memory_space<vmem>>
    %dma_start3A_557 = arith.constant 0 : i32
    %dma_start3A_558 = tpu.memref_slice %arg12[%dma_start3A_557] : memref<10240xf32, #tpu.memory_space<vmem_shared>> -> memref<10240xf32, #tpu.memory_space<vmem_shared>>
    tpu.enqueue_indirect_dma source(%dma_start3A_558 : memref<10240xf32, #tpu.memory_space<vmem_shared>>) target(%dma_start3A_555 : memref<400xf32, #tpu.memory_space<vmem>>) offsets(%dma_start3A_556 : memref<400xi32, #tpu.memory_space<vmem>>) semaphore(%arg17 : memref<!tpu.dma_semaphore, #tpu.memory_space<semaphore_mem>>)
    %scan3A_559 = arith.constant 0 : i32
    %scan3A_560 = arith.constant 0 : i32
    %scan3A_561 = arith.constant 25 : i32
    %scan3A_562 = arith.addi %scan3A_560, %scan3A_561 : i32
    %scan3A_563 = arith.constant 1 : i32
    scf.for %scan3A_861 = %scan3A_560 to %scan3A_562 step %scan3A_563  : i32 {
      %mul3A_862 = arith.constant 16 : i32
      %mul3A_863 = arith.muli %scan3A_861, %mul3A_862 : i32
      %add3A_864 = arith.constant 7200 : i32
      %add3A_865 = arith.addi %add3A_864, %mul3A_863 : i32
      %add3A_866 = arith.constant 7200 : i32
      %add3A_867 = arith.addi %mul3A_0, %add3A_866 : i32
      %mul3A_868 = arith.constant 16 : i32
      %mul3A_869 = arith.muli %scan3A_861, %mul3A_868 : i32
      %add3A_870 = arith.addi %add3A_867, %mul3A_869 : i32
      %get3A = arith.index_cast %add3A_870 : i32 to index
      %get3A_871 = tpu.vector_load %arg6[%get3A] {strides = array<i32>} : memref<20000xf32, #tpu.memory_space<vmem>>, vector<16xf32>,
      %get3A_872 = vector.shape_cast %get3A_871 : vector<16xf32> to vector<16xf32>
      %get3A_873 = arith.index_cast %add3A_865 : i32 to index
      %get3A_874 = tpu.vector_load %arg10[%get3A_873] {strides = array<i32>} : memref<10000xf32, #tpu.memory_space<vmem>>, vector<16xf32>,
      %get3A_875 = vector.shape_cast %get3A_874 : vector<16xf32> to vector<16xf32>
      %mul3A_876 = arith.mulf %get3A_872, %get3A_875 : vector<16xf32>
      %swap3A = arith.index_cast %add3A_865 : i32 to index
      %swap3A_877 = tpu.vector_load %arg9[%swap3A] {strides = array<i32>} : memref<10000xf32, #tpu.memory_space<vmem>>, vector<16xf32>,
      %swap3A_878 = vector.shape_cast %swap3A_877 : vector<16xf32> to vector<16xf32>
      %swap3A_879 = vector.shape_cast %mul3A_876 : vector<16xf32> to vector<16xf32>
      tpu.vector_store %arg9[%swap3A], %swap3A_879 {strides = array<i32>} : memref<10000xf32, #tpu.memory_space<vmem>>, vector<16xf32>,
    }
    %scan3A_564 = arith.constant 25 : i32
    %dma_start3A_565 = arith.constant 7200 : i32
    %dma_start3A_566 = tpu.memref_slice %arg9[%dma_start3A_565] : memref<10000xf32, #tpu.memory_space<vmem>> -> memref<400xf32, #tpu.memory_space<vmem>>
    %dma_start3A_567 = arith.constant 7200 : i32
    %dma_start3A_568 = tpu.memref_slice %arg8[%dma_start3A_567] : memref<10000xi32, #tpu.memory_space<vmem>> -> memref<400xi32, #tpu.memory_space<vmem>>
    %dma_start3A_569 = arith.constant 0 : i32
    %dma_start3A_570 = tpu.memref_slice %arg13[%dma_start3A_569] : memref<10240xf32, #tpu.memory_space<vmem_shared>> -> memref<10240xf32, #tpu.memory_space<vmem_shared>>
    tpu.enqueue_indirect_dma source(%dma_start3A_566 : memref<400xf32, #tpu.memory_space<vmem>>) target(%dma_start3A_570 : memref<10240xf32, #tpu.memory_space<vmem_shared>>) offsets(%dma_start3A_568 : memref<400xi32, #tpu.memory_space<vmem>>) semaphore(%arg18 : memref<!tpu.dma_semaphore, #tpu.memory_space<semaphore_mem>>) {add = true}
    %dma_wait3A_571 = arith.constant 7600 : i32
    %dma_wait3A_572 = tpu.memref_slice %arg10[%dma_wait3A_571] : memref<10000xf32, #tpu.memory_space<vmem>> -> memref<400xf32, #tpu.memory_space<vmem>>
    %dma_wait3A_573 = tpu.memref_slice %arg7[%add3A_553] : memref<20000xi32, #tpu.memory_space<vmem>> -> memref<400xi32, #tpu.memory_space<vmem>>
    %dma_wait3A_574 = arith.constant 0 : i32
    %dma_wait3A_575 = tpu.memref_slice %arg12[%dma_wait3A_574] : memref<10240xf32, #tpu.memory_space<vmem_shared>> -> memref<10240xf32, #tpu.memory_space<vmem_shared>>
    tpu.wait_indirect_dma semaphore(%arg17 : memref<!tpu.dma_semaphore, #tpu.memory_space<semaphore_mem>>) src(%dma_wait3A_575 : memref<10240xf32, #tpu.memory_space<vmem_shared>>) dst(%dma_wait3A_572 : memref<400xf32, #tpu.memory_space<vmem>>)
    %add3A_576 = arith.constant 8000 : i32
    %add3A_577 = arith.addi %mul3A_0, %add3A_576 : i32
    %dma_start3A_578 = arith.constant 8000 : i32
    %dma_start3A_579 = tpu.memref_slice %arg10[%dma_start3A_578] : memref<10000xf32, #tpu.memory_space<vmem>> -> memref<400xf32, #tpu.memory_space<vmem>>
    %dma_start3A_580 = tpu.memref_slice %arg7[%add3A_577] : memref<20000xi32, #tpu.memory_space<vmem>> -> memref<400xi32, #tpu.memory_space<vmem>>
    %dma_start3A_581 = arith.constant 0 : i32
    %dma_start3A_582 = tpu.memref_slice %arg12[%dma_start3A_581] : memref<10240xf32, #tpu.memory_space<vmem_shared>> -> memref<10240xf32, #tpu.memory_space<vmem_shared>>
    tpu.enqueue_indirect_dma source(%dma_start3A_582 : memref<10240xf32, #tpu.memory_space<vmem_shared>>) target(%dma_start3A_579 : memref<400xf32, #tpu.memory_space<vmem>>) offsets(%dma_start3A_580 : memref<400xi32, #tpu.memory_space<vmem>>) semaphore(%arg17 : memref<!tpu.dma_semaphore, #tpu.memory_space<semaphore_mem>>)
    %scan3A_583 = arith.constant 0 : i32
    %scan3A_584 = arith.constant 0 : i32
    %scan3A_585 = arith.constant 25 : i32
    %scan3A_586 = arith.addi %scan3A_584, %scan3A_585 : i32
    %scan3A_587 = arith.constant 1 : i32
    scf.for %scan3A_861 = %scan3A_584 to %scan3A_586 step %scan3A_587  : i32 {
      %mul3A_862 = arith.constant 16 : i32
      %mul3A_863 = arith.muli %scan3A_861, %mul3A_862 : i32
      %add3A_864 = arith.constant 7600 : i32
      %add3A_865 = arith.addi %add3A_864, %mul3A_863 : i32
      %add3A_866 = arith.constant 7600 : i32
      %add3A_867 = arith.addi %mul3A_0, %add3A_866 : i32
      %mul3A_868 = arith.constant 16 : i32
      %mul3A_869 = arith.muli %scan3A_861, %mul3A_868 : i32
      %add3A_870 = arith.addi %add3A_867, %mul3A_869 : i32
      %get3A = arith.index_cast %add3A_870 : i32 to index
      %get3A_871 = tpu.vector_load %arg6[%get3A] {strides = array<i32>} : memref<20000xf32, #tpu.memory_space<vmem>>, vector<16xf32>,
      %get3A_872 = vector.shape_cast %get3A_871 : vector<16xf32> to vector<16xf32>
      %get3A_873 = arith.index_cast %add3A_865 : i32 to index
      %get3A_874 = tpu.vector_load %arg10[%get3A_873] {strides = array<i32>} : memref<10000xf32, #tpu.memory_space<vmem>>, vector<16xf32>,
      %get3A_875 = vector.shape_cast %get3A_874 : vector<16xf32> to vector<16xf32>
      %mul3A_876 = arith.mulf %get3A_872, %get3A_875 : vector<16xf32>
      %swap3A = arith.index_cast %add3A_865 : i32 to index
      %swap3A_877 = tpu.vector_load %arg9[%swap3A] {strides = array<i32>} : memref<10000xf32, #tpu.memory_space<vmem>>, vector<16xf32>,
      %swap3A_878 = vector.shape_cast %swap3A_877 : vector<16xf32> to vector<16xf32>
      %swap3A_879 = vector.shape_cast %mul3A_876 : vector<16xf32> to vector<16xf32>
      tpu.vector_store %arg9[%swap3A], %swap3A_879 {strides = array<i32>} : memref<10000xf32, #tpu.memory_space<vmem>>, vector<16xf32>,
    }
    %scan3A_588 = arith.constant 25 : i32
    %dma_start3A_589 = arith.constant 7600 : i32
    %dma_start3A_590 = tpu.memref_slice %arg9[%dma_start3A_589] : memref<10000xf32, #tpu.memory_space<vmem>> -> memref<400xf32, #tpu.memory_space<vmem>>
    %dma_start3A_591 = arith.constant 7600 : i32
    %dma_start3A_592 = tpu.memref_slice %arg8[%dma_start3A_591] : memref<10000xi32, #tpu.memory_space<vmem>> -> memref<400xi32, #tpu.memory_space<vmem>>
    %dma_start3A_593 = arith.constant 0 : i32
    %dma_start3A_594 = tpu.memref_slice %arg13[%dma_start3A_593] : memref<10240xf32, #tpu.memory_space<vmem_shared>> -> memref<10240xf32, #tpu.memory_space<vmem_shared>>
    tpu.enqueue_indirect_dma source(%dma_start3A_590 : memref<400xf32, #tpu.memory_space<vmem>>) target(%dma_start3A_594 : memref<10240xf32, #tpu.memory_space<vmem_shared>>) offsets(%dma_start3A_592 : memref<400xi32, #tpu.memory_space<vmem>>) semaphore(%arg18 : memref<!tpu.dma_semaphore, #tpu.memory_space<semaphore_mem>>) {add = true}
    %dma_wait3A_595 = arith.constant 8000 : i32
    %dma_wait3A_596 = tpu.memref_slice %arg10[%dma_wait3A_595] : memref<10000xf32, #tpu.memory_space<vmem>> -> memref<400xf32, #tpu.memory_space<vmem>>
    %dma_wait3A_597 = tpu.memref_slice %arg7[%add3A_577] : memref<20000xi32, #tpu.memory_space<vmem>> -> memref<400xi32, #tpu.memory_space<vmem>>
    %dma_wait3A_598 = arith.constant 0 : i32
    %dma_wait3A_599 = tpu.memref_slice %arg12[%dma_wait3A_598] : memref<10240xf32, #tpu.memory_space<vmem_shared>> -> memref<10240xf32, #tpu.memory_space<vmem_shared>>
    tpu.wait_indirect_dma semaphore(%arg17 : memref<!tpu.dma_semaphore, #tpu.memory_space<semaphore_mem>>) src(%dma_wait3A_599 : memref<10240xf32, #tpu.memory_space<vmem_shared>>) dst(%dma_wait3A_596 : memref<400xf32, #tpu.memory_space<vmem>>)
    %add3A_600 = arith.constant 8400 : i32
    %add3A_601 = arith.addi %mul3A_0, %add3A_600 : i32
    %dma_start3A_602 = arith.constant 8400 : i32
    %dma_start3A_603 = tpu.memref_slice %arg10[%dma_start3A_602] : memref<10000xf32, #tpu.memory_space<vmem>> -> memref<400xf32, #tpu.memory_space<vmem>>
    %dma_start3A_604 = tpu.memref_slice %arg7[%add3A_601] : memref<20000xi32, #tpu.memory_space<vmem>> -> memref<400xi32, #tpu.memory_space<vmem>>
    %dma_start3A_605 = arith.constant 0 : i32
    %dma_start3A_606 = tpu.memref_slice %arg12[%dma_start3A_605] : memref<10240xf32, #tpu.memory_space<vmem_shared>> -> memref<10240xf32, #tpu.memory_space<vmem_shared>>
    tpu.enqueue_indirect_dma source(%dma_start3A_606 : memref<10240xf32, #tpu.memory_space<vmem_shared>>) target(%dma_start3A_603 : memref<400xf32, #tpu.memory_space<vmem>>) offsets(%dma_start3A_604 : memref<400xi32, #tpu.memory_space<vmem>>) semaphore(%arg17 : memref<!tpu.dma_semaphore, #tpu.memory_space<semaphore_mem>>)
    %scan3A_607 = arith.constant 0 : i32
    %scan3A_608 = arith.constant 0 : i32
    %scan3A_609 = arith.constant 25 : i32
    %scan3A_610 = arith.addi %scan3A_608, %scan3A_609 : i32
    %scan3A_611 = arith.constant 1 : i32
    scf.for %scan3A_861 = %scan3A_608 to %scan3A_610 step %scan3A_611  : i32 {
      %mul3A_862 = arith.constant 16 : i32
      %mul3A_863 = arith.muli %scan3A_861, %mul3A_862 : i32
      %add3A_864 = arith.constant 8000 : i32
      %add3A_865 = arith.addi %add3A_864, %mul3A_863 : i32
      %add3A_866 = arith.constant 8000 : i32
      %add3A_867 = arith.addi %mul3A_0, %add3A_866 : i32
      %mul3A_868 = arith.constant 16 : i32
      %mul3A_869 = arith.muli %scan3A_861, %mul3A_868 : i32
      %add3A_870 = arith.addi %add3A_867, %mul3A_869 : i32
      %get3A = arith.index_cast %add3A_870 : i32 to index
      %get3A_871 = tpu.vector_load %arg6[%get3A] {strides = array<i32>} : memref<20000xf32, #tpu.memory_space<vmem>>, vector<16xf32>,
      %get3A_872 = vector.shape_cast %get3A_871 : vector<16xf32> to vector<16xf32>
      %get3A_873 = arith.index_cast %add3A_865 : i32 to index
      %get3A_874 = tpu.vector_load %arg10[%get3A_873] {strides = array<i32>} : memref<10000xf32, #tpu.memory_space<vmem>>, vector<16xf32>,
      %get3A_875 = vector.shape_cast %get3A_874 : vector<16xf32> to vector<16xf32>
      %mul3A_876 = arith.mulf %get3A_872, %get3A_875 : vector<16xf32>
      %swap3A = arith.index_cast %add3A_865 : i32 to index
      %swap3A_877 = tpu.vector_load %arg9[%swap3A] {strides = array<i32>} : memref<10000xf32, #tpu.memory_space<vmem>>, vector<16xf32>,
      %swap3A_878 = vector.shape_cast %swap3A_877 : vector<16xf32> to vector<16xf32>
      %swap3A_879 = vector.shape_cast %mul3A_876 : vector<16xf32> to vector<16xf32>
      tpu.vector_store %arg9[%swap3A], %swap3A_879 {strides = array<i32>} : memref<10000xf32, #tpu.memory_space<vmem>>, vector<16xf32>,
    }
    %scan3A_612 = arith.constant 25 : i32
    %dma_start3A_613 = arith.constant 8000 : i32
    %dma_start3A_614 = tpu.memref_slice %arg9[%dma_start3A_613] : memref<10000xf32, #tpu.memory_space<vmem>> -> memref<400xf32, #tpu.memory_space<vmem>>
    %dma_start3A_615 = arith.constant 8000 : i32
    %dma_start3A_616 = tpu.memref_slice %arg8[%dma_start3A_615] : memref<10000xi32, #tpu.memory_space<vmem>> -> memref<400xi32, #tpu.memory_space<vmem>>
    %dma_start3A_617 = arith.constant 0 : i32
    %dma_start3A_618 = tpu.memref_slice %arg13[%dma_start3A_617] : memref<10240xf32, #tpu.memory_space<vmem_shared>> -> memref<10240xf32, #tpu.memory_space<vmem_shared>>
    tpu.enqueue_indirect_dma source(%dma_start3A_614 : memref<400xf32, #tpu.memory_space<vmem>>) target(%dma_start3A_618 : memref<10240xf32, #tpu.memory_space<vmem_shared>>) offsets(%dma_start3A_616 : memref<400xi32, #tpu.memory_space<vmem>>) semaphore(%arg18 : memref<!tpu.dma_semaphore, #tpu.memory_space<semaphore_mem>>) {add = true}
    %dma_wait3A_619 = arith.constant 8400 : i32
    %dma_wait3A_620 = tpu.memref_slice %arg10[%dma_wait3A_619] : memref<10000xf32, #tpu.memory_space<vmem>> -> memref<400xf32, #tpu.memory_space<vmem>>
    %dma_wait3A_621 = tpu.memref_slice %arg7[%add3A_601] : memref<20000xi32, #tpu.memory_space<vmem>> -> memref<400xi32, #tpu.memory_space<vmem>>
    %dma_wait3A_622 = arith.constant 0 : i32
    %dma_wait3A_623 = tpu.memref_slice %arg12[%dma_wait3A_622] : memref<10240xf32, #tpu.memory_space<vmem_shared>> -> memref<10240xf32, #tpu.memory_space<vmem_shared>>
    tpu.wait_indirect_dma semaphore(%arg17 : memref<!tpu.dma_semaphore, #tpu.memory_space<semaphore_mem>>) src(%dma_wait3A_623 : memref<10240xf32, #tpu.memory_space<vmem_shared>>) dst(%dma_wait3A_620 : memref<400xf32, #tpu.memory_space<vmem>>)
    %add3A_624 = arith.constant 8800 : i32
    %add3A_625 = arith.addi %mul3A_0, %add3A_624 : i32
    %dma_start3A_626 = arith.constant 8800 : i32
    %dma_start3A_627 = tpu.memref_slice %arg10[%dma_start3A_626] : memref<10000xf32, #tpu.memory_space<vmem>> -> memref<400xf32, #tpu.memory_space<vmem>>
    %dma_start3A_628 = tpu.memref_slice %arg7[%add3A_625] : memref<20000xi32, #tpu.memory_space<vmem>> -> memref<400xi32, #tpu.memory_space<vmem>>
    %dma_start3A_629 = arith.constant 0 : i32
    %dma_start3A_630 = tpu.memref_slice %arg12[%dma_start3A_629] : memref<10240xf32, #tpu.memory_space<vmem_shared>> -> memref<10240xf32, #tpu.memory_space<vmem_shared>>
    tpu.enqueue_indirect_dma source(%dma_start3A_630 : memref<10240xf32, #tpu.memory_space<vmem_shared>>) target(%dma_start3A_627 : memref<400xf32, #tpu.memory_space<vmem>>) offsets(%dma_start3A_628 : memref<400xi32, #tpu.memory_space<vmem>>) semaphore(%arg17 : memref<!tpu.dma_semaphore, #tpu.memory_space<semaphore_mem>>)
    %scan3A_631 = arith.constant 0 : i32
    %scan3A_632 = arith.constant 0 : i32
    %scan3A_633 = arith.constant 25 : i32
    %scan3A_634 = arith.addi %scan3A_632, %scan3A_633 : i32
    %scan3A_635 = arith.constant 1 : i32
    scf.for %scan3A_861 = %scan3A_632 to %scan3A_634 step %scan3A_635  : i32 {
      %mul3A_862 = arith.constant 16 : i32
      %mul3A_863 = arith.muli %scan3A_861, %mul3A_862 : i32
      %add3A_864 = arith.constant 8400 : i32
      %add3A_865 = arith.addi %add3A_864, %mul3A_863 : i32
      %add3A_866 = arith.constant 8400 : i32
      %add3A_867 = arith.addi %mul3A_0, %add3A_866 : i32
      %mul3A_868 = arith.constant 16 : i32
      %mul3A_869 = arith.muli %scan3A_861, %mul3A_868 : i32
      %add3A_870 = arith.addi %add3A_867, %mul3A_869 : i32
      %get3A = arith.index_cast %add3A_870 : i32 to index
      %get3A_871 = tpu.vector_load %arg6[%get3A] {strides = array<i32>} : memref<20000xf32, #tpu.memory_space<vmem>>, vector<16xf32>,
      %get3A_872 = vector.shape_cast %get3A_871 : vector<16xf32> to vector<16xf32>
      %get3A_873 = arith.index_cast %add3A_865 : i32 to index
      %get3A_874 = tpu.vector_load %arg10[%get3A_873] {strides = array<i32>} : memref<10000xf32, #tpu.memory_space<vmem>>, vector<16xf32>,
      %get3A_875 = vector.shape_cast %get3A_874 : vector<16xf32> to vector<16xf32>
      %mul3A_876 = arith.mulf %get3A_872, %get3A_875 : vector<16xf32>
      %swap3A = arith.index_cast %add3A_865 : i32 to index
      %swap3A_877 = tpu.vector_load %arg9[%swap3A] {strides = array<i32>} : memref<10000xf32, #tpu.memory_space<vmem>>, vector<16xf32>,
      %swap3A_878 = vector.shape_cast %swap3A_877 : vector<16xf32> to vector<16xf32>
      %swap3A_879 = vector.shape_cast %mul3A_876 : vector<16xf32> to vector<16xf32>
      tpu.vector_store %arg9[%swap3A], %swap3A_879 {strides = array<i32>} : memref<10000xf32, #tpu.memory_space<vmem>>, vector<16xf32>,
    }
    %scan3A_636 = arith.constant 25 : i32
    %dma_start3A_637 = arith.constant 8400 : i32
    %dma_start3A_638 = tpu.memref_slice %arg9[%dma_start3A_637] : memref<10000xf32, #tpu.memory_space<vmem>> -> memref<400xf32, #tpu.memory_space<vmem>>
    %dma_start3A_639 = arith.constant 8400 : i32
    %dma_start3A_640 = tpu.memref_slice %arg8[%dma_start3A_639] : memref<10000xi32, #tpu.memory_space<vmem>> -> memref<400xi32, #tpu.memory_space<vmem>>
    %dma_start3A_641 = arith.constant 0 : i32
    %dma_start3A_642 = tpu.memref_slice %arg13[%dma_start3A_641] : memref<10240xf32, #tpu.memory_space<vmem_shared>> -> memref<10240xf32, #tpu.memory_space<vmem_shared>>
    tpu.enqueue_indirect_dma source(%dma_start3A_638 : memref<400xf32, #tpu.memory_space<vmem>>) target(%dma_start3A_642 : memref<10240xf32, #tpu.memory_space<vmem_shared>>) offsets(%dma_start3A_640 : memref<400xi32, #tpu.memory_space<vmem>>) semaphore(%arg18 : memref<!tpu.dma_semaphore, #tpu.memory_space<semaphore_mem>>) {add = true}
    %dma_wait3A_643 = arith.constant 8800 : i32
    %dma_wait3A_644 = tpu.memref_slice %arg10[%dma_wait3A_643] : memref<10000xf32, #tpu.memory_space<vmem>> -> memref<400xf32, #tpu.memory_space<vmem>>
    %dma_wait3A_645 = tpu.memref_slice %arg7[%add3A_625] : memref<20000xi32, #tpu.memory_space<vmem>> -> memref<400xi32, #tpu.memory_space<vmem>>
    %dma_wait3A_646 = arith.constant 0 : i32
    %dma_wait3A_647 = tpu.memref_slice %arg12[%dma_wait3A_646] : memref<10240xf32, #tpu.memory_space<vmem_shared>> -> memref<10240xf32, #tpu.memory_space<vmem_shared>>
    tpu.wait_indirect_dma semaphore(%arg17 : memref<!tpu.dma_semaphore, #tpu.memory_space<semaphore_mem>>) src(%dma_wait3A_647 : memref<10240xf32, #tpu.memory_space<vmem_shared>>) dst(%dma_wait3A_644 : memref<400xf32, #tpu.memory_space<vmem>>)
    %add3A_648 = arith.constant 9200 : i32
    %add3A_649 = arith.addi %mul3A_0, %add3A_648 : i32
    %dma_start3A_650 = arith.constant 9200 : i32
    %dma_start3A_651 = tpu.memref_slice %arg10[%dma_start3A_650] : memref<10000xf32, #tpu.memory_space<vmem>> -> memref<400xf32, #tpu.memory_space<vmem>>
    %dma_start3A_652 = tpu.memref_slice %arg7[%add3A_649] : memref<20000xi32, #tpu.memory_space<vmem>> -> memref<400xi32, #tpu.memory_space<vmem>>
    %dma_start3A_653 = arith.constant 0 : i32
    %dma_start3A_654 = tpu.memref_slice %arg12[%dma_start3A_653] : memref<10240xf32, #tpu.memory_space<vmem_shared>> -> memref<10240xf32, #tpu.memory_space<vmem_shared>>
    tpu.enqueue_indirect_dma source(%dma_start3A_654 : memref<10240xf32, #tpu.memory_space<vmem_shared>>) target(%dma_start3A_651 : memref<400xf32, #tpu.memory_space<vmem>>) offsets(%dma_start3A_652 : memref<400xi32, #tpu.memory_space<vmem>>) semaphore(%arg17 : memref<!tpu.dma_semaphore, #tpu.memory_space<semaphore_mem>>)
    %scan3A_655 = arith.constant 0 : i32
    %scan3A_656 = arith.constant 0 : i32
    %scan3A_657 = arith.constant 25 : i32
    %scan3A_658 = arith.addi %scan3A_656, %scan3A_657 : i32
    %scan3A_659 = arith.constant 1 : i32
    scf.for %scan3A_861 = %scan3A_656 to %scan3A_658 step %scan3A_659  : i32 {
      %mul3A_862 = arith.constant 16 : i32
      %mul3A_863 = arith.muli %scan3A_861, %mul3A_862 : i32
      %add3A_864 = arith.constant 8800 : i32
      %add3A_865 = arith.addi %add3A_864, %mul3A_863 : i32
      %add3A_866 = arith.constant 8800 : i32
      %add3A_867 = arith.addi %mul3A_0, %add3A_866 : i32
      %mul3A_868 = arith.constant 16 : i32
      %mul3A_869 = arith.muli %scan3A_861, %mul3A_868 : i32
      %add3A_870 = arith.addi %add3A_867, %mul3A_869 : i32
      %get3A = arith.index_cast %add3A_870 : i32 to index
      %get3A_871 = tpu.vector_load %arg6[%get3A] {strides = array<i32>} : memref<20000xf32, #tpu.memory_space<vmem>>, vector<16xf32>,
      %get3A_872 = vector.shape_cast %get3A_871 : vector<16xf32> to vector<16xf32>
      %get3A_873 = arith.index_cast %add3A_865 : i32 to index
      %get3A_874 = tpu.vector_load %arg10[%get3A_873] {strides = array<i32>} : memref<10000xf32, #tpu.memory_space<vmem>>, vector<16xf32>,
      %get3A_875 = vector.shape_cast %get3A_874 : vector<16xf32> to vector<16xf32>
      %mul3A_876 = arith.mulf %get3A_872, %get3A_875 : vector<16xf32>
      %swap3A = arith.index_cast %add3A_865 : i32 to index
      %swap3A_877 = tpu.vector_load %arg9[%swap3A] {strides = array<i32>} : memref<10000xf32, #tpu.memory_space<vmem>>, vector<16xf32>,
      %swap3A_878 = vector.shape_cast %swap3A_877 : vector<16xf32> to vector<16xf32>
      %swap3A_879 = vector.shape_cast %mul3A_876 : vector<16xf32> to vector<16xf32>
      tpu.vector_store %arg9[%swap3A], %swap3A_879 {strides = array<i32>} : memref<10000xf32, #tpu.memory_space<vmem>>, vector<16xf32>,
    }
    %scan3A_660 = arith.constant 25 : i32
    %dma_start3A_661 = arith.constant 8800 : i32
    %dma_start3A_662 = tpu.memref_slice %arg9[%dma_start3A_661] : memref<10000xf32, #tpu.memory_space<vmem>> -> memref<400xf32, #tpu.memory_space<vmem>>
    %dma_start3A_663 = arith.constant 8800 : i32
    %dma_start3A_664 = tpu.memref_slice %arg8[%dma_start3A_663] : memref<10000xi32, #tpu.memory_space<vmem>> -> memref<400xi32, #tpu.memory_space<vmem>>
    %dma_start3A_665 = arith.constant 0 : i32
    %dma_start3A_666 = tpu.memref_slice %arg13[%dma_start3A_665] : memref<10240xf32, #tpu.memory_space<vmem_shared>> -> memref<10240xf32, #tpu.memory_space<vmem_shared>>
    tpu.enqueue_indirect_dma source(%dma_start3A_662 : memref<400xf32, #tpu.memory_space<vmem>>) target(%dma_start3A_666 : memref<10240xf32, #tpu.memory_space<vmem_shared>>) offsets(%dma_start3A_664 : memref<400xi32, #tpu.memory_space<vmem>>) semaphore(%arg18 : memref<!tpu.dma_semaphore, #tpu.memory_space<semaphore_mem>>) {add = true}
    %dma_wait3A_667 = arith.constant 9200 : i32
    %dma_wait3A_668 = tpu.memref_slice %arg10[%dma_wait3A_667] : memref<10000xf32, #tpu.memory_space<vmem>> -> memref<400xf32, #tpu.memory_space<vmem>>
    %dma_wait3A_669 = tpu.memref_slice %arg7[%add3A_649] : memref<20000xi32, #tpu.memory_space<vmem>> -> memref<400xi32, #tpu.memory_space<vmem>>
    %dma_wait3A_670 = arith.constant 0 : i32
    %dma_wait3A_671 = tpu.memref_slice %arg12[%dma_wait3A_670] : memref<10240xf32, #tpu.memory_space<vmem_shared>> -> memref<10240xf32, #tpu.memory_space<vmem_shared>>
    tpu.wait_indirect_dma semaphore(%arg17 : memref<!tpu.dma_semaphore, #tpu.memory_space<semaphore_mem>>) src(%dma_wait3A_671 : memref<10240xf32, #tpu.memory_space<vmem_shared>>) dst(%dma_wait3A_668 : memref<400xf32, #tpu.memory_space<vmem>>)
    %add3A_672 = arith.constant 9600 : i32
    %add3A_673 = arith.addi %mul3A_0, %add3A_672 : i32
    %dma_start3A_674 = arith.constant 9600 : i32
    %dma_start3A_675 = tpu.memref_slice %arg10[%dma_start3A_674] : memref<10000xf32, #tpu.memory_space<vmem>> -> memref<400xf32, #tpu.memory_space<vmem>>
    %dma_start3A_676 = tpu.memref_slice %arg7[%add3A_673] : memref<20000xi32, #tpu.memory_space<vmem>> -> memref<400xi32, #tpu.memory_space<vmem>>
    %dma_start3A_677 = arith.constant 0 : i32
    %dma_start3A_678 = tpu.memref_slice %arg12[%dma_start3A_677] : memref<10240xf32, #tpu.memory_space<vmem_shared>> -> memref<10240xf32, #tpu.memory_space<vmem_shared>>
    tpu.enqueue_indirect_dma source(%dma_start3A_678 : memref<10240xf32, #tpu.memory_space<vmem_shared>>) target(%dma_start3A_675 : memref<400xf32, #tpu.memory_space<vmem>>) offsets(%dma_start3A_676 : memref<400xi32, #tpu.memory_space<vmem>>) semaphore(%arg17 : memref<!tpu.dma_semaphore, #tpu.memory_space<semaphore_mem>>)
    %scan3A_679 = arith.constant 0 : i32
    %scan3A_680 = arith.constant 0 : i32
    %scan3A_681 = arith.constant 25 : i32
    %scan3A_682 = arith.addi %scan3A_680, %scan3A_681 : i32
    %scan3A_683 = arith.constant 1 : i32
    scf.for %scan3A_861 = %scan3A_680 to %scan3A_682 step %scan3A_683  : i32 {
      %mul3A_862 = arith.constant 16 : i32
      %mul3A_863 = arith.muli %scan3A_861, %mul3A_862 : i32
      %add3A_864 = arith.constant 9200 : i32
      %add3A_865 = arith.addi %add3A_864, %mul3A_863 : i32
      %add3A_866 = arith.constant 9200 : i32
      %add3A_867 = arith.addi %mul3A_0, %add3A_866 : i32
      %mul3A_868 = arith.constant 16 : i32
      %mul3A_869 = arith.muli %scan3A_861, %mul3A_868 : i32
      %add3A_870 = arith.addi %add3A_867, %mul3A_869 : i32
      %get3A = arith.index_cast %add3A_870 : i32 to index
      %get3A_871 = tpu.vector_load %arg6[%get3A] {strides = array<i32>} : memref<20000xf32, #tpu.memory_space<vmem>>, vector<16xf32>,
      %get3A_872 = vector.shape_cast %get3A_871 : vector<16xf32> to vector<16xf32>
      %get3A_873 = arith.index_cast %add3A_865 : i32 to index
      %get3A_874 = tpu.vector_load %arg10[%get3A_873] {strides = array<i32>} : memref<10000xf32, #tpu.memory_space<vmem>>, vector<16xf32>,
      %get3A_875 = vector.shape_cast %get3A_874 : vector<16xf32> to vector<16xf32>
      %mul3A_876 = arith.mulf %get3A_872, %get3A_875 : vector<16xf32>
      %swap3A = arith.index_cast %add3A_865 : i32 to index
      %swap3A_877 = tpu.vector_load %arg9[%swap3A] {strides = array<i32>} : memref<10000xf32, #tpu.memory_space<vmem>>, vector<16xf32>,
      %swap3A_878 = vector.shape_cast %swap3A_877 : vector<16xf32> to vector<16xf32>
      %swap3A_879 = vector.shape_cast %mul3A_876 : vector<16xf32> to vector<16xf32>
      tpu.vector_store %arg9[%swap3A], %swap3A_879 {strides = array<i32>} : memref<10000xf32, #tpu.memory_space<vmem>>, vector<16xf32>,
    }
    %scan3A_684 = arith.constant 25 : i32
    %dma_start3A_685 = arith.constant 9200 : i32
    %dma_start3A_686 = tpu.memref_slice %arg9[%dma_start3A_685] : memref<10000xf32, #tpu.memory_space<vmem>> -> memref<400xf32, #tpu.memory_space<vmem>>
    %dma_start3A_687 = arith.constant 9200 : i32
    %dma_start3A_688 = tpu.memref_slice %arg8[%dma_start3A_687] : memref<10000xi32, #tpu.memory_space<vmem>> -> memref<400xi32, #tpu.memory_space<vmem>>
    %dma_start3A_689 = arith.constant 0 : i32
    %dma_start3A_690 = tpu.memref_slice %arg13[%dma_start3A_689] : memref<10240xf32, #tpu.memory_space<vmem_shared>> -> memref<10240xf32, #tpu.memory_space<vmem_shared>>
    tpu.enqueue_indirect_dma source(%dma_start3A_686 : memref<400xf32, #tpu.memory_space<vmem>>) target(%dma_start3A_690 : memref<10240xf32, #tpu.memory_space<vmem_shared>>) offsets(%dma_start3A_688 : memref<400xi32, #tpu.memory_space<vmem>>) semaphore(%arg18 : memref<!tpu.dma_semaphore, #tpu.memory_space<semaphore_mem>>) {add = true}
    %dma_wait3A_691 = arith.constant 9600 : i32
    %dma_wait3A_692 = tpu.memref_slice %arg10[%dma_wait3A_691] : memref<10000xf32, #tpu.memory_space<vmem>> -> memref<400xf32, #tpu.memory_space<vmem>>
    %dma_wait3A_693 = tpu.memref_slice %arg7[%add3A_673] : memref<20000xi32, #tpu.memory_space<vmem>> -> memref<400xi32, #tpu.memory_space<vmem>>
    %dma_wait3A_694 = arith.constant 0 : i32
    %dma_wait3A_695 = tpu.memref_slice %arg12[%dma_wait3A_694] : memref<10240xf32, #tpu.memory_space<vmem_shared>> -> memref<10240xf32, #tpu.memory_space<vmem_shared>>
    tpu.wait_indirect_dma semaphore(%arg17 : memref<!tpu.dma_semaphore, #tpu.memory_space<semaphore_mem>>) src(%dma_wait3A_695 : memref<10240xf32, #tpu.memory_space<vmem_shared>>) dst(%dma_wait3A_692 : memref<400xf32, #tpu.memory_space<vmem>>)
    %scan3A_696 = arith.constant 0 : i32
    %scan3A_697 = arith.constant 0 : i32
    %scan3A_698 = arith.constant 25 : i32
    %scan3A_699 = arith.addi %scan3A_697, %scan3A_698 : i32
    %scan3A_700 = arith.constant 1 : i32
    scf.for %scan3A_861 = %scan3A_697 to %scan3A_699 step %scan3A_700  : i32 {
      %mul3A_862 = arith.constant 16 : i32
      %mul3A_863 = arith.muli %scan3A_861, %mul3A_862 : i32
      %add3A_864 = arith.constant 9600 : i32
      %add3A_865 = arith.addi %add3A_864, %mul3A_863 : i32
      %add3A_866 = arith.constant 9600 : i32
      %add3A_867 = arith.addi %mul3A_0, %add3A_866 : i32
      %mul3A_868 = arith.constant 16 : i32
      %mul3A_869 = arith.muli %scan3A_861, %mul3A_868 : i32
      %add3A_870 = arith.addi %add3A_867, %mul3A_869 : i32
      %get3A = arith.index_cast %add3A_870 : i32 to index
      %get3A_871 = tpu.vector_load %arg6[%get3A] {strides = array<i32>} : memref<20000xf32, #tpu.memory_space<vmem>>, vector<16xf32>,
      %get3A_872 = vector.shape_cast %get3A_871 : vector<16xf32> to vector<16xf32>
      %get3A_873 = arith.index_cast %add3A_865 : i32 to index
      %get3A_874 = tpu.vector_load %arg10[%get3A_873] {strides = array<i32>} : memref<10000xf32, #tpu.memory_space<vmem>>, vector<16xf32>,
      %get3A_875 = vector.shape_cast %get3A_874 : vector<16xf32> to vector<16xf32>
      %mul3A_876 = arith.mulf %get3A_872, %get3A_875 : vector<16xf32>
      %swap3A = arith.index_cast %add3A_865 : i32 to index
      %swap3A_877 = tpu.vector_load %arg9[%swap3A] {strides = array<i32>} : memref<10000xf32, #tpu.memory_space<vmem>>, vector<16xf32>,
      %swap3A_878 = vector.shape_cast %swap3A_877 : vector<16xf32> to vector<16xf32>
      %swap3A_879 = vector.shape_cast %mul3A_876 : vector<16xf32> to vector<16xf32>
      tpu.vector_store %arg9[%swap3A], %swap3A_879 {strides = array<i32>} : memref<10000xf32, #tpu.memory_space<vmem>>, vector<16xf32>,
    }
    %scan3A_701 = arith.constant 25 : i32
    %dma_start3A_702 = arith.constant 9600 : i32
    %dma_start3A_703 = tpu.memref_slice %arg9[%dma_start3A_702] : memref<10000xf32, #tpu.memory_space<vmem>> -> memref<400xf32, #tpu.memory_space<vmem>>
    %dma_start3A_704 = arith.constant 9600 : i32
    %dma_start3A_705 = tpu.memref_slice %arg8[%dma_start3A_704] : memref<10000xi32, #tpu.memory_space<vmem>> -> memref<400xi32, #tpu.memory_space<vmem>>
    %dma_start3A_706 = arith.constant 0 : i32
    %dma_start3A_707 = tpu.memref_slice %arg13[%dma_start3A_706] : memref<10240xf32, #tpu.memory_space<vmem_shared>> -> memref<10240xf32, #tpu.memory_space<vmem_shared>>
    tpu.enqueue_indirect_dma source(%dma_start3A_703 : memref<400xf32, #tpu.memory_space<vmem>>) target(%dma_start3A_707 : memref<10240xf32, #tpu.memory_space<vmem_shared>>) offsets(%dma_start3A_705 : memref<400xi32, #tpu.memory_space<vmem>>) semaphore(%arg18 : memref<!tpu.dma_semaphore, #tpu.memory_space<semaphore_mem>>) {add = true}
    %dma_wait3A_708 = arith.constant 0 : i32
    %dma_wait3A_709 = tpu.memref_slice %arg9[%dma_wait3A_708] : memref<10000xf32, #tpu.memory_space<vmem>> -> memref<400xf32, #tpu.memory_space<vmem>>
    %dma_wait3A_710 = arith.constant 0 : i32
    %dma_wait3A_711 = tpu.memref_slice %arg8[%dma_wait3A_710] : memref<10000xi32, #tpu.memory_space<vmem>> -> memref<400xi32, #tpu.memory_space<vmem>>
    %dma_wait3A_712 = arith.constant 0 : i32
    %dma_wait3A_713 = tpu.memref_slice %arg13[%dma_wait3A_712] : memref<10240xf32, #tpu.memory_space<vmem_shared>> -> memref<10240xf32, #tpu.memory_space<vmem_shared>>
    tpu.wait_indirect_dma semaphore(%arg18 : memref<!tpu.dma_semaphore, #tpu.memory_space<semaphore_mem>>) src(%dma_wait3A_709 : memref<400xf32, #tpu.memory_space<vmem>>) dst(%dma_wait3A_713 : memref<10240xf32, #tpu.memory_space<vmem_shared>>)
    %dma_wait3A_714 = arith.constant 400 : i32
    %dma_wait3A_715 = tpu.memref_slice %arg9[%dma_wait3A_714] : memref<10000xf32, #tpu.memory_space<vmem>> -> memref<400xf32, #tpu.memory_space<vmem>>
    %dma_wait3A_716 = arith.constant 400 : i32
    %dma_wait3A_717 = tpu.memref_slice %arg8[%dma_wait3A_716] : memref<10000xi32, #tpu.memory_space<vmem>> -> memref<400xi32, #tpu.memory_space<vmem>>
    %dma_wait3A_718 = arith.constant 0 : i32
    %dma_wait3A_719 = tpu.memref_slice %arg13[%dma_wait3A_718] : memref<10240xf32, #tpu.memory_space<vmem_shared>> -> memref<10240xf32, #tpu.memory_space<vmem_shared>>
    tpu.wait_indirect_dma semaphore(%arg18 : memref<!tpu.dma_semaphore, #tpu.memory_space<semaphore_mem>>) src(%dma_wait3A_715 : memref<400xf32, #tpu.memory_space<vmem>>) dst(%dma_wait3A_719 : memref<10240xf32, #tpu.memory_space<vmem_shared>>)
    %dma_wait3A_720 = arith.constant 800 : i32
    %dma_wait3A_721 = tpu.memref_slice %arg9[%dma_wait3A_720] : memref<10000xf32, #tpu.memory_space<vmem>> -> memref<400xf32, #tpu.memory_space<vmem>>
    %dma_wait3A_722 = arith.constant 800 : i32
    %dma_wait3A_723 = tpu.memref_slice %arg8[%dma_wait3A_722] : memref<10000xi32, #tpu.memory_space<vmem>> -> memref<400xi32, #tpu.memory_space<vmem>>
    %dma_wait3A_724 = arith.constant 0 : i32
    %dma_wait3A_725 = tpu.memref_slice %arg13[%dma_wait3A_724] : memref<10240xf32, #tpu.memory_space<vmem_shared>> -> memref<10240xf32, #tpu.memory_space<vmem_shared>>
    tpu.wait_indirect_dma semaphore(%arg18 : memref<!tpu.dma_semaphore, #tpu.memory_space<semaphore_mem>>) src(%dma_wait3A_721 : memref<400xf32, #tpu.memory_space<vmem>>) dst(%dma_wait3A_725 : memref<10240xf32, #tpu.memory_space<vmem_shared>>)
    %dma_wait3A_726 = arith.constant 1200 : i32
    %dma_wait3A_727 = tpu.memref_slice %arg9[%dma_wait3A_726] : memref<10000xf32, #tpu.memory_space<vmem>> -> memref<400xf32, #tpu.memory_space<vmem>>
    %dma_wait3A_728 = arith.constant 1200 : i32
    %dma_wait3A_729 = tpu.memref_slice %arg8[%dma_wait3A_728] : memref<10000xi32, #tpu.memory_space<vmem>> -> memref<400xi32, #tpu.memory_space<vmem>>
    %dma_wait3A_730 = arith.constant 0 : i32
    %dma_wait3A_731 = tpu.memref_slice %arg13[%dma_wait3A_730] : memref<10240xf32, #tpu.memory_space<vmem_shared>> -> memref<10240xf32, #tpu.memory_space<vmem_shared>>
    tpu.wait_indirect_dma semaphore(%arg18 : memref<!tpu.dma_semaphore, #tpu.memory_space<semaphore_mem>>) src(%dma_wait3A_727 : memref<400xf32, #tpu.memory_space<vmem>>) dst(%dma_wait3A_731 : memref<10240xf32, #tpu.memory_space<vmem_shared>>)
    %dma_wait3A_732 = arith.constant 1600 : i32
    %dma_wait3A_733 = tpu.memref_slice %arg9[%dma_wait3A_732] : memref<10000xf32, #tpu.memory_space<vmem>> -> memref<400xf32, #tpu.memory_space<vmem>>
    %dma_wait3A_734 = arith.constant 1600 : i32
    %dma_wait3A_735 = tpu.memref_slice %arg8[%dma_wait3A_734] : memref<10000xi32, #tpu.memory_space<vmem>> -> memref<400xi32, #tpu.memory_space<vmem>>
    %dma_wait3A_736 = arith.constant 0 : i32
    %dma_wait3A_737 = tpu.memref_slice %arg13[%dma_wait3A_736] : memref<10240xf32, #tpu.memory_space<vmem_shared>> -> memref<10240xf32, #tpu.memory_space<vmem_shared>>
    tpu.wait_indirect_dma semaphore(%arg18 : memref<!tpu.dma_semaphore, #tpu.memory_space<semaphore_mem>>) src(%dma_wait3A_733 : memref<400xf32, #tpu.memory_space<vmem>>) dst(%dma_wait3A_737 : memref<10240xf32, #tpu.memory_space<vmem_shared>>)
    %dma_wait3A_738 = arith.constant 2000 : i32
    %dma_wait3A_739 = tpu.memref_slice %arg9[%dma_wait3A_738] : memref<10000xf32, #tpu.memory_space<vmem>> -> memref<400xf32, #tpu.memory_space<vmem>>
    %dma_wait3A_740 = arith.constant 2000 : i32
    %dma_wait3A_741 = tpu.memref_slice %arg8[%dma_wait3A_740] : memref<10000xi32, #tpu.memory_space<vmem>> -> memref<400xi32, #tpu.memory_space<vmem>>
    %dma_wait3A_742 = arith.constant 0 : i32
    %dma_wait3A_743 = tpu.memref_slice %arg13[%dma_wait3A_742] : memref<10240xf32, #tpu.memory_space<vmem_shared>> -> memref<10240xf32, #tpu.memory_space<vmem_shared>>
    tpu.wait_indirect_dma semaphore(%arg18 : memref<!tpu.dma_semaphore, #tpu.memory_space<semaphore_mem>>) src(%dma_wait3A_739 : memref<400xf32, #tpu.memory_space<vmem>>) dst(%dma_wait3A_743 : memref<10240xf32, #tpu.memory_space<vmem_shared>>)
    %dma_wait3A_744 = arith.constant 2400 : i32
    %dma_wait3A_745 = tpu.memref_slice %arg9[%dma_wait3A_744] : memref<10000xf32, #tpu.memory_space<vmem>> -> memref<400xf32, #tpu.memory_space<vmem>>
    %dma_wait3A_746 = arith.constant 2400 : i32
    %dma_wait3A_747 = tpu.memref_slice %arg8[%dma_wait3A_746] : memref<10000xi32, #tpu.memory_space<vmem>> -> memref<400xi32, #tpu.memory_space<vmem>>
    %dma_wait3A_748 = arith.constant 0 : i32
    %dma_wait3A_749 = tpu.memref_slice %arg13[%dma_wait3A_748] : memref<10240xf32, #tpu.memory_space<vmem_shared>> -> memref<10240xf32, #tpu.memory_space<vmem_shared>>
    tpu.wait_indirect_dma semaphore(%arg18 : memref<!tpu.dma_semaphore, #tpu.memory_space<semaphore_mem>>) src(%dma_wait3A_745 : memref<400xf32, #tpu.memory_space<vmem>>) dst(%dma_wait3A_749 : memref<10240xf32, #tpu.memory_space<vmem_shared>>)
    %dma_wait3A_750 = arith.constant 2800 : i32
    %dma_wait3A_751 = tpu.memref_slice %arg9[%dma_wait3A_750] : memref<10000xf32, #tpu.memory_space<vmem>> -> memref<400xf32, #tpu.memory_space<vmem>>
    %dma_wait3A_752 = arith.constant 2800 : i32
    %dma_wait3A_753 = tpu.memref_slice %arg8[%dma_wait3A_752] : memref<10000xi32, #tpu.memory_space<vmem>> -> memref<400xi32, #tpu.memory_space<vmem>>
    %dma_wait3A_754 = arith.constant 0 : i32
    %dma_wait3A_755 = tpu.memref_slice %arg13[%dma_wait3A_754] : memref<10240xf32, #tpu.memory_space<vmem_shared>> -> memref<10240xf32, #tpu.memory_space<vmem_shared>>
    tpu.wait_indirect_dma semaphore(%arg18 : memref<!tpu.dma_semaphore, #tpu.memory_space<semaphore_mem>>) src(%dma_wait3A_751 : memref<400xf32, #tpu.memory_space<vmem>>) dst(%dma_wait3A_755 : memref<10240xf32, #tpu.memory_space<vmem_shared>>)
    %dma_wait3A_756 = arith.constant 3200 : i32
    %dma_wait3A_757 = tpu.memref_slice %arg9[%dma_wait3A_756] : memref<10000xf32, #tpu.memory_space<vmem>> -> memref<400xf32, #tpu.memory_space<vmem>>
    %dma_wait3A_758 = arith.constant 3200 : i32
    %dma_wait3A_759 = tpu.memref_slice %arg8[%dma_wait3A_758] : memref<10000xi32, #tpu.memory_space<vmem>> -> memref<400xi32, #tpu.memory_space<vmem>>
    %dma_wait3A_760 = arith.constant 0 : i32
    %dma_wait3A_761 = tpu.memref_slice %arg13[%dma_wait3A_760] : memref<10240xf32, #tpu.memory_space<vmem_shared>> -> memref<10240xf32, #tpu.memory_space<vmem_shared>>
    tpu.wait_indirect_dma semaphore(%arg18 : memref<!tpu.dma_semaphore, #tpu.memory_space<semaphore_mem>>) src(%dma_wait3A_757 : memref<400xf32, #tpu.memory_space<vmem>>) dst(%dma_wait3A_761 : memref<10240xf32, #tpu.memory_space<vmem_shared>>)
    %dma_wait3A_762 = arith.constant 3600 : i32
    %dma_wait3A_763 = tpu.memref_slice %arg9[%dma_wait3A_762] : memref<10000xf32, #tpu.memory_space<vmem>> -> memref<400xf32, #tpu.memory_space<vmem>>
    %dma_wait3A_764 = arith.constant 3600 : i32
    %dma_wait3A_765 = tpu.memref_slice %arg8[%dma_wait3A_764] : memref<10000xi32, #tpu.memory_space<vmem>> -> memref<400xi32, #tpu.memory_space<vmem>>
    %dma_wait3A_766 = arith.constant 0 : i32
    %dma_wait3A_767 = tpu.memref_slice %arg13[%dma_wait3A_766] : memref<10240xf32, #tpu.memory_space<vmem_shared>> -> memref<10240xf32, #tpu.memory_space<vmem_shared>>
    tpu.wait_indirect_dma semaphore(%arg18 : memref<!tpu.dma_semaphore, #tpu.memory_space<semaphore_mem>>) src(%dma_wait3A_763 : memref<400xf32, #tpu.memory_space<vmem>>) dst(%dma_wait3A_767 : memref<10240xf32, #tpu.memory_space<vmem_shared>>)
    %dma_wait3A_768 = arith.constant 4000 : i32
    %dma_wait3A_769 = tpu.memref_slice %arg9[%dma_wait3A_768] : memref<10000xf32, #tpu.memory_space<vmem>> -> memref<400xf32, #tpu.memory_space<vmem>>
    %dma_wait3A_770 = arith.constant 4000 : i32
    %dma_wait3A_771 = tpu.memref_slice %arg8[%dma_wait3A_770] : memref<10000xi32, #tpu.memory_space<vmem>> -> memref<400xi32, #tpu.memory_space<vmem>>
    %dma_wait3A_772 = arith.constant 0 : i32
    %dma_wait3A_773 = tpu.memref_slice %arg13[%dma_wait3A_772] : memref<10240xf32, #tpu.memory_space<vmem_shared>> -> memref<10240xf32, #tpu.memory_space<vmem_shared>>
    tpu.wait_indirect_dma semaphore(%arg18 : memref<!tpu.dma_semaphore, #tpu.memory_space<semaphore_mem>>) src(%dma_wait3A_769 : memref<400xf32, #tpu.memory_space<vmem>>) dst(%dma_wait3A_773 : memref<10240xf32, #tpu.memory_space<vmem_shared>>)
    %dma_wait3A_774 = arith.constant 4400 : i32
    %dma_wait3A_775 = tpu.memref_slice %arg9[%dma_wait3A_774] : memref<10000xf32, #tpu.memory_space<vmem>> -> memref<400xf32, #tpu.memory_space<vmem>>
    %dma_wait3A_776 = arith.constant 4400 : i32
    %dma_wait3A_777 = tpu.memref_slice %arg8[%dma_wait3A_776] : memref<10000xi32, #tpu.memory_space<vmem>> -> memref<400xi32, #tpu.memory_space<vmem>>
    %dma_wait3A_778 = arith.constant 0 : i32
    %dma_wait3A_779 = tpu.memref_slice %arg13[%dma_wait3A_778] : memref<10240xf32, #tpu.memory_space<vmem_shared>> -> memref<10240xf32, #tpu.memory_space<vmem_shared>>
    tpu.wait_indirect_dma semaphore(%arg18 : memref<!tpu.dma_semaphore, #tpu.memory_space<semaphore_mem>>) src(%dma_wait3A_775 : memref<400xf32, #tpu.memory_space<vmem>>) dst(%dma_wait3A_779 : memref<10240xf32, #tpu.memory_space<vmem_shared>>)
    %dma_wait3A_780 = arith.constant 4800 : i32
    %dma_wait3A_781 = tpu.memref_slice %arg9[%dma_wait3A_780] : memref<10000xf32, #tpu.memory_space<vmem>> -> memref<400xf32, #tpu.memory_space<vmem>>
    %dma_wait3A_782 = arith.constant 4800 : i32
    %dma_wait3A_783 = tpu.memref_slice %arg8[%dma_wait3A_782] : memref<10000xi32, #tpu.memory_space<vmem>> -> memref<400xi32, #tpu.memory_space<vmem>>
    %dma_wait3A_784 = arith.constant 0 : i32
    %dma_wait3A_785 = tpu.memref_slice %arg13[%dma_wait3A_784] : memref<10240xf32, #tpu.memory_space<vmem_shared>> -> memref<10240xf32, #tpu.memory_space<vmem_shared>>
    tpu.wait_indirect_dma semaphore(%arg18 : memref<!tpu.dma_semaphore, #tpu.memory_space<semaphore_mem>>) src(%dma_wait3A_781 : memref<400xf32, #tpu.memory_space<vmem>>) dst(%dma_wait3A_785 : memref<10240xf32, #tpu.memory_space<vmem_shared>>)
    %dma_wait3A_786 = arith.constant 5200 : i32
    %dma_wait3A_787 = tpu.memref_slice %arg9[%dma_wait3A_786] : memref<10000xf32, #tpu.memory_space<vmem>> -> memref<400xf32, #tpu.memory_space<vmem>>
    %dma_wait3A_788 = arith.constant 5200 : i32
    %dma_wait3A_789 = tpu.memref_slice %arg8[%dma_wait3A_788] : memref<10000xi32, #tpu.memory_space<vmem>> -> memref<400xi32, #tpu.memory_space<vmem>>
    %dma_wait3A_790 = arith.constant 0 : i32
    %dma_wait3A_791 = tpu.memref_slice %arg13[%dma_wait3A_790] : memref<10240xf32, #tpu.memory_space<vmem_shared>> -> memref<10240xf32, #tpu.memory_space<vmem_shared>>
    tpu.wait_indirect_dma semaphore(%arg18 : memref<!tpu.dma_semaphore, #tpu.memory_space<semaphore_mem>>) src(%dma_wait3A_787 : memref<400xf32, #tpu.memory_space<vmem>>) dst(%dma_wait3A_791 : memref<10240xf32, #tpu.memory_space<vmem_shared>>)
    %dma_wait3A_792 = arith.constant 5600 : i32
    %dma_wait3A_793 = tpu.memref_slice %arg9[%dma_wait3A_792] : memref<10000xf32, #tpu.memory_space<vmem>> -> memref<400xf32, #tpu.memory_space<vmem>>
    %dma_wait3A_794 = arith.constant 5600 : i32
    %dma_wait3A_795 = tpu.memref_slice %arg8[%dma_wait3A_794] : memref<10000xi32, #tpu.memory_space<vmem>> -> memref<400xi32, #tpu.memory_space<vmem>>
    %dma_wait3A_796 = arith.constant 0 : i32
    %dma_wait3A_797 = tpu.memref_slice %arg13[%dma_wait3A_796] : memref<10240xf32, #tpu.memory_space<vmem_shared>> -> memref<10240xf32, #tpu.memory_space<vmem_shared>>
    tpu.wait_indirect_dma semaphore(%arg18 : memref<!tpu.dma_semaphore, #tpu.memory_space<semaphore_mem>>) src(%dma_wait3A_793 : memref<400xf32, #tpu.memory_space<vmem>>) dst(%dma_wait3A_797 : memref<10240xf32, #tpu.memory_space<vmem_shared>>)
    %dma_wait3A_798 = arith.constant 6000 : i32
    %dma_wait3A_799 = tpu.memref_slice %arg9[%dma_wait3A_798] : memref<10000xf32, #tpu.memory_space<vmem>> -> memref<400xf32, #tpu.memory_space<vmem>>
    %dma_wait3A_800 = arith.constant 6000 : i32
    %dma_wait3A_801 = tpu.memref_slice %arg8[%dma_wait3A_800] : memref<10000xi32, #tpu.memory_space<vmem>> -> memref<400xi32, #tpu.memory_space<vmem>>
    %dma_wait3A_802 = arith.constant 0 : i32
    %dma_wait3A_803 = tpu.memref_slice %arg13[%dma_wait3A_802] : memref<10240xf32, #tpu.memory_space<vmem_shared>> -> memref<10240xf32, #tpu.memory_space<vmem_shared>>
    tpu.wait_indirect_dma semaphore(%arg18 : memref<!tpu.dma_semaphore, #tpu.memory_space<semaphore_mem>>) src(%dma_wait3A_799 : memref<400xf32, #tpu.memory_space<vmem>>) dst(%dma_wait3A_803 : memref<10240xf32, #tpu.memory_space<vmem_shared>>)
    %dma_wait3A_804 = arith.constant 6400 : i32
    %dma_wait3A_805 = tpu.memref_slice %arg9[%dma_wait3A_804] : memref<10000xf32, #tpu.memory_space<vmem>> -> memref<400xf32, #tpu.memory_space<vmem>>
    %dma_wait3A_806 = arith.constant 6400 : i32
    %dma_wait3A_807 = tpu.memref_slice %arg8[%dma_wait3A_806] : memref<10000xi32, #tpu.memory_space<vmem>> -> memref<400xi32, #tpu.memory_space<vmem>>
    %dma_wait3A_808 = arith.constant 0 : i32
    %dma_wait3A_809 = tpu.memref_slice %arg13[%dma_wait3A_808] : memref<10240xf32, #tpu.memory_space<vmem_shared>> -> memref<10240xf32, #tpu.memory_space<vmem_shared>>
    tpu.wait_indirect_dma semaphore(%arg18 : memref<!tpu.dma_semaphore, #tpu.memory_space<semaphore_mem>>) src(%dma_wait3A_805 : memref<400xf32, #tpu.memory_space<vmem>>) dst(%dma_wait3A_809 : memref<10240xf32, #tpu.memory_space<vmem_shared>>)
    %dma_wait3A_810 = arith.constant 6800 : i32
    %dma_wait3A_811 = tpu.memref_slice %arg9[%dma_wait3A_810] : memref<10000xf32, #tpu.memory_space<vmem>> -> memref<400xf32, #tpu.memory_space<vmem>>
    %dma_wait3A_812 = arith.constant 6800 : i32
    %dma_wait3A_813 = tpu.memref_slice %arg8[%dma_wait3A_812] : memref<10000xi32, #tpu.memory_space<vmem>> -> memref<400xi32, #tpu.memory_space<vmem>>
    %dma_wait3A_814 = arith.constant 0 : i32
    %dma_wait3A_815 = tpu.memref_slice %arg13[%dma_wait3A_814] : memref<10240xf32, #tpu.memory_space<vmem_shared>> -> memref<10240xf32, #tpu.memory_space<vmem_shared>>
    tpu.wait_indirect_dma semaphore(%arg18 : memref<!tpu.dma_semaphore, #tpu.memory_space<semaphore_mem>>) src(%dma_wait3A_811 : memref<400xf32, #tpu.memory_space<vmem>>) dst(%dma_wait3A_815 : memref<10240xf32, #tpu.memory_space<vmem_shared>>)
    %dma_wait3A_816 = arith.constant 7200 : i32
    %dma_wait3A_817 = tpu.memref_slice %arg9[%dma_wait3A_816] : memref<10000xf32, #tpu.memory_space<vmem>> -> memref<400xf32, #tpu.memory_space<vmem>>
    %dma_wait3A_818 = arith.constant 7200 : i32
    %dma_wait3A_819 = tpu.memref_slice %arg8[%dma_wait3A_818] : memref<10000xi32, #tpu.memory_space<vmem>> -> memref<400xi32, #tpu.memory_space<vmem>>
    %dma_wait3A_820 = arith.constant 0 : i32
    %dma_wait3A_821 = tpu.memref_slice %arg13[%dma_wait3A_820] : memref<10240xf32, #tpu.memory_space<vmem_shared>> -> memref<10240xf32, #tpu.memory_space<vmem_shared>>
    tpu.wait_indirect_dma semaphore(%arg18 : memref<!tpu.dma_semaphore, #tpu.memory_space<semaphore_mem>>) src(%dma_wait3A_817 : memref<400xf32, #tpu.memory_space<vmem>>) dst(%dma_wait3A_821 : memref<10240xf32, #tpu.memory_space<vmem_shared>>)
    %dma_wait3A_822 = arith.constant 7600 : i32
    %dma_wait3A_823 = tpu.memref_slice %arg9[%dma_wait3A_822] : memref<10000xf32, #tpu.memory_space<vmem>> -> memref<400xf32, #tpu.memory_space<vmem>>
    %dma_wait3A_824 = arith.constant 7600 : i32
    %dma_wait3A_825 = tpu.memref_slice %arg8[%dma_wait3A_824] : memref<10000xi32, #tpu.memory_space<vmem>> -> memref<400xi32, #tpu.memory_space<vmem>>
    %dma_wait3A_826 = arith.constant 0 : i32
    %dma_wait3A_827 = tpu.memref_slice %arg13[%dma_wait3A_826] : memref<10240xf32, #tpu.memory_space<vmem_shared>> -> memref<10240xf32, #tpu.memory_space<vmem_shared>>
    tpu.wait_indirect_dma semaphore(%arg18 : memref<!tpu.dma_semaphore, #tpu.memory_space<semaphore_mem>>) src(%dma_wait3A_823 : memref<400xf32, #tpu.memory_space<vmem>>) dst(%dma_wait3A_827 : memref<10240xf32, #tpu.memory_space<vmem_shared>>)
    %dma_wait3A_828 = arith.constant 8000 : i32
    %dma_wait3A_829 = tpu.memref_slice %arg9[%dma_wait3A_828] : memref<10000xf32, #tpu.memory_space<vmem>> -> memref<400xf32, #tpu.memory_space<vmem>>
    %dma_wait3A_830 = arith.constant 8000 : i32
    %dma_wait3A_831 = tpu.memref_slice %arg8[%dma_wait3A_830] : memref<10000xi32, #tpu.memory_space<vmem>> -> memref<400xi32, #tpu.memory_space<vmem>>
    %dma_wait3A_832 = arith.constant 0 : i32
    %dma_wait3A_833 = tpu.memref_slice %arg13[%dma_wait3A_832] : memref<10240xf32, #tpu.memory_space<vmem_shared>> -> memref<10240xf32, #tpu.memory_space<vmem_shared>>
    tpu.wait_indirect_dma semaphore(%arg18 : memref<!tpu.dma_semaphore, #tpu.memory_space<semaphore_mem>>) src(%dma_wait3A_829 : memref<400xf32, #tpu.memory_space<vmem>>) dst(%dma_wait3A_833 : memref<10240xf32, #tpu.memory_space<vmem_shared>>)
    %dma_wait3A_834 = arith.constant 8400 : i32
    %dma_wait3A_835 = tpu.memref_slice %arg9[%dma_wait3A_834] : memref<10000xf32, #tpu.memory_space<vmem>> -> memref<400xf32, #tpu.memory_space<vmem>>
    %dma_wait3A_836 = arith.constant 8400 : i32
    %dma_wait3A_837 = tpu.memref_slice %arg8[%dma_wait3A_836] : memref<10000xi32, #tpu.memory_space<vmem>> -> memref<400xi32, #tpu.memory_space<vmem>>
    %dma_wait3A_838 = arith.constant 0 : i32
    %dma_wait3A_839 = tpu.memref_slice %arg13[%dma_wait3A_838] : memref<10240xf32, #tpu.memory_space<vmem_shared>> -> memref<10240xf32, #tpu.memory_space<vmem_shared>>
    tpu.wait_indirect_dma semaphore(%arg18 : memref<!tpu.dma_semaphore, #tpu.memory_space<semaphore_mem>>) src(%dma_wait3A_835 : memref<400xf32, #tpu.memory_space<vmem>>) dst(%dma_wait3A_839 : memref<10240xf32, #tpu.memory_space<vmem_shared>>)
    %dma_wait3A_840 = arith.constant 8800 : i32
    %dma_wait3A_841 = tpu.memref_slice %arg9[%dma_wait3A_840] : memref<10000xf32, #tpu.memory_space<vmem>> -> memref<400xf32, #tpu.memory_space<vmem>>
    %dma_wait3A_842 = arith.constant 8800 : i32
    %dma_wait3A_843 = tpu.memref_slice %arg8[%dma_wait3A_842] : memref<10000xi32, #tpu.memory_space<vmem>> -> memref<400xi32, #tpu.memory_space<vmem>>
    %dma_wait3A_844 = arith.constant 0 : i32
    %dma_wait3A_845 = tpu.memref_slice %arg13[%dma_wait3A_844] : memref<10240xf32, #tpu.memory_space<vmem_shared>> -> memref<10240xf32, #tpu.memory_space<vmem_shared>>
    tpu.wait_indirect_dma semaphore(%arg18 : memref<!tpu.dma_semaphore, #tpu.memory_space<semaphore_mem>>) src(%dma_wait3A_841 : memref<400xf32, #tpu.memory_space<vmem>>) dst(%dma_wait3A_845 : memref<10240xf32, #tpu.memory_space<vmem_shared>>)
    %dma_wait3A_846 = arith.constant 9200 : i32
    %dma_wait3A_847 = tpu.memref_slice %arg9[%dma_wait3A_846] : memref<10000xf32, #tpu.memory_space<vmem>> -> memref<400xf32, #tpu.memory_space<vmem>>
    %dma_wait3A_848 = arith.constant 9200 : i32
    %dma_wait3A_849 = tpu.memref_slice %arg8[%dma_wait3A_848] : memref<10000xi32, #tpu.memory_space<vmem>> -> memref<400xi32, #tpu.memory_space<vmem>>
    %dma_wait3A_850 = arith.constant 0 : i32
    %dma_wait3A_851 = tpu.memref_slice %arg13[%dma_wait3A_850] : memref<10240xf32, #tpu.memory_space<vmem_shared>> -> memref<10240xf32, #tpu.memory_space<vmem_shared>>
    tpu.wait_indirect_dma semaphore(%arg18 : memref<!tpu.dma_semaphore, #tpu.memory_space<semaphore_mem>>) src(%dma_wait3A_847 : memref<400xf32, #tpu.memory_space<vmem>>) dst(%dma_wait3A_851 : memref<10240xf32, #tpu.memory_space<vmem_shared>>)
    %dma_wait3A_852 = arith.constant 9600 : i32
    %dma_wait3A_853 = tpu.memref_slice %arg9[%dma_wait3A_852] : memref<10000xf32, #tpu.memory_space<vmem>> -> memref<400xf32, #tpu.memory_space<vmem>>
    %dma_wait3A_854 = arith.constant 9600 : i32
    %dma_wait3A_855 = tpu.memref_slice %arg8[%dma_wait3A_854] : memref<10000xi32, #tpu.memory_space<vmem>> -> memref<400xi32, #tpu.memory_space<vmem>>
    %dma_wait3A_856 = arith.constant 0 : i32
    %dma_wait3A_857 = tpu.memref_slice %arg13[%dma_wait3A_856] : memref<10240xf32, #tpu.memory_space<vmem_shared>> -> memref<10240xf32, #tpu.memory_space<vmem_shared>>
    tpu.wait_indirect_dma semaphore(%arg18 : memref<!tpu.dma_semaphore, #tpu.memory_space<semaphore_mem>>) src(%dma_wait3A_853 : memref<400xf32, #tpu.memory_space<vmem>>) dst(%dma_wait3A_857 : memref<10240xf32, #tpu.memory_space<vmem_shared>>)
    %barrier3A_858 = arith.constant 0 : index
    tpu.barrier barrier_id(%barrier3A_858)
    %eq3A = arith.constant 0 : i32
    %eq3A_859 = arith.cmpi eq, %arg1, %eq3A : i32
    %convert_element_type3A = arith.extui %eq3A_859 : i1 to i32
    %cond3A = arith.constant 0 : i32
    %cond3A_860 = arith.cmpi ne, %convert_element_type3A, %cond3A : i32
    scf.if %cond3A_860 {
      "tpu.region"() ({
        %run_scoped3A = tpu.sem_alloc : memref<!tpu.dma_semaphore, #tpu.memory_space<semaphore_mem>>
        tpu.enqueue_dma source(%arg13 : memref<10240xf32, #tpu.memory_space<vmem_shared>>) target(%arg11 : memref<10240xf32, #tpu.memory_space<vmem>>) target_semaphore(%run_scoped3A : memref<!tpu.dma_semaphore, #tpu.memory_space<semaphore_mem>>)
        tpu.wait_dma2 semaphore(%run_scoped3A : memref<!tpu.dma_semaphore, #tpu.memory_space<semaphore_mem>>) src(%arg13 : memref<10240xf32, #tpu.memory_space<vmem_shared>>) dst(%arg11 : memref<10240xf32, #tpu.memory_space<vmem>>)
        tpu.yield
      }) : () -> ()
      "tpu.region"() ({
        %run_scoped3A = tpu.sem_alloc : memref<!tpu.dma_semaphore, #tpu.memory_space<semaphore_mem>>
        %dma_start3A_861 = arith.constant 0 : i32
        %dma_start3A_862 = tpu.memref_slice %arg5[%arg0, %dma_start3A_861] : memref<2x10240xf32, #tpu.memory_space<hbm>> -> memref<1x10240xf32, #tpu.memory_space<hbm>>
        %dma_start3A_863 = tpu.memref_squeeze %dma_start3A_862 : memref<1x10240xf32, #tpu.memory_space<hbm>> -> memref<10240xf32, #tpu.memory_space<hbm>>
        %dma_start3A_864 = arith.constant 0 : i32
        %dma_start3A_865 = tpu.memref_slice %arg5[%arg0, %dma_start3A_864] : memref<2x10240xf32, #tpu.memory_space<hbm>> -> memref<1x10240xf32, #tpu.memory_space<hbm>>
        %dma_start3A_866 = tpu.memref_squeeze %dma_start3A_865 : memref<1x10240xf32, #tpu.memory_space<hbm>> -> memref<10240xf32, #tpu.memory_space<hbm>>
        tpu.enqueue_dma source(%arg11 : memref<10240xf32, #tpu.memory_space<vmem>>) target(%dma_start3A_866 : memref<10240xf32, #tpu.memory_space<hbm>>) target_semaphore(%run_scoped3A : memref<!tpu.dma_semaphore, #tpu.memory_space<semaphore_mem>>)
        %dma_wait3A_867 = arith.constant 0 : i32
        %dma_wait3A_868 = tpu.memref_slice %arg5[%arg0, %dma_wait3A_867] : memref<2x10240xf32, #tpu.memory_space<hbm>> -> memref<1x10240xf32, #tpu.memory_space<hbm>>
        %dma_wait3A_869 = tpu.memref_squeeze %dma_wait3A_868 : memref<1x10240xf32, #tpu.memory_space<hbm>> -> memref<10240xf32, #tpu.memory_space<hbm>>
        %dma_wait3A_870 = arith.constant 0 : i32
        %dma_wait3A_871 = tpu.memref_slice %arg5[%arg0, %dma_wait3A_870] : memref<2x10240xf32, #tpu.memory_space<hbm>> -> memref<1x10240xf32, #tpu.memory_space<hbm>>
        %dma_wait3A_872 = tpu.memref_squeeze %dma_wait3A_871 : memref<1x10240xf32, #tpu.memory_space<hbm>> -> memref<10240xf32, #tpu.memory_space<hbm>>
        tpu.wait_dma2 semaphore(%run_scoped3A : memref<!tpu.dma_semaphore, #tpu.memory_space<semaphore_mem>>) src(%arg11 : memref<10240xf32, #tpu.memory_space<vmem>>) dst(%dma_wait3A_872 : memref<10240xf32, #tpu.memory_space<hbm>>)
        tpu.yield
      }) : () -> ()
    } else {
    }
    return
  }
}

module attributes {stable_mosaic.version = 14 : i64} {
  func.func @_tc_matvec(%arg0: memref<1x1xi32, #tpu.memory_space<smem>>, %arg1: memref<2x10240xf32, #tpu.memory_space<vmem>>, %arg2: memref<10000x128xf32, #tpu.memory_space<vmem>>, %arg3: memref<1x128xf32, #tpu.memory_space<vmem>>) attributes {dimension_semantics = [], scalar_prefetch = 0 : i64, scratch_operands = 0 : i64, tpu.core_type = #tpu.core_type<tc>} {
    %get3A = arith.constant 0 : index
    %get3A_0 = arith.constant 0 : index
    %get3A_1 = vector.load %arg1[%get3A, %get3A_0] : memref<2x10240xf32, #tpu.memory_space<vmem>>, vector<1x10000xf32>
    %get3A_2 = arith.constant 1 : index
    %get3A_3 = arith.constant 0 : index
    %get3A_4 = vector.load %arg1[%get3A_2, %get3A_3] : memref<2x10240xf32, #tpu.memory_space<vmem>>, vector<1x10000xf32>
    %add3A = arith.addf %get3A_1, %get3A_4 : vector<1x10000xf32>
    %get3A_5 = arith.constant 0 : index
    %get3A_6 = arith.constant 0 : index
    %get3A_7 = vector.load %arg2[%get3A_5, %get3A_6] : memref<10000x128xf32, #tpu.memory_space<vmem>>, vector<10000x128xf32>
    %dot_general3A = arith.constant dense<0.000000e+00> : vector<1x128xf32>
    %dot_general3A_8 = tpu.matmul %add3A, %get3A_7, %dot_general3A {dimension_numbers = #tpu.dot_dimension_numbers<[1], [0], [0], [1], [0, 0, 1, 1], [], []>, transpose_lhs_hint = false} : vector<1x10000xf32>, vector<10000x128xf32>, vector<1x128xf32> -> vector<1x128xf32>
    %get3A_9 = arith.constant 0 : index
    %get3A_10 = arith.constant 0 : index
    %get3A_11 = memref.load %arg0[%get3A_9, %get3A_10] : memref<1x1xi32, #tpu.memory_space<smem>>
    %convert_element_type3A = arith.sitofp %get3A_11 : i32 to f32
    %div3A = arith.constant 1.000000e+00 : f32
    %div3A_12 = arith.divf %div3A, %convert_element_type3A : f32
    %mul3A = vector.broadcast %div3A_12 : f32 to vector<1x128xf32>
    %mul3A_13 = arith.mulf %dot_general3A_8, %mul3A : vector<1x128xf32>
    %swap3A = arith.constant 0 : index
    %swap3A_14 = arith.constant 0 : index
    %swap3A_15 = vector.load %arg3[%swap3A, %swap3A_14] : memref<1x128xf32, #tpu.memory_space<vmem>>, vector<1x128xf32>
    tpu.vector_store %arg3[%swap3A, %swap3A_14], %mul3A_13 {strides = array<i32>} : memref<1x128xf32, #tpu.memory_space<vmem>>, vector<1x128xf32>,
    return
  }
}

</mosaic_0001>

<sc_bundles>
// kernel: kernel.4.cloned.1.call-start
scs
__scs_entry_jumppad:
0x0: {  	(pc) =	sbr.rel $0x88, $3  }
0x1: {  	(tag) =	ssettag $0x0;
	lr =	simm.s32 $0x1  }
0x2: {  	[smem:$0x3F9C] =	sst lr;
	_ =	strace $0xD0000000  }
0x3: {  	_ = 	snop  }
0x4: {  	_ = 	snop  }
0x5: {  	_ = 	snop  }
0x6: {  	_ = 	snop  }
0x7: {  	_ = 	snop  }
__scs_overlays_trampoline_lowered:
0x8: {  	[smem:$0x3FAB] =	sst s0  }
0x9: {  	[smem:$0x3FAC] =	sst s1  }
0xa: {  	[smem:$0x3FAD] =	sst s2  }
0xb: {  	[smem:$0x3FAE] =	sst s3  }
0xc: {  	[smem:$0x3FAF] =	sst s4  }
0xd: {  	[smem:$0x3FB0] =	sst s5  }
0xe: {  	[smem:$0x3FB1] =	sst s6  }
0xf: {  	[smem:$0x3FB2] =	sst s7  }
0x10: {  	[smem:$0x3FB3] =	sst s8  }
0x11: {  	[smem:$0x3FB4] =	sst s9;
	s0 =	simm.s32 @!p0 $0x0  }
0x12: {  	s1 =	sld [smem:$0x3F9A];
	s0 =	simm.s32 @p0 $0x1  }
0x13: {  	[smem:$0x3FB5] =	sst s0;
	s0 =	simm.s32 @!p1 $0x0  }
0x14: {  	s2 =	sld [smem:$0x3F99];
	s0 =	simm.s32 @p1 $0x1  }
0x15: {  	[smem:$0x3FB6] =	sst s0;
	s0 =	simm.s32 @!p2 $0x0  }
0x16: {  	s3 =	sld [smem:$0x3FDB];
	s0 =	simm.s32 @p2 $0x1  }
0x17: {  	s4 =	simm.s32 $0x1BF5;
	[smem:$0x3FB8] =	sst s0  }
0x18: {  	s0 =	sld [smem:$0x3F9B];
	_ =	swait.ge [sflag:s4], $0x0  }
0x19: {  	s7 =	sld [smem:$0x3F9C]  }
0x1a: {  	s8 =	sadd.s32 $0xFFFFE003, lr  }
0x1b: {  	s9 =	sadd.s32 $0xFFFFFEF7, lr;
	s5 =	simm.s32 $0xFFFFFFFF;
	p2 =	slt.u32 s8, $0xFFFFF086  }
0x1c: {  	p1 =	slt.u32 s9, $0xF7A;
	s5 =	simm.s32 @!p2 $0x0  }
0x1d: {  	s5 =	simm.s32 @p1 $0x1;
	p0 =	seq.s32 s7, s2  }
0x1e: {  	s7 =	smul.u32 @!p0 $0xF7A, s2;
	p2 =	seq.s32 @!p0 s5, $0x0  }
0x1f: {  	s9 =	smul.u32 $0xF7A, s1;
	s8 =	simm.s32 @!p0 $0x1BF5;
	p2 =	por !p2, p0  }
0x20: {  	[sflag:s8] =	ssyncset.s32 @!p0 $0xFFFFF086;
	s6 =	sadd.s32 @!p0 s3, s7;
	s7 =	simm.s32 @!p0 $0x108  }
0x21: {  	s3 =	sadd.s32 s3, s9;
	s6 =	sadd.s32 @!p0 $0x88, s6;
	s7 =	simm.s32 @p2 $0x1082  }
0x22: {  	[simem:s7], [sflag:s8] =	dma.local @!p0 [hbm:s6], $0xF7A  }
0x23: {  	s9 =	sor.u32 $0xD0000000, s2;
	s6 =	simm.s32 $0x108;
	_ =	swait.ge @!p0 [sflag:s8], $0x0  }
0x24: {  	s3 =	sadd.s32 $0x88, s3;
	s6 =	simm.s32 @!p1 $0x1082;
	[sflag:s4] =	ssyncset.s32 $0xFFFFF086  }
0x25: {  	[simem:s6], [sflag:s4] =	dma.local [hbm:s3], $0xF7A  }
0x26: {  	[smem:$0x3F9C] =	sst s1;
	(tag) =	ssettag s2;
	_ =	strace s9  }
0x27: {  	s1 =	sld [smem:$0x3FAC]  }
0x28: {  	s2 =	sld [smem:$0x3FAD]  }
0x29: {  	s4 =	sld [smem:$0x3FAF]  }
0x2a: {  	p0 =	seq.s32 s5, $0x0;
	s5 =	sld [smem:$0x3FB0]  }
0x2b: {  	s6 =	sld [smem:$0x3FB1]  }
0x2c: {  	s7 =	sld [smem:$0x3FB2]  }
0x2d: {  	s3 =	simm.s32 $0x108;
	s8 =	sld [smem:$0x3FB3]  }
0x2e: {  	s3 =	simm.s32 @!p0 $0x1082;
	s9 =	sld [smem:$0x3FB4]  }
0x2f: {  	lr =	sadd.s32 s0, s3;
	s0 =	sld [smem:$0x3FAB]  }
0x30: {  	s3 =	sld [smem:$0x3FAE]  }
0x31: {  	[smem:$0x3FB7] =	sst s10  }
0x32: {  	s10 =	sld [smem:$0x3FB5];
	_ =	sdelay $0x3  }
0x33: {  	p0 =	seq.s32 s10, $0x1;
	s10 =	sld [smem:$0x3FB7];
	_ =	sdelay $0x3  }
0x34: {  	[smem:$0x3FB7] =	sst s10  }
0x35: {  	s10 =	sld [smem:$0x3FB6];
	_ =	sdelay $0x3  }
0x36: {  	p1 =	seq.s32 s10, $0x1;
	s10 =	sld [smem:$0x3FB7];
	_ =	sdelay $0x3  }
0x37: {  	[smem:$0x3FB7] =	sst s10  }
0x38: {  	s10 =	sld [smem:$0x3FB8]  }
0x39: {  	_ = 	snop;
	(pc) =	sbr.ind lr, $3  }
0x3a: {  	_ = 	snop  }
0x3b: {  	_ = 	snop  }
0x3c: {  	p2 =	seq.s32 s10, $0x1;
	s10 =	sld [smem:$0x3FB7]  }
0x3d: {  	_ =	shalt  }
0x3e: {  	_ =	shalt  }
0x3f: {  	_ =	shalt  }
0x40: {  	_ =	shalt  }
0x41: {  	_ =	shalt  }
0x42: {  	_ =	shalt  }
0x43: {  	_ =	shalt  }
0x44: {  	_ =	shalt  }
0x45: {  	_ =	shalt  }
0x46: {  	_ =	shalt  }
0x47: {  	_ =	shalt  }
0x48: {  	_ =	shalt  }
0x49: {  	_ =	shalt  }
0x4a: {  	_ =	shalt  }
0x4b: {  	_ =	shalt  }
0x4c: {  	_ =	shalt  }
0x4d: {  	_ =	shalt  }
0x4e: {  	_ =	shalt  }
0x4f: {  	_ =	shalt  }
0x50: {  	_ =	shalt  }
0x51: {  	_ =	shalt  }
0x52: {  	_ =	shalt  }
0x53: {  	_ =	shalt  }
0x54: {  	_ =	shalt  }
0x55: {  	_ =	shalt  }
0x56: {  	_ =	shalt  }
0x57: {  	_ =	shalt  }
0x58: {  	_ =	shalt  }
0x59: {  	_ =	shalt  }
0x5a: {  	_ =	shalt  }
0x5b: {  	_ =	shalt  }
0x5c: {  	_ =	shalt  }
0x5d: {  	_ =	shalt  }
0x5e: {  	_ =	shalt  }
0x5f: {  	_ =	shalt  }
0x60: {  	_ =	shalt  }
0x61: {  	_ =	shalt  }
0x62: {  	_ =	shalt  }
0x63: {  	_ =	shalt  }
0x64: {  	_ =	shalt  }
0x65: {  	_ =	shalt  }
0x66: {  	_ =	shalt  }
0x67: {  	_ =	shalt  }
0x68: {  	_ =	shalt  }
0x69: {  	_ =	shalt  }
0x6a: {  	_ =	shalt  }
0x6b: {  	_ =	shalt  }
0x6c: {  	_ =	shalt  }
0x6d: {  	_ =	shalt  }
0x6e: {  	_ =	shalt  }
0x6f: {  	_ =	shalt  }
0x70: {  	_ =	shalt  }
0x71: {  	_ =	shalt  }
0x72: {  	_ =	shalt  }
0x73: {  	_ =	shalt  }
0x74: {  	_ =	shalt  }
0x75: {  	_ =	shalt  }
0x76: {  	_ =	shalt  }
0x77: {  	_ =	shalt  }
0x78: {  	_ =	shalt  }
0x79: {  	_ =	shalt  }
0x7a: {  	_ =	shalt  }
0x7b: {  	_ =	shalt  }
0x7c: {  	_ =	shalt  }
0x7d: {  	_ =	shalt  }
0x7e: {  	_ =	shalt  }
0x7f: {  	_ =	shalt  }
0x80: {  	_ =	shalt  }
0x81: {  	_ =	shalt  }
0x82: {  	_ =	shalt  }
0x83: {  	_ =	shalt  }
0x84: {  	_ =	shalt  }
0x85: {  	_ =	shalt  }
0x86: {  	_ =	shalt  }
0x87: {  	_ =	shalt  }
.Lfunc_end0:
.L_simem_size_0:
called_computation_lowered:
.L_overlay_start_0:
0x88: {  	s2 =	sld [smem:$0x3FD9]  }
0x89: {  	s3 =	sld [smem:$0x3FFE];
	_ =	sdelay $0x1  }
0x8a: {  	s1 =	srdreg.scid  }
0x8b: {  	s0 =	sand.u32 $0x1, s1  }
0x8c: {  	s17 =	sshll.u32 s0, $0xA;
	s2 =	sadd.s32 s3, s2  }
0x8d: {  	s2 =	sadd.s32 s2, s17  }
0x8e: {  	[smem:$0x3FC3] =	sst s2  }
0x8f: {  	_ = 	snop  }
0x90: {  	s2 =	sld [smem:$0x3FC8]  }
0x91: {  	s18 =	sld [smem:$0x3FC7]  }
0x92: {  	s4 =	sld [smem:$0x3FC6];
	(tm) =	ssettm $0x1  }
0x93: {  	s5 =	sld [smem:$0x3FFB];
	_ =	sdelay $0x3  }
0x94: {  	_ =	strace s5  }
0x95: {  	s5 =	sld [smem:$0x3FFC];
	_ =	sdelay $0x3  }
0x96: {  	_ =	strace s5  }
0x97: {  	s5 =	sld [smem:$0x3FFD];
	_ =	sdelay $0x3  }
0x98: {  	_ =	strace s5  }
0x99: {  	_ =	strace $0x8FFFFFFF  }
0x9a: {  	s19 =	sld [smem:$0x3FDB];
	_ =	sdelay $0x1  }
0x9b: {  	s6 =	simm.s32 $_scs_section_size  }
0x9c: {  	s7 =	simm.s32 $_size__tile_overlayer_lowered;
	s8 =	simm.s32 $_tile_overlayer_lowered  }
0x9d: {  	s22 =	simm.s32 $0x1BFF;
	s21 =	sshll.u32 s8, $0x1;
	s5 =	sadd.s32 s6, s19  }
0x9e: {  	s9 =	simm.s32 $0x0;
	s20 =	sshll.u32 s7, $0x1;
	s7 =	sadd.s32 s21, s5  }
0x9f: {  	[timem:s9], [sflag:s22] =	dma.local [hbm:s7], s20  }
0xa0: {  	_ =	swait.ge [sflag:s22], s20  }
0xa1: {  	s6 =	ssub.s32 $0x0, s20;
	[sflag:s22] =	ssyncset.done $0x0  }
0xa2: {  	[sflag:s22] =	ssyncadd.s32 s6;
	_ =	sdelay $0x1  }
0xa3: {  	s23 =	simm.s32 $0x1B8B  }
0xa4: {  	_ =	swait.ge [sflag:s23], $0x1  }
0xa5: {  	[sflag:s23] =	ssyncset.done $0x0  }
0xa6: {  	s25 =	simm.s32 $0x1B8E;
	s24 =	sld [smem:$0x3FFE];
	[sflag:s23] =	ssyncadd.s32 $0xFFFFFFFF  }
0xa7: {  	s26 =	simm.s32 $execute0_lowered;
	[smem:$0x3FD2] =	sst s25  }
0xa8: {  	s7 =	sshll.u32 s26, $0x1;
	_ =	strace $0x80000046;
	[dreg:$0x1] =	wrdreg $0xFFFFFFFF  }
0xa9: {  	s28 =	simm.s32 $_size_execute0_lowered;
	s5 =	sadd.s32 s5, s7;
	[dreg:$0x0] =	wrdreg $0x0  }
0xaa: {  	s7 =	sshll.u32 s28, $0x1;
	[dreg:$0x2] =	wrdreg s5  }
0xab: {  	[dreg:$0x3] =	wrdreg s7  }
0xac: {  	[dreg:$0x4] =	wrdreg $0xC0  }
0xad: {  	_ =	task [dreg:s9], $0x5FFFF  }
0xae: {  	[dreg:$0x1] =	wrdreg $0xFFFFFFFF  }
0xaf: {  	[dreg:$0x0] =	wrdreg $0x60  }
0xb0: {  	[dreg:$0x2] =	wrdreg s4  }
0xb1: {  	[dreg:$0x3] =	wrdreg s18  }
0xb2: {  	[dreg:$0x4] =	wrdreg s2  }
0xb3: {  	[dreg:$0x5] =	wrdreg s24  }
0xb4: {  	[dreg:$0x6] =	wrdreg $0x13B800  }
0xb5: {  	[dreg:$0x7] =	wrdreg $0x13E000  }
0xb6: {  	[dreg:$0x8] =	wrdreg $0x9  }
0xb7: {  	_ =	task.clear_ibuf [dreg:s9], $0x9FFFF;
	_ =	strace $0x90000046  }
0xb8: {  	s29 =	simm.s32 $0x9;
	_ =	strace $0x80000048  }
0xb9: {  	_ =	swait.ge [sflag:s29], $0x1  }
0xba: {  	[sflag:s29] =	ssyncadd.s32 $0xFFFFFFFF  }
0xbb: {  	_ =	strace $0x90000048  }
0xbc: {  	_ =	sfence  }
0xbd: {  	s30 =	sld [smem:$0x0];
	_ =	sdelay $0x2  }
0xbe: {  	s31 =	sshll.u32 s1, $0xD;
	s1 =	sshrl.u32 s1, $0x2  }
0xbf: {  	s3 =	sand.u32 $0x4000, s31;
	s1 =	sadd.s32 s1, s30  }
0xc0: {  	s0 =	sor.u32 s3, s0;
	s1 =	sshll.u32 s1, $0x11  }
0xc1: {  	s0 =	sor.u32 s1, s0  }
0xc2: {  	s0 =	sadd.s32 $0x8F2B, s0  }
0xc3: {  	[sflag:s0] =	ssyncadd.remote.s32 $0x1  }
0xc4: {  	_ =	sfence.sel $0xFFFF  }
0xc5: {  	[dreg:$0x0] =	wrdreg $0xFFFFFFFF;
	(pc) =	sbr.abs _section_cstart, $3  }
0xc6: {  	[dreg:$0x1] =	wrdreg $0xFFFFFFFF  }
0xc7: {  	_ =	task.clear_ibuf [dreg:s9], $0x2FFFF;
	_ =	strace $0x9FFFFFFF  }
0xc8: {  	(tm) =	ssettm $0x7FFFFFFF  }
0xc9: {  	_ =	shalt  }
tec
execute0_lowered:
.L_overlay_start_1:
0x0: {  	(tag) =	ssettag $0x1  }
0x1: {  	s4 =	rddreg [dreg:$0x0]  }
0x2: {  	s5 =	rddreg [dreg:$0x1]  }
0x3: {  	s6 =	rddreg [dreg:$0x2]  }
0x4: {  	s7 =	rddreg [dreg:$0x3]  }
0x5: {  	s0 =	srdreg.scid;
	s10 =	stileid.u32  }
0x6: {  	s1 =	rddreg [dreg:$0x4];
	s8 =	sand.u32 $0x1, s0;
	s13 =	smul.u32 $0x280, s10  }
0x7: {  	s2 =	rddreg [dreg:$0x5];
	s3 =	simm.s32 $0x0;
	s0 =	smul.u32 $0x2710, s8  }
0x8: {  	[smem:$0x7FF] =	sst s3;
	s21 =	sadd.s32 s13, s2  }
0x9: {  	_ =	strace $0x80000047;
	[dreg:$0xc] =	wrdreg s21;
	s22 =	sadd.s32 $0x4E80, s0  }
0xa: {  	s23 =	sadd.s32 $0x190, s0;
	[dreg:$0xd] =	wrdreg s22  }
0xb: {  	s24 =	sadd.s32 $0x5010, s0;
	[smem:$0x7EE] =	sst s23  }
0xc: {  	s9 =	sshll.u32 s8, $0x4;
	s25 =	sadd.s32 $0x51A0, s0;
	[dreg:$0xe] =	wrdreg s24  }
0xd: {  	s7 =	sadd.s32 s9, s7;
	s26 =	sadd.s32 $0x5330, s0;
	[dreg:$0xf] =	wrdreg s25  }
0xe: {  	s9 =	sadd.s32 s13, s1;
	s13 =	sadd.s32 $0x960, s0;
	[dreg:$0x10] =	wrdreg s26  }
0xf: {  	s11 =	smul.u32 $0x4E20, s10;
	s14 =	sadd.s32 $0xE00, s7;
	[smem:$0x7F0] =	sst s13  }
0x10: {  	p0 =	sne.s32 s10, $0x0;
	s21 =	sadd.s32 $0xC80, s0;
	[dreg:$0x13] =	wrdreg s14  }
0x11: {  	s16 =	sadd.s32 s0, s11;
	s7 =	sadd.s32 $0x5FB0, s0;
	[dreg:$0x17] =	wrdreg s21  }
0x12: {  	s11 =	sshrl.u32 s11, $0x3;
	s10 =	sadd.s32 $0x6140, s0;
	[dreg:$0x1b] =	wrdreg s7  }
0x13: {  	s12 =	sadd.s32 s5, s11;
	[dreg:$0x1c] =	wrdreg s10  }
0x14: {  	s18 =	sadd.s32 s4, s11;
	[dreg:$0x7] =	wrdreg s12  }
0x15: {  	s17 =	sadd.s32 $0x4E2, s11;
	s11 =	sadd.s32 $0x54C0, s0;
	[dreg:$0x9] =	wrdreg s18  }
0x16: {  	s22 =	sadd.s32 $0x5B00, s0;
	[dreg:$0x11] =	wrdreg s11  }
0x17: {  	s23 =	sadd.s32 $0xE10, s0;
	[dreg:$0x18] =	wrdreg s22  }
0x18: {  	s24 =	sadd.s32 $0x5C90, s0;
	[smem:$0x7F2] =	sst s23  }
0x19: {  	s25 =	sadd.s32 $0xFA0, s0;
	[dreg:$0x19] =	wrdreg s24  }
0x1a: {  	s26 =	sadd.s32 $0x5E20, s0;
	[smem:$0x7F3] =	sst s25  }
0x1b: {  	s13 =	sadd.s32 $0x15E0, s0;
	[dreg:$0x1a] =	wrdreg s26  }
0x1c: {  	s19 =	sshrl.u32 s16, $0x3;
	s16 =	sadd.s32 $0x4B0, s0;
	[smem:$0x7F7] =	sst s13  }
0x1d: {  	s5 =	sadd.s32 s5, s17;
	v3 =	vmov s16;
	s16 =	sld [smem:$0x7F0]  }
0x1e: {  	s4 =	sadd.s32 s4, s17;
	[dreg:$0x8] =	wrdreg s5  }
0x1f: {  	s8 =	ssub.s32 $0x2, s8;
	s20 =	sadd.s32 s6, s19;
	[dreg:$0xa] =	wrdreg s4  }
0x20: {  	s15 =	sshrl.u32 s8, $0x1;
	s6 =	sadd.s32 $0x640, s0;
	[dreg:$0xb] =	wrdreg s20  }
0x21: {  	s8 =	ssub.s32 s8, s15;
	s12 =	sadd.s32 $0x5650, s0;
	[smem:$0x7EF] =	sst s6  }
0x22: {  	s17 =	smax.u32 s8, $0x1;
	[dreg:$0x12] =	wrdreg s12  }
0x23: {  	s15 =	sadd.s32 $0x7D0, s0;
	s18 =	sadd.s32 $0x57E0, s0;
	[dreg:$0x14] =	wrdreg s17  }
0x24: {  	s31 =	sadd.s32 $0x1900, s0;
	s19 =	sadd.s32 $0xAF0, s0;
	[dreg:$0x15] =	wrdreg s18  }
0x25: {  	s30 =	sadd.s32 $0x1C20, s0;
	s8 =	sadd.s32 $0x12C0, s0;
	[smem:$0x7F1] =	sst s19  }
0x26: {  	s14 =	sadd.s32 $0x6460, s0;
	s11 =	sadd.s32 $0x1450, s0;
	[smem:$0x7F5] =	sst s8  }
0x27: {  	s21 =	sadd.s32 $0x6910, s0;
	s23 =	sadd.s32 $0x1F40, s0;
	[smem:$0x7F6] =	sst s11  }
0x28: {  	s7 =	sadd.s32 $0x6DC0, s0;
	s24 =	sadd.s32 $0x20D0, s0;
	[smem:$0x7FA] =	sst s23  }
0x29: {  	s10 =	sadd.s32 $0x70E0, s0;
	s25 =	sadd.s32 $0x2260, s0;
	[smem:$0x7FB] =	sst s24  }
0x2a: {  	s22 =	sadd.s32 $0x6AA0, s0;
	s26 =	sadd.s32 $0x23F0, s0;
	[smem:$0x7FC] =	sst s25  }
0x2b: {  	s13 =	sadd.s32 $0x7400, s0;
	s5 =	sadd.s32 $0x320, s0;
	[smem:$0x7FD] =	sst s26  }
0x2c: {  	v5 =	vmov s15;
	s20 =	sadd.s32 $0x5970, s0;
	s6 =	sadd.s32 $0x1130, s0;
	s15 =	sld [smem:$0x7F2]  }
0x2d: {  	s12 =	sadd.s32 $0x62D0, s0;
	s17 =	sadd.s32 $0x1770, s0;
	[dreg:$0x16] =	wrdreg s20  }
0x2e: {  	s18 =	sadd.s32 $0x65F0, s0;
	s19 =	sadd.s32 $0x6780, s0;
	[smem:$0x7F4] =	sst s6  }
0x2f: {  	s4 =	sadd.s32 $0x1DB0, s0;
	s8 =	sadd.s32 $0x6F50, s0;
	[dreg:$0x1d] =	wrdreg s12  }
0x30: {  	s11 =	sadd.s32 $0x7270, s0;
	[smem:$0x7F8] =	sst s17;
	s20 =	sadd.s32 $0x1A90, s0  }
0x31: {  	v0 =	vmov s0;
	s6 =	sadd.s32 $0x6C30, s0;
	s12 =	sadd.s32 $0x2580, s0;
	s0 =	sld [smem:$0x7EE]  }
0x32: {  	v2 =	vmov s5;
	s5 =	sld [smem:$0x7EF]  }
0x33: {  	v17 =	vmov s4;
	s4 =	sld [smem:$0x7FA]  }
0x34: {  	[smem:$0x7F9] =	sst s20  }
0x35: {  	v6 =	vmov s16;
	s16 =	sld [smem:$0x7F3]  }
0x36: {  	v4 =	vmov s5;
	s5 =	sld [smem:$0x7F1]  }
0x37: {  	v8 =	vmov s15;
	s15 =	sld [smem:$0x7F5]  }
0x38: {  	v9 =	vmov s16;
	s16 =	sld [smem:$0x7F6]  }
0x39: {  	v7 =	vmov s5;
	s5 =	sld [smem:$0x7F4]  }
0x3a: {  	v11 =	vmov s15;
	s15 =	sld [smem:$0x7F8]  }
0x3b: {  	v12 =	vmov s16;
	s16 =	sld [smem:$0x7F9]  }
0x3c: {  	v10 =	vmov s5;
	s5 =	sld [smem:$0x7F7]  }
0x3d: {  	v14 =	vmov s15;
	s15 =	sld [smem:$0x7FC]  }
0x3e: {  	v15 =	vmov s16;
	s16 =	sld [smem:$0x7FD]  }
0x3f: {  	v13 =	vmov s5;
	s5 =	sld [smem:$0x7FB]  }
0x40: {  	s28 =	simm.s32 $0x1;
	[dreg:$0x1e] =	wrdreg s14  }
0x41: {  	s29 =	simm.s32 $0x2;
	v16 =	vmov s30;
	s30 =	simm.s32 $0x3;
	[smem:$0x7EC] =	sst s21;
	v1 =	vmov s0;
	v18 =	vmov s4  }
0x42: {  	s14 =	simm.s32 $0x2710;
	s21 =	simm.s32 $0x190;
	[smem:$0x7ED] =	sst s22;
	v20 =	vmov s15;
	v21 =	vmov s16;
	v19 =	vmov s5  }
0x43: {  	s22 =	simm.s32 $0x6;
	s23 =	simm.s32 $0x5;
	s24 =	simm.s32 $0x7  }
0x44: {  	s25 =	simm.s32 $0x8;
	s26 =	simm.s32 $0x9;
	[dreg:$0x1f] =	wrdreg s18  }
0x45: {  	[smem:$0x7EB] =	sst s19;
	s17 =	simm.s32 $0x9D00;
	s18 =	simm.s32 $0x11380  }
0x46: {  	v22 =	vimm.f32 $0.0e+00;
	s19 =	simm.s32 $0xA;
	s20 =	simm.s32 $0x4;
	s0 =	simm.s32 $0x0  }
.LBB2_1:
0x47: {  	s4 =	rddreg [dreg:$0x7]  }
0x48: {  	[tilespmem:s3], [sflag:$0x4] =	stream.linear.gather [hbm4b:s4+s3], $0x2710, $0x38;
	[tilespmem:$0x14080] =	vst v63  }
0x49: {  	s5 =	rddreg [dreg:$0x8]  }
0x4a: {  	[tilespmem:s14], [sflag:$0x5] =	stream.linear.gather [hbm4b:s5+s3], $0x2710, $0x38;
	[tilespmem:$0x14080] =	vst v63  }
0x4b: {  	s15 =	rddreg [dreg:$0x9];
	s5 =	simm.s32 $0x4E80  }
0x4c: {  	[tilespmem:s5], [sflag:$0x6] =	stream.linear.gather [hbm4b:s15+s3], $0x2710, $0x38;
	[tilespmem:$0x14080] =	vst v63  }
0x4d: {  	s16 =	rddreg [dreg:$0xa];
	s15 =	simm.s32 $0x7590  }
0x4e: {  	[tilespmem:s15], [sflag:$0x7] =	stream.linear.gather [hbm4b:s16+s3], $0x2710, $0x38;
	[tilespmem:$0x14080] =	vst v63  }
0x4f: {  	s16 =	rddreg [dreg:$0xb]  }
0x50: {  	[tilespmem:s17], [sflag:$0x1] =	stream.linear.gather [hbm4b:s16+s3], $0x2710, $0x38;
	[tilespmem:$0x14080] =	vst v63  }
0x51: {  	[tilespmem:$0x11380] =	vst v22  }
0x52: {  	[tilespmem:$0x11390] =	vst v22  }
0x53: {  	[tilespmem:$0x113A0] =	vst v22  }
0x54: {  	[tilespmem:$0x113B0] =	vst v22  }
0x55: {  	[tilespmem:$0x113C0] =	vst v22  }
0x56: {  	[tilespmem:$0x113D0] =	vst v22  }
0x57: {  	[tilespmem:$0x113E0] =	vst v22  }
0x58: {  	[tilespmem:$0x113F0] =	vst v22  }
0x59: {  	[tilespmem:$0x11400] =	vst v22  }
0x5a: {  	[tilespmem:$0x11410] =	vst v22  }
0x5b: {  	[tilespmem:$0x11420] =	vst v22  }
0x5c: {  	[tilespmem:$0x11430] =	vst v22  }
0x5d: {  	[tilespmem:$0x11440] =	vst v22  }
0x5e: {  	[tilespmem:$0x11450] =	vst v22  }
0x5f: {  	[tilespmem:$0x11460] =	vst v22  }
0x60: {  	[tilespmem:$0x11470] =	vst v22  }
0x61: {  	[tilespmem:$0x11480] =	vst v22  }
0x62: {  	[tilespmem:$0x11490] =	vst v22  }
0x63: {  	[tilespmem:$0x114A0] =	vst v22  }
0x64: {  	[tilespmem:$0x114B0] =	vst v22  }
0x65: {  	[tilespmem:$0x114C0] =	vst v22  }
0x66: {  	[tilespmem:$0x114D0] =	vst v22  }
0x67: {  	[tilespmem:$0x114E0] =	vst v22  }
0x68: {  	[tilespmem:$0x114F0] =	vst v22  }
0x69: {  	[tilespmem:$0x11500] =	vst v22  }
0x6a: {  	[tilespmem:$0x11510] =	vst v22  }
0x6b: {  	[tilespmem:$0x11520] =	vst v22  }
0x6c: {  	[tilespmem:$0x11530] =	vst v22  }
0x6d: {  	[tilespmem:$0x11540] =	vst v22  }
0x6e: {  	[tilespmem:$0x11550] =	vst v22  }
0x6f: {  	[tilespmem:$0x11560] =	vst v22  }
0x70: {  	[tilespmem:$0x11570] =	vst v22  }
0x71: {  	[tilespmem:$0x11580] =	vst v22  }
0x72: {  	[tilespmem:$0x11590] =	vst v22  }
0x73: {  	[tilespmem:$0x115A0] =	vst v22  }
0x74: {  	[tilespmem:$0x115B0] =	vst v22  }
0x75: {  	[tilespmem:$0x115C0] =	vst v22  }
0x76: {  	[tilespmem:$0x115D0] =	vst v22  }
0x77: {  	[tilespmem:$0x115E0] =	vst v22  }
0x78: {  	[tilespmem:$0x115F0] =	vst v22  }
0x79: {  	[spmem:s9] =	stream.linear.scatter [tilespmem:s18], [sflag:$0xA], $0x280, $0x38;
	[tilespmem:$0x14080] =	vst v63  }
0x7a: {  	_ =	swait.ge [sflag:s19], $0x280  }
0x7b: {  	[sflag:s19] =	ssyncset.done $0x0  }
0x7c: {  	s16 =	rddreg [dreg:$0xc];
	[sflag:s19] =	ssyncadd.s32 $0xFFFFFD80  }
0x7d: {  	[spmem:s16] =	stream.linear.scatter [tilespmem:s18], [sflag:$0xA], $0x280, $0x38;
	[tilespmem:$0x14080] =	vst v63  }
0x7e: {  	_ =	swait.ge [sflag:s19], $0x280  }
0x7f: {  	[sflag:s19] =	ssyncset.done $0x0  }
0x80: {  	[sflag:s19] =	ssyncadd.s32 $0xFFFFFD80  }
0x81: {  	[bflag:$0x0] =	sbarrier.arrive $0xFFFF  }
0x82: {  	_ =	swait.ge [sflag:s20], $0x2710  }
0x83: {  	[sflag:s20] =	ssyncset.done $0x0  }
0x84: {  	[sflag:s20] =	ssyncadd.s32 $0xFFFFD8F0  }
0x85: {  	_ =	swait.ge [sflag:s22], $0x2710  }
0x86: {  	[sflag:s22] =	ssyncset.done $0x0  }
0x87: {  	[sflag:s22] =	ssyncadd.s32 $0xFFFFD8F0  }
0x88: {  	[spmem:s1] =	stream.indirect.scatter.add.f32 [tilespmem:s3], [sflag:$0x8], $0x1, s5, s14, $0xb8;
	[tilespmem:$0x14080] =	vst v63  }
0x89: {  	_ =	swait.ge [sflag:s23], $0x2710  }
0x8a: {  	[sflag:s23] =	ssyncset.done $0x0  }
0x8b: {  	[sflag:s23] =	ssyncadd.s32 $0xFFFFD8F0  }
0x8c: {  	_ =	swait.ge [sflag:s24], $0x2710  }
0x8d: {  	[sflag:s24] =	ssyncset.done $0x0  }
0x8e: {  	[sflag:s24] =	ssyncadd.s32 $0xFFFFD8F0  }
0x8f: {  	[spmem:s1] =	stream.indirect.scatter.add.f32 [tilespmem:s14], [sflag:$0x9], $0x1, s15, s14, $0xb8;
	[tilespmem:$0x14080] =	vst v63  }
0x90: {  	_ =	swait.ge [sflag:s25], $0x2710  }
0x91: {  	[sflag:s25] =	ssyncset.done $0x0  }
0x92: {  	[sflag:s25] =	ssyncadd.s32 $0xFFFFD8F0  }
0x93: {  	_ =	swait.ge [sflag:s26], $0x2710  }
0x94: {  	[sflag:s26] =	ssyncset.done $0x0  }
0x95: {  	[sflag:s26] =	ssyncadd.s32 $0xFFFFD8F0  }
0x96: {  	[bflag:$0x0] =	sbarrier.arrive $0xFFFF  }
0x97: {  	[tilespmem:s18], [sflag:$0xA] =	stream.linear.gather [spmem:s9], $0x280, $0x38;
	[tilespmem:$0x14080] =	vst v63  }
0x98: {  	_ =	swait.ge [sflag:s19], $0x280  }
0x99: {  	[sflag:s19] =	ssyncset.done $0x0  }
0x9a: {  	s16 =	simm.s32 $0x40;
	s15 =	simm.s32 $0x0;
	[sflag:s19] =	ssyncadd.s32 $0xFFFFFD80  }
.LBB2_2:
0x9b: {  	p1 =	sne.s32 s16, $0x9C0;
	v23 =	vld [tilespmem:s15+$0x11380];
	_ =	sdelay $0x4  }
0x9c: {  	(erf) = vrcp.f32 v23;
	_ =	sdelay $0x5  }
.Ltmp0:
0x9d: {  	(pc) =	sbr.rel @p1 .LBB2_2-.Ltmp0, $3  }
0x9e: {  	_ =	sdelay $0x1  }
0x9f: {  	v23 =	vpop (erf)  }
0xa0: {  	[tilespmem:s15+$0x11380] =	vst v23;
	s15 =	sshra.s32 s16, $0x2;
	s16 =	sadd.s32 $0x40, s16  }
0xa1: {  	v23 =	vld [tilespmem:s15+$0x11380];
	_ =	sdelay $0x4  }
0xa2: {  	(erf) = vrcp.f32 v23;
	_ =	sdelay $0x8  }
0xa3: {  	v23 =	vpop (erf)  }
0xa4: {  	[tilespmem:s15+$0x11380] =	vst v23  }
0xa5: {  	[spmem:s9] =	stream.linear.scatter [tilespmem:s18], [sflag:$0xA], $0x280, $0x38;
	[tilespmem:$0x14080] =	vst v63  }
0xa6: {  	_ =	swait.ge [sflag:s19], $0x280  }
0xa7: {  	[sflag:s19] =	ssyncset.done $0x0  }
0xa8: {  	[sflag:s19] =	ssyncadd.s32 $0xFFFFFD80  }
0xa9: {  	[bflag:$0x0] =	sbarrier.arrive $0xFFFF  }
0xaa: {  	_ =	swait.ge [sflag:s28], $0x2710  }
0xab: {  	[sflag:s28] =	ssyncset.done $0x0  }
0xac: {  	s5 =	simm.s32 $0xEC00;
	s4 =	rddreg [dreg:$0xd];
	[sflag:s28] =	ssyncadd.s32 $0xFFFFD8F0  }
0xad: {  	[tilespmem:s5], [sflag:$0x2] =	stream.indirect.gather [spmem:s1], $0x1, s4, s21, $0xb8;
	[tilespmem:$0x14080] =	vst v63  }
0xae: {  	_ =	swait.ge [sflag:s29], $0x190  }
0xaf: {  	[sflag:s29] =	ssyncset.done $0x0  }
0xb0: {  	s16 =	simm.s32 $0xED90;
	s15 =	rddreg [dreg:$0xe];
	[sflag:s29] =	ssyncadd.s32 $0xFFFFFE70  }
0xb1: {  	[tilespmem:s16], [sflag:$0x2] =	stream.indirect.gather [spmem:s1], $0x1, s15, s21, $0xb8;
	[tilespmem:$0x14080] =	vst v63  }
0xb2: {  	s4 =	simm.s32 $0x40;
	s15 =	simm.s32 $0x0  }
.LBB2_4:
0xb3: {  	p1 =	sne.s32 s4, $0x600;
	v23 =	vld.idx.msk [tilespmem:v0+s15+$0x0 ss:$0x1], $0xffff  }
0xb4: {  	v24 =	vld [tilespmem:s15+$0xEC00];
	_ =	sdelay $0x2  }
.Ltmp1:
0xb5: {  	(pc) =	sbr.rel @p1 .LBB2_4-.Ltmp1, $3  }
0xb6: {  	_ = 	snop  }
0xb7: {  	v23 =	vmul.f32 v24, v23;
	_ =	sdelay $0x1  }
0xb8: {  	[tilespmem:s15+$0xC480] =	vst v23;
	s15 =	sshra.s32 s4, $0x2;
	s4 =	sadd.s32 $0x40, s4  }
0xb9: {  	_ =	sdelay $0x3  }
0xba: {  	v23 =	vld.idx.msk [tilespmem:v0+s15+$0x0 ss:$0x1], $0xffff  }
0xbb: {  	v24 =	vld [tilespmem:s15+$0xEC00];
	_ =	sdelay $0x4  }
0xbc: {  	v23 =	vmul.f32 v24, v23;
	_ =	sdelay $0x1  }
0xbd: {  	s4 =	simm.s32 $0xC480;
	[tilespmem:s15+$0xC480] =	vst v23  }
0xbe: {  	[spmem:s2] =	stream.indirect.scatter.add.f32 [tilespmem:s4], [sflag:$0x3], $0x1, s17, s21, $0xb8;
	[tilespmem:$0x14080] =	vst v63  }
0xbf: {  	_ =	swait.ge [sflag:s29], $0x190  }
0xc0: {  	s5 =	simm.s32 $0xEF20;
	s15 =	simm.s32 $0x0;
	[sflag:s29] =	ssyncset.done $0x0  }
0xc1: {  	s4 =	simm.s32 $0x40;
	s17 =	rddreg [dreg:$0xf];
	[sflag:s29] =	ssyncadd.s32 $0xFFFFFE70  }
0xc2: {  	[tilespmem:s5], [sflag:$0x2] =	stream.indirect.gather [spmem:s1], $0x1, s17, s21, $0xb8;
	[tilespmem:$0x14080] =	vst v63  }
.LBB2_6:
0xc3: {  	p1 =	sne.s32 s4, $0x600;
	v23 =	vld.idx.msk [tilespmem:v1+s15+$0x0 ss:$0x1], $0xffff  }
0xc4: {  	v24 =	vld [tilespmem:s15+$0xED90];
	_ =	sdelay $0x2  }
.Ltmp2:
0xc5: {  	(pc) =	sbr.rel @p1 .LBB2_6-.Ltmp2, $3  }
0xc6: {  	_ = 	snop  }
0xc7: {  	v23 =	vmul.f32 v24, v23;
	_ =	sdelay $0x1  }
0xc8: {  	[tilespmem:s15+$0xC610] =	vst v23;
	s15 =	sshra.s32 s4, $0x2;
	s4 =	sadd.s32 $0x40, s4  }
0xc9: {  	_ =	sdelay $0x3  }
0xca: {  	v23 =	vld.idx.msk [tilespmem:v1+s15+$0x0 ss:$0x1], $0xffff  }
0xcb: {  	v24 =	vld [tilespmem:s15+$0xED90];
	_ =	sdelay $0x4  }
0xcc: {  	v23 =	vmul.f32 v24, v23;
	_ =	sdelay $0x1  }
0xcd: {  	s4 =	simm.s32 $0x9E90;
	s5 =	simm.s32 $0xC610;
	[tilespmem:s15+$0xC610] =	vst v23  }
0xce: {  	[spmem:s2] =	stream.indirect.scatter.add.f32 [tilespmem:s5], [sflag:$0x3], $0x1, s4, s21, $0xb8;
	[tilespmem:$0x14080] =	vst v63  }
0xcf: {  	_ =	swait.ge [sflag:s29], $0x190  }
0xd0: {  	s17 =	simm.s32 $0xF0B0;
	s15 =	simm.s32 $0x0;
	[sflag:s29] =	ssyncset.done $0x0  }
0xd1: {  	s4 =	simm.s32 $0x40;
	s16 =	rddreg [dreg:$0x10];
	[sflag:s29] =	ssyncadd.s32 $0xFFFFFE70  }
0xd2: {  	[tilespmem:s17], [sflag:$0x2] =	stream.indirect.gather [spmem:s1], $0x1, s16, s21, $0xb8;
	[tilespmem:$0x14080] =	vst v63  }
.LBB2_8:
0xd3: {  	p1 =	sne.s32 s4, $0x600;
	v23 =	vld.idx.msk [tilespmem:v2+s15+$0x0 ss:$0x1], $0xffff  }
0xd4: {  	v24 =	vld [tilespmem:s15+$0xEF20];
	_ =	sdelay $0x2  }
.Ltmp3:
0xd5: {  	(pc) =	sbr.rel @p1 .LBB2_8-.Ltmp3, $3  }
0xd6: {  	_ = 	snop  }
0xd7: {  	v23 =	vmul.f32 v24, v23;
	_ =	sdelay $0x1  }
0xd8: {  	[tilespmem:s15+$0xC7A0] =	vst v23;
	s15 =	sshra.s32 s4, $0x2;
	s4 =	sadd.s32 $0x40, s4  }
0xd9: {  	_ =	sdelay $0x3  }
0xda: {  	v23 =	vld.idx.msk [tilespmem:v2+s15+$0x0 ss:$0x1], $0xffff  }
0xdb: {  	v24 =	vld [tilespmem:s15+$0xEF20];
	_ =	sdelay $0x4  }
0xdc: {  	v23 =	vmul.f32 v24, v23;
	_ =	sdelay $0x1  }
0xdd: {  	s4 =	simm.s32 $0xA020;
	s5 =	simm.s32 $0xC7A0;
	[tilespmem:s15+$0xC7A0] =	vst v23  }
0xde: {  	[spmem:s2] =	stream.indirect.scatter.add.f32 [tilespmem:s5], [sflag:$0x3], $0x1, s4, s21, $0xb8;
	[tilespmem:$0x14080] =	vst v63  }
0xdf: {  	_ =	swait.ge [sflag:s29], $0x190  }
0xe0: {  	s17 =	simm.s32 $0xF240;
	s15 =	simm.s32 $0x0;
	[sflag:s29] =	ssyncset.done $0x0  }
0xe1: {  	s4 =	simm.s32 $0x40;
	s16 =	rddreg [dreg:$0x11];
	[sflag:s29] =	ssyncadd.s32 $0xFFFFFE70  }
0xe2: {  	[tilespmem:s17], [sflag:$0x2] =	stream.indirect.gather [spmem:s1], $0x1, s16, s21, $0xb8;
	[tilespmem:$0x14080] =	vst v63  }
.LBB2_10:
0xe3: {  	p1 =	sne.s32 s4, $0x600;
	v23 =	vld.idx.msk [tilespmem:v3+s15+$0x0 ss:$0x1], $0xffff  }
0xe4: {  	v24 =	vld [tilespmem:s15+$0xF0B0];
	_ =	sdelay $0x2  }
.Ltmp4:
0xe5: {  	(pc) =	sbr.rel @p1 .LBB2_10-.Ltmp4, $3  }
0xe6: {  	_ = 	snop  }
0xe7: {  	v23 =	vmul.f32 v24, v23;
	_ =	sdelay $0x1  }
0xe8: {  	[tilespmem:s15+$0xC930] =	vst v23;
	s15 =	sshra.s32 s4, $0x2;
	s4 =	sadd.s32 $0x40, s4  }
0xe9: {  	_ =	sdelay $0x3  }
0xea: {  	v23 =	vld.idx.msk [tilespmem:v3+s15+$0x0 ss:$0x1], $0xffff  }
0xeb: {  	v24 =	vld [tilespmem:s15+$0xF0B0];
	_ =	sdelay $0x4  }
0xec: {  	v23 =	vmul.f32 v24, v23;
	_ =	sdelay $0x1  }
0xed: {  	s4 =	simm.s32 $0xA1B0;
	s5 =	simm.s32 $0xC930;
	[tilespmem:s15+$0xC930] =	vst v23  }
0xee: {  	[spmem:s2] =	stream.indirect.scatter.add.f32 [tilespmem:s5], [sflag:$0x3], $0x1, s4, s21, $0xb8;
	[tilespmem:$0x14080] =	vst v63  }
0xef: {  	_ =	swait.ge [sflag:s29], $0x190  }
0xf0: {  	s17 =	simm.s32 $0xF3D0;
	s15 =	simm.s32 $0x0;
	[sflag:s29] =	ssyncset.done $0x0  }
0xf1: {  	s4 =	simm.s32 $0x40;
	s16 =	rddreg [dreg:$0x12];
	[sflag:s29] =	ssyncadd.s32 $0xFFFFFE70  }
0xf2: {  	[tilespmem:s17], [sflag:$0x2] =	stream.indirect.gather [spmem:s1], $0x1, s16, s21, $0xb8;
	[tilespmem:$0x14080] =	vst v63  }
.LBB2_12:
0xf3: {  	p1 =	sne.s32 s4, $0x600;
	v23 =	vld.idx.msk [tilespmem:v4+s15+$0x0 ss:$0x1], $0xffff  }
0xf4: {  	v24 =	vld [tilespmem:s15+$0xF240];
	_ =	sdelay $0x2  }
.Ltmp5:
0xf5: {  	(pc) =	sbr.rel @p1 .LBB2_12-.Ltmp5, $3  }
0xf6: {  	_ = 	snop  }
0xf7: {  	v23 =	vmul.f32 v24, v23;
	_ =	sdelay $0x1  }
0xf8: {  	[tilespmem:s15+$0xCAC0] =	vst v23;
	s15 =	sshra.s32 s4, $0x2;
	s4 =	sadd.s32 $0x40, s4  }
0xf9: {  	_ =	sdelay $0x3  }
0xfa: {  	v23 =	vld.idx.msk [tilespmem:v4+s15+$0x0 ss:$0x1], $0xffff  }
0xfb: {  	v24 =	vld [tilespmem:s15+$0xF240];
	_ =	sdelay $0x4  }
0xfc: {  	v23 =	vmul.f32 v24, v23;
	_ =	sdelay $0x1  }
0xfd: {  	s4 =	simm.s32 $0xA340;
	s5 =	simm.s32 $0xCAC0;
	[tilespmem:s15+$0xCAC0] =	vst v23  }
0xfe: {  	[spmem:s2] =	stream.indirect.scatter.add.f32 [tilespmem:s5], [sflag:$0x3], $0x1, s4, s21, $0xb8;
	[tilespmem:$0x14080] =	vst v63  }
0xff: {  	_ =	swait.ge [sflag:s29], $0x190  }
0x100: {  	s17 =	simm.s32 $0xF560;
	s15 =	simm.s32 $0x0;
	[sflag:s29] =	ssyncset.done $0x0  }
0x101: {  	s4 =	simm.s32 $0x40;
	s16 =	rddreg [dreg:$0x15];
	[sflag:s29] =	ssyncadd.s32 $0xFFFFFE70  }
0x102: {  	[tilespmem:s17], [sflag:$0x2] =	stream.indirect.gather [spmem:s1], $0x1, s16, s21, $0xb8;
	[tilespmem:$0x14080] =	vst v63  }
.LBB2_14:
0x103: {  	p1 =	sne.s32 s4, $0x600;
	v23 =	vld.idx.msk [tilespmem:v5+s15+$0x0 ss:$0x1], $0xffff  }
0x104: {  	v24 =	vld [tilespmem:s15+$0xF3D0];
	_ =	sdelay $0x2  }
.Ltmp6:
0x105: {  	(pc) =	sbr.rel @p1 .LBB2_14-.Ltmp6, $3  }
0x106: {  	_ = 	snop  }
0x107: {  	v23 =	vmul.f32 v24, v23;
	_ =	sdelay $0x1  }
0x108: {  	[tilespmem:s15+$0xCC50] =	vst v23;
	s15 =	sshra.s32 s4, $0x2;
	s4 =	sadd.s32 $0x40, s4  }
0x109: {  	_ =	sdelay $0x3  }
0x10a: {  	v23 =	vld.idx.msk [tilespmem:v5+s15+$0x0 ss:$0x1], $0xffff  }
0x10b: {  	v24 =	vld [tilespmem:s15+$0xF3D0];
	_ =	sdelay $0x4  }
0x10c: {  	v23 =	vmul.f32 v24, v23;
	_ =	sdelay $0x1  }
0x10d: {  	s4 =	simm.s32 $0xA4D0;
	s5 =	simm.s32 $0xCC50;
	[tilespmem:s15+$0xCC50] =	vst v23  }
0x10e: {  	[spmem:s2] =	stream.indirect.scatter.add.f32 [tilespmem:s5], [sflag:$0x3], $0x1, s4, s21, $0xb8;
	[tilespmem:$0x14080] =	vst v63  }
0x10f: {  	_ =	swait.ge [sflag:s29], $0x190  }
0x110: {  	s17 =	simm.s32 $0xF6F0;
	s15 =	simm.s32 $0x0;
	[sflag:s29] =	ssyncset.done $0x0  }
0x111: {  	s4 =	simm.s32 $0x40;
	s16 =	rddreg [dreg:$0x16];
	[sflag:s29] =	ssyncadd.s32 $0xFFFFFE70  }
0x112: {  	[tilespmem:s17], [sflag:$0x2] =	stream.indirect.gather [spmem:s1], $0x1, s16, s21, $0xb8;
	[tilespmem:$0x14080] =	vst v63  }
.LBB2_16:
0x113: {  	p1 =	sne.s32 s4, $0x600;
	v23 =	vld.idx.msk [tilespmem:v6+s15+$0x0 ss:$0x1], $0xffff  }
0x114: {  	v24 =	vld [tilespmem:s15+$0xF560];
	_ =	sdelay $0x2  }
.Ltmp7:
0x115: {  	(pc) =	sbr.rel @p1 .LBB2_16-.Ltmp7, $3  }
0x116: {  	_ = 	snop  }
0x117: {  	v23 =	vmul.f32 v24, v23;
	_ =	sdelay $0x1  }
0x118: {  	[tilespmem:s15+$0xCDE0] =	vst v23;
	s15 =	sshra.s32 s4, $0x2;
	s4 =	sadd.s32 $0x40, s4  }
0x119: {  	_ =	sdelay $0x3  }
0x11a: {  	v23 =	vld.idx.msk [tilespmem:v6+s15+$0x0 ss:$0x1], $0xffff  }
0x11b: {  	v24 =	vld [tilespmem:s15+$0xF560];
	_ =	sdelay $0x4  }
0x11c: {  	v23 =	vmul.f32 v24, v23;
	_ =	sdelay $0x1  }
0x11d: {  	s4 =	simm.s32 $0xA660;
	s5 =	simm.s32 $0xCDE0;
	[tilespmem:s15+$0xCDE0] =	vst v23  }
0x11e: {  	[spmem:s2] =	stream.indirect.scatter.add.f32 [tilespmem:s5], [sflag:$0x3], $0x1, s4, s21, $0xb8;
	[tilespmem:$0x14080] =	vst v63  }
0x11f: {  	_ =	swait.ge [sflag:s29], $0x190  }
0x120: {  	s17 =	simm.s32 $0xF880;
	s15 =	simm.s32 $0x0;
	[sflag:s29] =	ssyncset.done $0x0  }
0x121: {  	s4 =	simm.s32 $0x40;
	s16 =	rddreg [dreg:$0x18];
	[sflag:s29] =	ssyncadd.s32 $0xFFFFFE70  }
0x122: {  	[tilespmem:s17], [sflag:$0x2] =	stream.indirect.gather [spmem:s1], $0x1, s16, s21, $0xb8;
	[tilespmem:$0x14080] =	vst v63  }
.LBB2_18:
0x123: {  	p1 =	sne.s32 s4, $0x600;
	v23 =	vld.idx.msk [tilespmem:v7+s15+$0x0 ss:$0x1], $0xffff  }
0x124: {  	v24 =	vld [tilespmem:s15+$0xF6F0];
	_ =	sdelay $0x2  }
.Ltmp8:
0x125: {  	(pc) =	sbr.rel @p1 .LBB2_18-.Ltmp8, $3  }
0x126: {  	_ = 	snop  }
0x127: {  	v23 =	vmul.f32 v24, v23;
	_ =	sdelay $0x1  }
0x128: {  	[tilespmem:s15+$0xCF70] =	vst v23;
	s15 =	sshra.s32 s4, $0x2;
	s4 =	sadd.s32 $0x40, s4  }
0x129: {  	_ =	sdelay $0x3  }
0x12a: {  	v23 =	vld.idx.msk [tilespmem:v7+s15+$0x0 ss:$0x1], $0xffff  }
0x12b: {  	v24 =	vld [tilespmem:s15+$0xF6F0];
	_ =	sdelay $0x4  }
0x12c: {  	v23 =	vmul.f32 v24, v23;
	_ =	sdelay $0x1  }
0x12d: {  	s4 =	simm.s32 $0xA7F0;
	s5 =	simm.s32 $0xCF70;
	[tilespmem:s15+$0xCF70] =	vst v23  }
0x12e: {  	[spmem:s2] =	stream.indirect.scatter.add.f32 [tilespmem:s5], [sflag:$0x3], $0x1, s4, s21, $0xb8;
	[tilespmem:$0x14080] =	vst v63  }
0x12f: {  	_ =	swait.ge [sflag:s29], $0x190  }
0x130: {  	s16 =	simm.s32 $0xFA10;
	[sflag:s29] =	ssyncset.done $0x0  }
0x131: {  	s17 =	simm.s32 $0x0;
	s15 =	rddreg [dreg:$0x19];
	[sflag:s29] =	ssyncadd.s32 $0xFFFFFE70  }
0x132: {  	[tilespmem:s16], [sflag:$0x2] =	stream.indirect.gather [spmem:s1], $0x1, s15, s21, $0xb8;
	[tilespmem:$0x14080] =	vst v63  }
0x133: {  	s15 =	sand.u32 $0x1F0, s17  }
0x134: {  	s4 =	simm.s32 $0x10;
	s16 =	rddreg [dreg:$0x17];
	v23 =	vld [tilespmem:s15+$0xF880]  }
.LBB2_20:
0x135: {  	p1 =	sne.s32 s4, $0x180;
	v24 =	vld [tilespmem:s16+$0x0];
	_ =	sdelay $0x2  }
.Ltmp9:
0x136: {  	(pc) =	sbr.rel @p1 .LBB2_20-.Ltmp9, $4  }
0x137: {  	_ = 	snop  }
0x138: {  	v24 =	vmul.f32 v23, v24  }
0x139: {  	s17 =	sand.u32 $0x1F0, s4  }
0x13a: {  	s4 =	sadd.s32 $0x10, s4;
	s16 =	sadd.s32 $0x10, s16;
	v23 =	vld [tilespmem:s17+$0xF880];
	[tilespmem:s15+$0xD100] =	vst v24;
	s15 =	smov.u32 s17  }
0x13b: {  	v24 =	vld [tilespmem:s16+$0x0];
	_ =	sdelay $0x4  }
0x13c: {  	v23 =	vmul.f32 v23, v24;
	_ =	sdelay $0x1  }
0x13d: {  	s4 =	simm.s32 $0xA980;
	s5 =	simm.s32 $0xD100;
	[tilespmem:s15+$0xD100] =	vst v23  }
0x13e: {  	[spmem:s2] =	stream.indirect.scatter.add.f32 [tilespmem:s5], [sflag:$0x3], $0x1, s4, s21, $0xb8;
	[tilespmem:$0x14080] =	vst v63  }
0x13f: {  	_ =	swait.ge [sflag:s29], $0x190  }
0x140: {  	s17 =	simm.s32 $0xFBA0;
	s15 =	simm.s32 $0x0;
	[sflag:s29] =	ssyncset.done $0x0  }
0x141: {  	s4 =	simm.s32 $0x40;
	s16 =	rddreg [dreg:$0x1a];
	[sflag:s29] =	ssyncadd.s32 $0xFFFFFE70  }
0x142: {  	[tilespmem:s17], [sflag:$0x2] =	stream.indirect.gather [spmem:s1], $0x1, s16, s21, $0xb8;
	[tilespmem:$0x14080] =	vst v63  }
.LBB2_22:
0x143: {  	p1 =	sne.s32 s4, $0x600;
	v23 =	vld.idx.msk [tilespmem:v8+s15+$0x0 ss:$0x1], $0xffff  }
0x144: {  	v24 =	vld [tilespmem:s15+$0xFA10];
	_ =	sdelay $0x2  }
.Ltmp10:
0x145: {  	(pc) =	sbr.rel @p1 .LBB2_22-.Ltmp10, $3  }
0x146: {  	_ = 	snop  }
0x147: {  	v23 =	vmul.f32 v24, v23;
	_ =	sdelay $0x1  }
0x148: {  	[tilespmem:s15+$0xD290] =	vst v23;
	s15 =	sshra.s32 s4, $0x2;
	s4 =	sadd.s32 $0x40, s4  }
0x149: {  	_ =	sdelay $0x3  }
0x14a: {  	v23 =	vld.idx.msk [tilespmem:v8+s15+$0x0 ss:$0x1], $0xffff  }
0x14b: {  	v24 =	vld [tilespmem:s15+$0xFA10];
	_ =	sdelay $0x4  }
0x14c: {  	v23 =	vmul.f32 v24, v23;
	_ =	sdelay $0x1  }
0x14d: {  	s4 =	simm.s32 $0xAB10;
	s5 =	simm.s32 $0xD290;
	[tilespmem:s15+$0xD290] =	vst v23  }
0x14e: {  	[spmem:s2] =	stream.indirect.scatter.add.f32 [tilespmem:s5], [sflag:$0x3], $0x1, s4, s21, $0xb8;
	[tilespmem:$0x14080] =	vst v63  }
0x14f: {  	_ =	swait.ge [sflag:s29], $0x190  }
0x150: {  	s17 =	simm.s32 $0xFD30;
	s15 =	simm.s32 $0x0;
	[sflag:s29] =	ssyncset.done $0x0  }
0x151: {  	s4 =	simm.s32 $0x40;
	s16 =	rddreg [dreg:$0x1b];
	[sflag:s29] =	ssyncadd.s32 $0xFFFFFE70  }
0x152: {  	[tilespmem:s17], [sflag:$0x2] =	stream.indirect.gather [spmem:s1], $0x1, s16, s21, $0xb8;
	[tilespmem:$0x14080] =	vst v63  }
.LBB2_24:
0x153: {  	p1 =	sne.s32 s4, $0x600;
	v23 =	vld.idx.msk [tilespmem:v9+s15+$0x0 ss:$0x1], $0xffff  }
0x154: {  	v24 =	vld [tilespmem:s15+$0xFBA0];
	_ =	sdelay $0x2  }
.Ltmp11:
0x155: {  	(pc) =	sbr.rel @p1 .LBB2_24-.Ltmp11, $3  }
0x156: {  	_ = 	snop  }
0x157: {  	v23 =	vmul.f32 v24, v23;
	_ =	sdelay $0x1  }
0x158: {  	[tilespmem:s15+$0xD420] =	vst v23;
	s15 =	sshra.s32 s4, $0x2;
	s4 =	sadd.s32 $0x40, s4  }
0x159: {  	_ =	sdelay $0x3  }
0x15a: {  	v23 =	vld.idx.msk [tilespmem:v9+s15+$0x0 ss:$0x1], $0xffff  }
0x15b: {  	v24 =	vld [tilespmem:s15+$0xFBA0];
	_ =	sdelay $0x4  }
0x15c: {  	v23 =	vmul.f32 v24, v23;
	_ =	sdelay $0x1  }
0x15d: {  	s4 =	simm.s32 $0xACA0;
	s5 =	simm.s32 $0xD420;
	[tilespmem:s15+$0xD420] =	vst v23  }
0x15e: {  	[spmem:s2] =	stream.indirect.scatter.add.f32 [tilespmem:s5], [sflag:$0x3], $0x1, s4, s21, $0xb8;
	[tilespmem:$0x14080] =	vst v63  }
0x15f: {  	_ =	swait.ge [sflag:s29], $0x190  }
0x160: {  	s17 =	simm.s32 $0xFEC0;
	s15 =	simm.s32 $0x0;
	[sflag:s29] =	ssyncset.done $0x0  }
0x161: {  	s4 =	simm.s32 $0x40;
	s16 =	rddreg [dreg:$0x1c];
	[sflag:s29] =	ssyncadd.s32 $0xFFFFFE70  }
0x162: {  	[tilespmem:s17], [sflag:$0x2] =	stream.indirect.gather [spmem:s1], $0x1, s16, s21, $0xb8;
	[tilespmem:$0x14080] =	vst v63  }
.LBB2_26:
0x163: {  	p1 =	sne.s32 s4, $0x600;
	v23 =	vld.idx.msk [tilespmem:v10+s15+$0x0 ss:$0x1], $0xffff  }
0x164: {  	v24 =	vld [tilespmem:s15+$0xFD30];
	_ =	sdelay $0x2  }
.Ltmp12:
0x165: {  	(pc) =	sbr.rel @p1 .LBB2_26-.Ltmp12, $3  }
0x166: {  	_ = 	snop  }
0x167: {  	v23 =	vmul.f32 v24, v23;
	_ =	sdelay $0x1  }
0x168: {  	[tilespmem:s15+$0xD5B0] =	vst v23;
	s15 =	sshra.s32 s4, $0x2;
	s4 =	sadd.s32 $0x40, s4  }
0x169: {  	_ =	sdelay $0x3  }
0x16a: {  	v23 =	vld.idx.msk [tilespmem:v10+s15+$0x0 ss:$0x1], $0xffff  }
0x16b: {  	v24 =	vld [tilespmem:s15+$0xFD30];
	_ =	sdelay $0x4  }
0x16c: {  	v23 =	vmul.f32 v24, v23;
	_ =	sdelay $0x1  }
0x16d: {  	s4 =	simm.s32 $0xAE30;
	s5 =	simm.s32 $0xD5B0;
	[tilespmem:s15+$0xD5B0] =	vst v23  }
0x16e: {  	[spmem:s2] =	stream.indirect.scatter.add.f32 [tilespmem:s5], [sflag:$0x3], $0x1, s4, s21, $0xb8;
	[tilespmem:$0x14080] =	vst v63  }
0x16f: {  	_ =	swait.ge [sflag:s29], $0x190  }
0x170: {  	s17 =	simm.s32 $0x10050;
	s15 =	simm.s32 $0x0;
	[sflag:s29] =	ssyncset.done $0x0  }
0x171: {  	s4 =	simm.s32 $0x40;
	s16 =	rddreg [dreg:$0x1d];
	[sflag:s29] =	ssyncadd.s32 $0xFFFFFE70  }
0x172: {  	[tilespmem:s17], [sflag:$0x2] =	stream.indirect.gather [spmem:s1], $0x1, s16, s21, $0xb8;
	[tilespmem:$0x14080] =	vst v63  }
.LBB2_28:
0x173: {  	p1 =	sne.s32 s4, $0x600;
	v23 =	vld.idx.msk [tilespmem:v11+s15+$0x0 ss:$0x1], $0xffff  }
0x174: {  	v24 =	vld [tilespmem:s15+$0xFEC0];
	_ =	sdelay $0x2  }
.Ltmp13:
0x175: {  	(pc) =	sbr.rel @p1 .LBB2_28-.Ltmp13, $3  }
0x176: {  	_ = 	snop  }
0x177: {  	v23 =	vmul.f32 v24, v23;
	_ =	sdelay $0x1  }
0x178: {  	[tilespmem:s15+$0xD740] =	vst v23;
	s15 =	sshra.s32 s4, $0x2;
	s4 =	sadd.s32 $0x40, s4  }
0x179: {  	_ =	sdelay $0x3  }
0x17a: {  	v23 =	vld.idx.msk [tilespmem:v11+s15+$0x0 ss:$0x1], $0xffff  }
0x17b: {  	v24 =	vld [tilespmem:s15+$0xFEC0];
	_ =	sdelay $0x4  }
0x17c: {  	v23 =	vmul.f32 v24, v23;
	_ =	sdelay $0x1  }
0x17d: {  	s4 =	simm.s32 $0xAFC0;
	s5 =	simm.s32 $0xD740;
	[tilespmem:s15+$0xD740] =	vst v23  }
0x17e: {  	[spmem:s2] =	stream.indirect.scatter.add.f32 [tilespmem:s5], [sflag:$0x3], $0x1, s4, s21, $0xb8;
	[tilespmem:$0x14080] =	vst v63  }
0x17f: {  	_ =	swait.ge [sflag:s29], $0x190  }
0x180: {  	s17 =	simm.s32 $0x101E0;
	s15 =	simm.s32 $0x0;
	[sflag:s29] =	ssyncset.done $0x0  }
0x181: {  	s4 =	simm.s32 $0x40;
	s16 =	rddreg [dreg:$0x1e];
	[sflag:s29] =	ssyncadd.s32 $0xFFFFFE70  }
0x182: {  	[tilespmem:s17], [sflag:$0x2] =	stream.indirect.gather [spmem:s1], $0x1, s16, s21, $0xb8;
	[tilespmem:$0x14080] =	vst v63  }
.LBB2_30:
0x183: {  	p1 =	sne.s32 s4, $0x600;
	v23 =	vld.idx.msk [tilespmem:v12+s15+$0x0 ss:$0x1], $0xffff  }
0x184: {  	v24 =	vld [tilespmem:s15+$0x10050];
	_ =	sdelay $0x2  }
.Ltmp14:
0x185: {  	(pc) =	sbr.rel @p1 .LBB2_30-.Ltmp14, $3  }
0x186: {  	_ = 	snop  }
0x187: {  	v23 =	vmul.f32 v24, v23;
	_ =	sdelay $0x1  }
0x188: {  	[tilespmem:s15+$0xD8D0] =	vst v23;
	s15 =	sshra.s32 s4, $0x2;
	s4 =	sadd.s32 $0x40, s4  }
0x189: {  	_ =	sdelay $0x3  }
0x18a: {  	v23 =	vld.idx.msk [tilespmem:v12+s15+$0x0 ss:$0x1], $0xffff  }
0x18b: {  	v24 =	vld [tilespmem:s15+$0x10050];
	_ =	sdelay $0x4  }
0x18c: {  	v23 =	vmul.f32 v24, v23;
	_ =	sdelay $0x1  }
0x18d: {  	s4 =	simm.s32 $0xB150;
	s5 =	simm.s32 $0xD8D0;
	[tilespmem:s15+$0xD8D0] =	vst v23  }
0x18e: {  	[spmem:s2] =	stream.indirect.scatter.add.f32 [tilespmem:s5], [sflag:$0x3], $0x1, s4, s21, $0xb8;
	[tilespmem:$0x14080] =	vst v63  }
0x18f: {  	_ =	swait.ge [sflag:s29], $0x190  }
0x190: {  	s17 =	simm.s32 $0x10370;
	s15 =	simm.s32 $0x0;
	[sflag:s29] =	ssyncset.done $0x0  }
0x191: {  	s4 =	simm.s32 $0x40;
	s16 =	rddreg [dreg:$0x1f];
	[sflag:s29] =	ssyncadd.s32 $0xFFFFFE70  }
0x192: {  	[tilespmem:s17], [sflag:$0x2] =	stream.indirect.gather [spmem:s1], $0x1, s16, s21, $0xb8;
	[tilespmem:$0x14080] =	vst v63  }
.LBB2_32:
0x193: {  	p1 =	sne.s32 s4, $0x600;
	v23 =	vld.idx.msk [tilespmem:v13+s15+$0x0 ss:$0x1], $0xffff  }
0x194: {  	v24 =	vld [tilespmem:s15+$0x101E0];
	_ =	sdelay $0x2  }
.Ltmp15:
0x195: {  	(pc) =	sbr.rel @p1 .LBB2_32-.Ltmp15, $3  }
0x196: {  	_ = 	snop  }
0x197: {  	v23 =	vmul.f32 v24, v23;
	_ =	sdelay $0x1  }
0x198: {  	[tilespmem:s15+$0xDA60] =	vst v23;
	s15 =	sshra.s32 s4, $0x2;
	s4 =	sadd.s32 $0x40, s4  }
0x199: {  	_ =	sdelay $0x3  }
0x19a: {  	v23 =	vld.idx.msk [tilespmem:v13+s15+$0x0 ss:$0x1], $0xffff  }
0x19b: {  	v24 =	vld [tilespmem:s15+$0x101E0];
	_ =	sdelay $0x4  }
0x19c: {  	v23 =	vmul.f32 v24, v23;
	_ =	sdelay $0x1  }
0x19d: {  	s4 =	simm.s32 $0xB2E0;
	s5 =	simm.s32 $0xDA60;
	[tilespmem:s15+$0xDA60] =	vst v23  }
0x19e: {  	[spmem:s2] =	stream.indirect.scatter.add.f32 [tilespmem:s5], [sflag:$0x3], $0x1, s4, s21, $0xb8;
	[tilespmem:$0x14080] =	vst v63  }
0x19f: {  	_ =	swait.ge [sflag:s29], $0x190  }
0x1a0: {  	s16 =	sld [smem:$0x7EB]  }
0x1a1: {  	s17 =	simm.s32 $0x10500;
	[sflag:s29] =	ssyncset.done $0x0  }
0x1a2: {  	s15 =	simm.s32 $0x0;
	s4 =	simm.s32 $0x40;
	[sflag:s29] =	ssyncadd.s32 $0xFFFFFE70  }
0x1a3: {  	[tilespmem:s17], [sflag:$0x2] =	stream.indirect.gather [spmem:s1], $0x1, s16, s21, $0xb8;
	[tilespmem:$0x14080] =	vst v63  }
.LBB2_34:
0x1a4: {  	p1 =	sne.s32 s4, $0x600;
	v23 =	vld.idx.msk [tilespmem:v14+s15+$0x0 ss:$0x1], $0xffff  }
0x1a5: {  	v24 =	vld [tilespmem:s15+$0x10370];
	_ =	sdelay $0x2  }
.Ltmp16:
0x1a6: {  	(pc) =	sbr.rel @p1 .LBB2_34-.Ltmp16, $3  }
0x1a7: {  	_ = 	snop  }
0x1a8: {  	v23 =	vmul.f32 v24, v23;
	_ =	sdelay $0x1  }
0x1a9: {  	[tilespmem:s15+$0xDBF0] =	vst v23;
	s15 =	sshra.s32 s4, $0x2;
	s4 =	sadd.s32 $0x40, s4  }
0x1aa: {  	_ =	sdelay $0x3  }
0x1ab: {  	v23 =	vld.idx.msk [tilespmem:v14+s15+$0x0 ss:$0x1], $0xffff  }
0x1ac: {  	v24 =	vld [tilespmem:s15+$0x10370];
	_ =	sdelay $0x4  }
0x1ad: {  	v23 =	vmul.f32 v24, v23;
	_ =	sdelay $0x1  }
0x1ae: {  	s4 =	simm.s32 $0xB470;
	s5 =	simm.s32 $0xDBF0;
	[tilespmem:s15+$0xDBF0] =	vst v23  }
0x1af: {  	[spmem:s2] =	stream.indirect.scatter.add.f32 [tilespmem:s5], [sflag:$0x3], $0x1, s4, s21, $0xb8;
	[tilespmem:$0x14080] =	vst v63  }
0x1b0: {  	_ =	swait.ge [sflag:s29], $0x190  }
0x1b1: {  	s15 =	sld [smem:$0x7EC]  }
0x1b2: {  	[sflag:s29] =	ssyncset.done $0x0  }
0x1b3: {  	s16 =	simm.s32 $0x10690;
	s17 =	simm.s32 $0x0;
	[sflag:s29] =	ssyncadd.s32 $0xFFFFFE70  }
0x1b4: {  	[tilespmem:s16], [sflag:$0x2] =	stream.indirect.gather [spmem:s1], $0x1, s15, s21, $0xb8;
	[tilespmem:$0x14080] =	vst v63  }
0x1b5: {  	s15 =	sand.u32 $0x1F0, s17  }
0x1b6: {  	s4 =	simm.s32 $0x10;
	s16 =	smov.u32 s31;
	v23 =	vld [tilespmem:s15+$0x10500]  }
.LBB2_36:
0x1b7: {  	p1 =	sne.s32 s4, $0x180;
	v24 =	vld [tilespmem:s16+$0x0];
	_ =	sdelay $0x2  }
.Ltmp17:
0x1b8: {  	(pc) =	sbr.rel @p1 .LBB2_36-.Ltmp17, $4  }
0x1b9: {  	_ = 	snop  }
0x1ba: {  	v24 =	vmul.f32 v23, v24  }
0x1bb: {  	s17 =	sand.u32 $0x1F0, s4  }
0x1bc: {  	s4 =	sadd.s32 $0x10, s4;
	s16 =	sadd.s32 $0x10, s16;
	v23 =	vld [tilespmem:s17+$0x10500];
	[tilespmem:s15+$0xDD80] =	vst v24;
	s15 =	smov.u32 s17  }
0x1bd: {  	v24 =	vld [tilespmem:s16+$0x0];
	_ =	sdelay $0x4  }
0x1be: {  	v23 =	vmul.f32 v23, v24;
	_ =	sdelay $0x1  }
0x1bf: {  	s4 =	simm.s32 $0xB600;
	s5 =	simm.s32 $0xDD80;
	[tilespmem:s15+$0xDD80] =	vst v23  }
0x1c0: {  	[spmem:s2] =	stream.indirect.scatter.add.f32 [tilespmem:s5], [sflag:$0x3], $0x1, s4, s21, $0xb8;
	[tilespmem:$0x14080] =	vst v63  }
0x1c1: {  	_ =	swait.ge [sflag:s29], $0x190  }
0x1c2: {  	s16 =	sld [smem:$0x7ED]  }
0x1c3: {  	s17 =	simm.s32 $0x10820;
	[sflag:s29] =	ssyncset.done $0x0  }
0x1c4: {  	s15 =	simm.s32 $0x0;
	s4 =	simm.s32 $0x40;
	[sflag:s29] =	ssyncadd.s32 $0xFFFFFE70  }
0x1c5: {  	[tilespmem:s17], [sflag:$0x2] =	stream.indirect.gather [spmem:s1], $0x1, s16, s21, $0xb8;
	[tilespmem:$0x14080] =	vst v63  }
.LBB2_38:
0x1c6: {  	p1 =	sne.s32 s4, $0x600;
	v23 =	vld.idx.msk [tilespmem:v15+s15+$0x0 ss:$0x1], $0xffff  }
0x1c7: {  	v24 =	vld [tilespmem:s15+$0x10690];
	_ =	sdelay $0x2  }
.Ltmp18:
0x1c8: {  	(pc) =	sbr.rel @p1 .LBB2_38-.Ltmp18, $3  }
0x1c9: {  	_ = 	snop  }
0x1ca: {  	v23 =	vmul.f32 v24, v23;
	_ =	sdelay $0x1  }
0x1cb: {  	[tilespmem:s15+$0xDF10] =	vst v23;
	s15 =	sshra.s32 s4, $0x2;
	s4 =	sadd.s32 $0x40, s4  }
0x1cc: {  	_ =	sdelay $0x3  }
0x1cd: {  	v23 =	vld.idx.msk [tilespmem:v15+s15+$0x0 ss:$0x1], $0xffff  }
0x1ce: {  	v24 =	vld [tilespmem:s15+$0x10690];
	_ =	sdelay $0x4  }
0x1cf: {  	v23 =	vmul.f32 v24, v23;
	_ =	sdelay $0x1  }
0x1d0: {  	s4 =	simm.s32 $0xB790;
	s5 =	simm.s32 $0xDF10;
	[tilespmem:s15+$0xDF10] =	vst v23  }
0x1d1: {  	[spmem:s2] =	stream.indirect.scatter.add.f32 [tilespmem:s5], [sflag:$0x3], $0x1, s4, s21, $0xb8;
	[tilespmem:$0x14080] =	vst v63  }
0x1d2: {  	_ =	swait.ge [sflag:s29], $0x190  }
0x1d3: {  	s17 =	simm.s32 $0x109B0;
	[sflag:s29] =	ssyncset.done $0x0  }
0x1d4: {  	s15 =	simm.s32 $0x0;
	s4 =	simm.s32 $0x40;
	[sflag:s29] =	ssyncadd.s32 $0xFFFFFE70  }
0x1d5: {  	[tilespmem:s17], [sflag:$0x2] =	stream.indirect.gather [spmem:s1], $0x1, s6, s21, $0xb8;
	[tilespmem:$0x14080] =	vst v63  }
.LBB2_40:
0x1d6: {  	p1 =	sne.s32 s4, $0x600;
	v23 =	vld.idx.msk [tilespmem:v16+s15+$0x0 ss:$0x1], $0xffff  }
0x1d7: {  	v24 =	vld [tilespmem:s15+$0x10820];
	_ =	sdelay $0x2  }
.Ltmp19:
0x1d8: {  	(pc) =	sbr.rel @p1 .LBB2_40-.Ltmp19, $3  }
0x1d9: {  	_ = 	snop  }
0x1da: {  	v23 =	vmul.f32 v24, v23;
	_ =	sdelay $0x1  }
0x1db: {  	[tilespmem:s15+$0xE0A0] =	vst v23;
	s15 =	sshra.s32 s4, $0x2;
	s4 =	sadd.s32 $0x40, s4  }
0x1dc: {  	_ =	sdelay $0x3  }
0x1dd: {  	v23 =	vld.idx.msk [tilespmem:v16+s15+$0x0 ss:$0x1], $0xffff  }
0x1de: {  	v24 =	vld [tilespmem:s15+$0x10820];
	_ =	sdelay $0x4  }
0x1df: {  	v23 =	vmul.f32 v24, v23;
	_ =	sdelay $0x1  }
0x1e0: {  	s4 =	simm.s32 $0xB920;
	s5 =	simm.s32 $0xE0A0;
	[tilespmem:s15+$0xE0A0] =	vst v23  }
0x1e1: {  	[spmem:s2] =	stream.indirect.scatter.add.f32 [tilespmem:s5], [sflag:$0x3], $0x1, s4, s21, $0xb8;
	[tilespmem:$0x14080] =	vst v63  }
0x1e2: {  	_ =	swait.ge [sflag:s29], $0x190  }
0x1e3: {  	s17 =	simm.s32 $0x10B40;
	[sflag:s29] =	ssyncset.done $0x0  }
0x1e4: {  	s15 =	simm.s32 $0x0;
	s4 =	simm.s32 $0x40;
	[sflag:s29] =	ssyncadd.s32 $0xFFFFFE70  }
0x1e5: {  	[tilespmem:s17], [sflag:$0x2] =	stream.indirect.gather [spmem:s1], $0x1, s7, s21, $0xb8;
	[tilespmem:$0x14080] =	vst v63  }
.LBB2_42:
0x1e6: {  	p1 =	sne.s32 s4, $0x600;
	v23 =	vld.idx.msk [tilespmem:v17+s15+$0x0 ss:$0x1], $0xffff  }
0x1e7: {  	v24 =	vld [tilespmem:s15+$0x109B0];
	_ =	sdelay $0x2  }
.Ltmp20:
0x1e8: {  	(pc) =	sbr.rel @p1 .LBB2_42-.Ltmp20, $3  }
0x1e9: {  	_ = 	snop  }
0x1ea: {  	v23 =	vmul.f32 v24, v23;
	_ =	sdelay $0x1  }
0x1eb: {  	[tilespmem:s15+$0xE230] =	vst v23;
	s15 =	sshra.s32 s4, $0x2;
	s4 =	sadd.s32 $0x40, s4  }
0x1ec: {  	_ =	sdelay $0x3  }
0x1ed: {  	v23 =	vld.idx.msk [tilespmem:v17+s15+$0x0 ss:$0x1], $0xffff  }
0x1ee: {  	v24 =	vld [tilespmem:s15+$0x109B0];
	_ =	sdelay $0x4  }
0x1ef: {  	v23 =	vmul.f32 v24, v23;
	_ =	sdelay $0x1  }
0x1f0: {  	s4 =	simm.s32 $0xBAB0;
	s5 =	simm.s32 $0xE230;
	[tilespmem:s15+$0xE230] =	vst v23  }
0x1f1: {  	[spmem:s2] =	stream.indirect.scatter.add.f32 [tilespmem:s5], [sflag:$0x3], $0x1, s4, s21, $0xb8;
	[tilespmem:$0x14080] =	vst v63  }
0x1f2: {  	_ =	swait.ge [sflag:s29], $0x190  }
0x1f3: {  	s17 =	simm.s32 $0x10CD0;
	[sflag:s29] =	ssyncset.done $0x0  }
0x1f4: {  	s15 =	simm.s32 $0x0;
	s4 =	simm.s32 $0x40;
	[sflag:s29] =	ssyncadd.s32 $0xFFFFFE70  }
0x1f5: {  	[tilespmem:s17], [sflag:$0x2] =	stream.indirect.gather [spmem:s1], $0x1, s8, s21, $0xb8;
	[tilespmem:$0x14080] =	vst v63  }
.LBB2_44:
0x1f6: {  	p1 =	sne.s32 s4, $0x600;
	v23 =	vld.idx.msk [tilespmem:v18+s15+$0x0 ss:$0x1], $0xffff  }
0x1f7: {  	v24 =	vld [tilespmem:s15+$0x10B40];
	_ =	sdelay $0x2  }
.Ltmp21:
0x1f8: {  	(pc) =	sbr.rel @p1 .LBB2_44-.Ltmp21, $3  }
0x1f9: {  	_ = 	snop  }
0x1fa: {  	v23 =	vmul.f32 v24, v23;
	_ =	sdelay $0x1  }
0x1fb: {  	[tilespmem:s15+$0xE3C0] =	vst v23;
	s15 =	sshra.s32 s4, $0x2;
	s4 =	sadd.s32 $0x40, s4  }
0x1fc: {  	_ =	sdelay $0x3  }
0x1fd: {  	v23 =	vld.idx.msk [tilespmem:v18+s15+$0x0 ss:$0x1], $0xffff  }
0x1fe: {  	v24 =	vld [tilespmem:s15+$0x10B40];
	_ =	sdelay $0x4  }
0x1ff: {  	v23 =	vmul.f32 v24, v23;
	_ =	sdelay $0x1  }
0x200: {  	s4 =	simm.s32 $0xBC40;
	s5 =	simm.s32 $0xE3C0;
	[tilespmem:s15+$0xE3C0] =	vst v23  }
0x201: {  	[spmem:s2] =	stream.indirect.scatter.add.f32 [tilespmem:s5], [sflag:$0x3], $0x1, s4, s21, $0xb8;
	[tilespmem:$0x14080] =	vst v63  }
0x202: {  	_ =	swait.ge [sflag:s29], $0x190  }
0x203: {  	s17 =	simm.s32 $0x10E60;
	[sflag:s29] =	ssyncset.done $0x0  }
0x204: {  	s15 =	simm.s32 $0x0;
	s4 =	simm.s32 $0x40;
	[sflag:s29] =	ssyncadd.s32 $0xFFFFFE70  }
0x205: {  	[tilespmem:s17], [sflag:$0x2] =	stream.indirect.gather [spmem:s1], $0x1, s10, s21, $0xb8;
	[tilespmem:$0x14080] =	vst v63  }
.LBB2_46:
0x206: {  	p1 =	sne.s32 s4, $0x600;
	v23 =	vld.idx.msk [tilespmem:v19+s15+$0x0 ss:$0x1], $0xffff  }
0x207: {  	v24 =	vld [tilespmem:s15+$0x10CD0];
	_ =	sdelay $0x2  }
.Ltmp22:
0x208: {  	(pc) =	sbr.rel @p1 .LBB2_46-.Ltmp22, $3  }
0x209: {  	_ = 	snop  }
0x20a: {  	v23 =	vmul.f32 v24, v23;
	_ =	sdelay $0x1  }
0x20b: {  	[tilespmem:s15+$0xE550] =	vst v23;
	s15 =	sshra.s32 s4, $0x2;
	s4 =	sadd.s32 $0x40, s4  }
0x20c: {  	_ =	sdelay $0x3  }
0x20d: {  	v23 =	vld.idx.msk [tilespmem:v19+s15+$0x0 ss:$0x1], $0xffff  }
0x20e: {  	v24 =	vld [tilespmem:s15+$0x10CD0];
	_ =	sdelay $0x4  }
0x20f: {  	v23 =	vmul.f32 v24, v23;
	_ =	sdelay $0x1  }
0x210: {  	s4 =	simm.s32 $0xBDD0;
	s5 =	simm.s32 $0xE550;
	[tilespmem:s15+$0xE550] =	vst v23  }
0x211: {  	[spmem:s2] =	stream.indirect.scatter.add.f32 [tilespmem:s5], [sflag:$0x3], $0x1, s4, s21, $0xb8;
	[tilespmem:$0x14080] =	vst v63  }
0x212: {  	_ =	swait.ge [sflag:s29], $0x190  }
0x213: {  	s17 =	simm.s32 $0x10FF0;
	[sflag:s29] =	ssyncset.done $0x0  }
0x214: {  	s15 =	simm.s32 $0x0;
	s4 =	simm.s32 $0x40;
	[sflag:s29] =	ssyncadd.s32 $0xFFFFFE70  }
0x215: {  	[tilespmem:s17], [sflag:$0x2] =	stream.indirect.gather [spmem:s1], $0x1, s11, s21, $0xb8;
	[tilespmem:$0x14080] =	vst v63  }
.LBB2_48:
0x216: {  	p1 =	sne.s32 s4, $0x600;
	v23 =	vld.idx.msk [tilespmem:v20+s15+$0x0 ss:$0x1], $0xffff  }
0x217: {  	v24 =	vld [tilespmem:s15+$0x10E60];
	_ =	sdelay $0x2  }
.Ltmp23:
0x218: {  	(pc) =	sbr.rel @p1 .LBB2_48-.Ltmp23, $3  }
0x219: {  	_ = 	snop  }
0x21a: {  	v23 =	vmul.f32 v24, v23;
	_ =	sdelay $0x1  }
0x21b: {  	[tilespmem:s15+$0xE6E0] =	vst v23;
	s15 =	sshra.s32 s4, $0x2;
	s4 =	sadd.s32 $0x40, s4  }
0x21c: {  	_ =	sdelay $0x3  }
0x21d: {  	v23 =	vld.idx.msk [tilespmem:v20+s15+$0x0 ss:$0x1], $0xffff  }
0x21e: {  	v24 =	vld [tilespmem:s15+$0x10E60];
	_ =	sdelay $0x4  }
0x21f: {  	v23 =	vmul.f32 v24, v23;
	_ =	sdelay $0x1  }
0x220: {  	s4 =	simm.s32 $0xBF60;
	s5 =	simm.s32 $0xE6E0;
	[tilespmem:s15+$0xE6E0] =	vst v23  }
0x221: {  	[spmem:s2] =	stream.indirect.scatter.add.f32 [tilespmem:s5], [sflag:$0x3], $0x1, s4, s21, $0xb8;
	[tilespmem:$0x14080] =	vst v63  }
0x222: {  	_ =	swait.ge [sflag:s29], $0x190  }
0x223: {  	s17 =	simm.s32 $0x11180;
	[sflag:s29] =	ssyncset.done $0x0  }
0x224: {  	s15 =	simm.s32 $0x0;
	s4 =	simm.s32 $0x40;
	[sflag:s29] =	ssyncadd.s32 $0xFFFFFE70  }
0x225: {  	[tilespmem:s17], [sflag:$0x2] =	stream.indirect.gather [spmem:s1], $0x1, s13, s21, $0xb8;
	[tilespmem:$0x14080] =	vst v63  }
.LBB2_50:
0x226: {  	p1 =	sne.s32 s4, $0x600;
	v23 =	vld.idx.msk [tilespmem:v21+s15+$0x0 ss:$0x1], $0xffff  }
0x227: {  	v24 =	vld [tilespmem:s15+$0x10FF0];
	_ =	sdelay $0x2  }
.Ltmp24:
0x228: {  	(pc) =	sbr.rel @p1 .LBB2_50-.Ltmp24, $3  }
0x229: {  	_ = 	snop  }
0x22a: {  	v23 =	vmul.f32 v24, v23;
	_ =	sdelay $0x1  }
0x22b: {  	[tilespmem:s15+$0xE870] =	vst v23;
	s15 =	sshra.s32 s4, $0x2;
	s4 =	sadd.s32 $0x40, s4  }
0x22c: {  	_ =	sdelay $0x3  }
0x22d: {  	v23 =	vld.idx.msk [tilespmem:v21+s15+$0x0 ss:$0x1], $0xffff  }
0x22e: {  	v24 =	vld [tilespmem:s15+$0x10FF0];
	_ =	sdelay $0x4  }
0x22f: {  	v23 =	vmul.f32 v24, v23;
	_ =	sdelay $0x1  }
0x230: {  	s4 =	simm.s32 $0xC0F0;
	s5 =	simm.s32 $0xE870;
	[tilespmem:s15+$0xE870] =	vst v23  }
0x231: {  	[spmem:s2] =	stream.indirect.scatter.add.f32 [tilespmem:s5], [sflag:$0x3], $0x1, s4, s21, $0xb8;
	[tilespmem:$0x14080] =	vst v63  }
0x232: {  	_ =	swait.ge [sflag:s29], $0x190  }
0x233: {  	s17 =	simm.s32 $0x0;
	[sflag:s29] =	ssyncset.done $0x0  }
0x234: {  	s15 =	sand.u32 $0x1F0, s17;
	[sflag:s29] =	ssyncadd.s32 $0xFFFFFE70  }
0x235: {  	s16 =	smov.u32 s12;
	s4 =	simm.s32 $0x10;
	v23 =	vld [tilespmem:s15+$0x11180]  }
.LBB2_52:
0x236: {  	p1 =	sne.s32 s4, $0x180;
	v24 =	vld [tilespmem:s16+$0x0];
	_ =	sdelay $0x2  }
.Ltmp25:
0x237: {  	(pc) =	sbr.rel @p1 .LBB2_52-.Ltmp25, $4  }
0x238: {  	_ = 	snop  }
0x239: {  	v24 =	vmul.f32 v23, v24  }
0x23a: {  	s17 =	sand.u32 $0x1F0, s4  }
0x23b: {  	s4 =	sadd.s32 $0x10, s4;
	s16 =	sadd.s32 $0x10, s16;
	v23 =	vld [tilespmem:s17+$0x11180];
	[tilespmem:s15+$0xEA00] =	vst v24;
	s15 =	smov.u32 s17  }
0x23c: {  	v24 =	vld [tilespmem:s16+$0x0];
	_ =	sdelay $0x4  }
0x23d: {  	v23 =	vmul.f32 v23, v24;
	_ =	sdelay $0x1  }
0x23e: {  	s4 =	simm.s32 $0xC280;
	s5 =	simm.s32 $0xEA00;
	[tilespmem:s15+$0xEA00] =	vst v23  }
0x23f: {  	[spmem:s2] =	stream.indirect.scatter.add.f32 [tilespmem:s5], [sflag:$0x3], $0x1, s4, s21, $0xb8;
	[tilespmem:$0x14080] =	vst v63  }
0x240: {  	_ =	swait.ge [sflag:s30], $0x190  }
0x241: {  	[sflag:s30] =	ssyncset.done $0x0  }
0x242: {  	[sflag:s30] =	ssyncadd.s32 $0xFFFFFE70  }
0x243: {  	_ =	swait.ge [sflag:s30], $0x190  }
0x244: {  	[sflag:s30] =	ssyncset.done $0x0  }
0x245: {  	[sflag:s30] =	ssyncadd.s32 $0xFFFFFE70  }
0x246: {  	_ =	swait.ge [sflag:s30], $0x190  }
0x247: {  	[sflag:s30] =	ssyncset.done $0x0  }
0x248: {  	[sflag:s30] =	ssyncadd.s32 $0xFFFFFE70  }
0x249: {  	_ =	swait.ge [sflag:s30], $0x190  }
0x24a: {  	[sflag:s30] =	ssyncset.done $0x0  }
0x24b: {  	[sflag:s30] =	ssyncadd.s32 $0xFFFFFE70  }
0x24c: {  	_ =	swait.ge [sflag:s30], $0x190  }
0x24d: {  	[sflag:s30] =	ssyncset.done $0x0  }
0x24e: {  	[sflag:s30] =	ssyncadd.s32 $0xFFFFFE70  }
0x24f: {  	_ =	swait.ge [sflag:s30], $0x190  }
0x250: {  	[sflag:s30] =	ssyncset.done $0x0  }
0x251: {  	[sflag:s30] =	ssyncadd.s32 $0xFFFFFE70  }
0x252: {  	_ =	swait.ge [sflag:s30], $0x190  }
0x253: {  	[sflag:s30] =	ssyncset.done $0x0  }
0x254: {  	[sflag:s30] =	ssyncadd.s32 $0xFFFFFE70  }
0x255: {  	_ =	swait.ge [sflag:s30], $0x190  }
0x256: {  	[sflag:s30] =	ssyncset.done $0x0  }
0x257: {  	[sflag:s30] =	ssyncadd.s32 $0xFFFFFE70  }
0x258: {  	_ =	swait.ge [sflag:s30], $0x190  }
0x259: {  	[sflag:s30] =	ssyncset.done $0x0  }
0x25a: {  	[sflag:s30] =	ssyncadd.s32 $0xFFFFFE70  }
0x25b: {  	_ =	swait.ge [sflag:s30], $0x190  }
0x25c: {  	[sflag:s30] =	ssyncset.done $0x0  }
0x25d: {  	[sflag:s30] =	ssyncadd.s32 $0xFFFFFE70  }
0x25e: {  	_ =	swait.ge [sflag:s30], $0x190  }
0x25f: {  	[sflag:s30] =	ssyncset.done $0x0  }
0x260: {  	[sflag:s30] =	ssyncadd.s32 $0xFFFFFE70  }
0x261: {  	_ =	swait.ge [sflag:s30], $0x190  }
0x262: {  	[sflag:s30] =	ssyncset.done $0x0  }
0x263: {  	[sflag:s30] =	ssyncadd.s32 $0xFFFFFE70  }
0x264: {  	_ =	swait.ge [sflag:s30], $0x190  }
0x265: {  	[sflag:s30] =	ssyncset.done $0x0  }
0x266: {  	[sflag:s30] =	ssyncadd.s32 $0xFFFFFE70  }
0x267: {  	_ =	swait.ge [sflag:s30], $0x190  }
0x268: {  	[sflag:s30] =	ssyncset.done $0x0  }
0x269: {  	[sflag:s30] =	ssyncadd.s32 $0xFFFFFE70  }
0x26a: {  	_ =	swait.ge [sflag:s30], $0x190  }
0x26b: {  	[sflag:s30] =	ssyncset.done $0x0  }
0x26c: {  	[sflag:s30] =	ssyncadd.s32 $0xFFFFFE70  }
0x26d: {  	_ =	swait.ge [sflag:s30], $0x190  }
0x26e: {  	[sflag:s30] =	ssyncset.done $0x0  }
0x26f: {  	[sflag:s30] =	ssyncadd.s32 $0xFFFFFE70  }
0x270: {  	_ =	swait.ge [sflag:s30], $0x190  }
0x271: {  	[sflag:s30] =	ssyncset.done $0x0  }
0x272: {  	[sflag:s30] =	ssyncadd.s32 $0xFFFFFE70  }
0x273: {  	_ =	swait.ge [sflag:s30], $0x190  }
0x274: {  	[sflag:s30] =	ssyncset.done $0x0  }
0x275: {  	[sflag:s30] =	ssyncadd.s32 $0xFFFFFE70  }
0x276: {  	_ =	swait.ge [sflag:s30], $0x190  }
0x277: {  	[sflag:s30] =	ssyncset.done $0x0  }
0x278: {  	[sflag:s30] =	ssyncadd.s32 $0xFFFFFE70  }
0x279: {  	_ =	swait.ge [sflag:s30], $0x190  }
0x27a: {  	[sflag:s30] =	ssyncset.done $0x0  }
0x27b: {  	[sflag:s30] =	ssyncadd.s32 $0xFFFFFE70  }
0x27c: {  	_ =	swait.ge [sflag:s30], $0x190  }
0x27d: {  	[sflag:s30] =	ssyncset.done $0x0  }
0x27e: {  	[sflag:s30] =	ssyncadd.s32 $0xFFFFFE70  }
0x27f: {  	_ =	swait.ge [sflag:s30], $0x190  }
0x280: {  	[sflag:s30] =	ssyncset.done $0x0  }
0x281: {  	[sflag:s30] =	ssyncadd.s32 $0xFFFFFE70  }
0x282: {  	_ =	swait.ge [sflag:s30], $0x190  }
0x283: {  	[sflag:s30] =	ssyncset.done $0x0  }
0x284: {  	[sflag:s30] =	ssyncadd.s32 $0xFFFFFE70  }
0x285: {  	_ =	swait.ge [sflag:s30], $0x190  }
0x286: {  	[sflag:s30] =	ssyncset.done $0x0  }
0x287: {  	[sflag:s30] =	ssyncadd.s32 $0xFFFFFE70  }
0x288: {  	_ =	swait.ge [sflag:s30], $0x190  }
0x289: {  	[sflag:s30] =	ssyncset.done $0x0  }
0x28a: {  	[sflag:s30] =	ssyncadd.s32 $0xFFFFFE70  }
0x28b: {  	s15 =	simm.s32 @!p0 $0xA;
	s4 =	simm.s32 @!p0 $0x11380;
	[bflag:$0x0] =	sbarrier.arrive $0xFFFF  }
0x28c: {  	[tilespmem:s4], [sflag:$0xA] =	stream.linear.gather @!p0 [spmem:s2], $0x2800, $0x38;
	[tilespmem:$0x14080] =	vst v63  }
0x28d: {  	_ =	swait.ge @!p0 [sflag:s15], $0x2800  }
0x28e: {  	s16 =	simm.s32 @!p0 $0x80;
	[sflag:s15] =	ssyncset.done @!p0 $0x0  }
0x28f: {  	s17 =	simm.s32 @!p0 $0x100;
	s5 =	rddreg [dreg:$0x13];
	[sflag:s15] =	ssyncadd.s32 @!p0 $0xFFFFD800  }
0x290: {  	[hbm4b:s5+s16] =	stream.strided.scatter @!p0 [tilespmem:s4], [sflag:$0xA], $0x2800, s17, s16, $0x38;
	[tilespmem:$0x14080] =	vst v63  }
0x291: {  	_ =	swait.ge @!p0 [sflag:s15], $0x2800  }
0x292: {  	s0 =	sadd.s32 $0x1, s0;
	s17 =	rddreg [dreg:$0x14]  }
0x293: {  	p1 =	sne.s32 s0, s17  }
.Ltmp26:
0x294: {  	_ = 	snop;
	(pc) =	sbr.rel @p1 .LBB2_1-.Ltmp26, $3  }
0x295: {  	_ =	sdelay $0x1  }
0x296: {  	[sflag:s15] =	ssyncset.done @!p0 $0x0  }
0x297: {  	[sflag:s15] =	ssyncadd.s32 @!p0 $0xFFFFD800;
	s17 =	simm.s32 $0x9D00  }
0x298: {  	_ =	sfence.sel $0x180000  }
0x299: {  	[bflag:$0x0] =	sbarrier.arrive $0xFFFF  }
0x29a: {  	_ =	strace $0x90000047  }
0x29b: {  	[bflag:$0x2] =	sbarrier.arrive $0xFFFF  }
0x29c: {  	s0 =	rddreg [dreg:$0x6]  }
0x29d: {  	s0 =	sadd.s32 @!p0 $0x100000, s0  }
0x29e: {  	[sflag:s0] =	ssyncadd.tile.s32 @!p0 $0x1;
	_ =	shalt  }
.Lfunc_end2:
_tile_overlayer_lowered:
.L_overlay_start_2:
0x29f: {  	(tag) =	ssettag $0x2  }
0x2a0: {  	s0 =	rddreg [dreg:$0x0];
	s2 =	stileid.u32  }
0x2a1: {  	s1 =	rddreg [dreg:$0x1];
	p0 =	sne.s32 s2, $0x0  }
0x2a2: {  	s3 =	rddreg [dreg:$0x2];
	[bflag:$0x3] =	sbarrier.arrive $0xFFFF;
	s2 =	simm.s32 @!p0 $0x1C0A  }
0x2a3: {  	[timem:s3], [sflag:s2] =	dma.local @!p0 [hbm:s0], s1  }
0x2a4: {  	s0 =	simm.s32 @!p0 $0xA  }
0x2a5: {  	_ =	swait.ge @!p0 [sflag:s0], s1  }
0x2a6: {  	s1 =	ssub.s32 @!p0 $0x0, s1;
	[sflag:s0] =	ssyncset.done @!p0 $0x0  }
0x2a7: {  	[sflag:s0] =	ssyncadd.s32 @!p0 s1  }
0x2a8: {  	[bflag:$0x3] =	sbarrier.arrive $0xFFFF  }
0x2a9: {  	_ =	shalt  }

</sc_bundles>
